<compile_context>
chip_gen: v7x
topology: tpu7x:2x2x1
jax: 0.10.2.dev20260603
libtpu: 0.0.44.dev20260713+nightly
codegen_flags: <defaults>
</compile_context>

<pallas_src>
import functools

import jax
import jax.numpy as jnp
from jax import lax
from jax.experimental import pallas as pl
from jax.experimental.pallas import tpu as pltpu
from jax.experimental.pallas import tpu_sc as plsc

N = 16384
D = 2048
N_TC = 10240
N_SC = N - N_TC
ROWS = 256
FROWS = 256
JB = 1024
B = 512

NW = 32
RPW = N_SC // NW
CH = 8
NCHUNK = RPW // CH

MAX_EPOCH = 100
CURRENT_EPOCH = 10
_WF = 2.0 - CURRENT_EPOCH * (2.0 / (MAX_EPOCH - 1))
_WL = 2.0 - _WF
_STEP = (_WF - _WL) / (N - 1)


def _make_sc_norm():
    mesh = plsc.VectorSubcoreMesh(core_axis_name="c", subcore_axis_name="s")

    @functools.partial(
        pl.kernel, mesh=mesh,
        out_type=jax.ShapeDtypeStruct((N_SC, 16), jnp.float32),
        scratch_types=[
            pltpu.VMEM((2, CH, D), jnp.float32),
            pltpu.VMEM((RPW, 16), jnp.float32),
            pltpu.SemaphoreType.DMA,
            pltpu.SemaphoreType.DMA,
        ],
    )
    def sc_norm(g_hbm, out_hbm, bufs, outbuf, sem0, sem1):
        wid = lax.axis_index("s") * 2 + lax.axis_index("c")
        base = wid * RPW
        sems = (sem0, sem1)

        def copy_in(k, slot):
            return pltpu.make_async_copy(
                g_hbm.at[pl.ds(N_TC + base + k * CH, CH)],
                bufs.at[slot], sems[slot])

        def compute(k, slot):
            def row_body(r, carry):
                accs = [jnp.zeros((16,), jnp.float32) for _ in range(4)]
                for c in range(D // 16):
                    v = bufs[slot, r, pl.ds(c * 16, 16)]
                    accs[c % 4] = accs[c % 4] + v * v
                outbuf[k * CH + r, :] = (accs[0] + accs[1]) + (accs[2] + accs[3])
                return carry
            lax.fori_loop(0, CH, row_body, 0)

        copy_in(0, 0).start()

        def outer(g, carry):
            k0 = g * 2

            @pl.when(k0 + 1 < NCHUNK)
            def _():
                copy_in(k0 + 1, 1).start()

            copy_in(k0, 0).wait()
            compute(k0, 0)

            @pl.when(k0 + 2 < NCHUNK)
            def _():
                copy_in(k0 + 2, 0).start()

            copy_in(k0 + 1, 1).wait()
            compute(k0 + 1, 1)
            return carry

        lax.fori_loop(0, NCHUNK // 2, outer, 0)
        pltpu.sync_copy(outbuf, out_hbm.at[pl.ds(base, RPW)])

    return sc_norm


def _norm_kernel(loss_ref, g_ref, d_ref, dmin_ref, dmax_ref):
    x = g_ref[...]
    ss = jnp.sum(x * x, axis=1, keepdims=True)
    d = 0.5 * loss_ref[...] + 0.5 * jnp.sqrt(ss)
    d_ref[...] = d

    @pl.when(pl.program_id(0) == 0)
    def _():
        dmin_ref[...] = jnp.full((1, 1), jnp.inf, jnp.float32)
        dmax_ref[...] = jnp.full((1, 1), -jnp.inf, jnp.float32)

    dmin_ref[...] = jnp.minimum(dmin_ref[...], jnp.min(d).reshape(1, 1))
    dmax_ref[...] = jnp.maximum(dmax_ref[...], jnp.max(d).reshape(1, 1))


def _finish_kernel(loss_ref, p_ref, dmin_tc_ref, dmax_tc_ref,
                   d_ref, dmin_ref, dmax_ref):
    ss = jnp.sum(p_ref[...], axis=1, keepdims=True)
    d = 0.5 * loss_ref[...] + 0.5 * jnp.sqrt(ss)
    d_ref[...] = d

    @pl.when(pl.program_id(0) == 0)
    def _():
        dmin_ref[...] = dmin_tc_ref[...]
        dmax_ref[...] = dmax_tc_ref[...]

    dmin_ref[...] = jnp.minimum(dmin_ref[...], jnp.min(d).reshape(1, 1))
    dmax_ref[...] = jnp.maximum(dmax_ref[...], jnp.max(d).reshape(1, 1))


def _rank_kernel(dcol_ref, lrow_ref, dmin_ref, dmax_ref, out_ref,
                 c1_ref, c2_ref, m1_ref, m2_ref):
    i = pl.program_id(0)
    dmin = dmin_ref[0, 0]
    dmax = dmax_ref[0, 0]
    w = jnp.maximum(dmax - dmin, 1e-30) * (1.0 / B)
    bidx = jax.lax.broadcasted_iota(jnp.int32, (1, B), 1).astype(jnp.float32)
    bnd = dmin + bidx * w

    d = dcol_ref[...]
    lhs = jnp.concatenate(
        [jnp.ones((1, JB), jnp.float32), lrow_ref[...]], axis=0)
    mask1 = jnp.where(d >= bnd, 1.0, 0.0).astype(jnp.float32)
    mask2 = jnp.where(d >= bnd + w, 1.0, 0.0).astype(jnp.float32)
    r1 = jnp.dot(lhs, mask1, preferred_element_type=jnp.float32)
    r2 = jnp.dot(lhs, mask2, preferred_element_type=jnp.float32)

    @pl.when(i == 0)
    def _():
        c1_ref[...] = jnp.zeros_like(c1_ref)
        c2_ref[...] = jnp.zeros_like(c2_ref)
        m1_ref[...] = jnp.zeros_like(m1_ref)
        m2_ref[...] = jnp.zeros_like(m2_ref)

    c1_ref[...] += r1[0:1, :]
    m1_ref[...] += r1[1:2, :]
    c2_ref[...] += r2[0:1, :]
    m2_ref[...] += r2[1:2, :]

    @pl.when(i == pl.num_programs(0) - 1)
    def _():
        h = c1_ref[...] - c2_ref[...]
        lm2 = m2_ref[...]
        lb = m1_ref[...] - m2_ref[...]
        ans = jnp.sum(h * lm2) + jnp.sum(lb * (h - 1.0) * 0.5)
        total_loss = m1_ref[0, 0]
        out_ref[...] = ((_WF * total_loss - _STEP * ans) * (1.0 / N)
                        ).reshape(1, 1)


def kernel(loss, gradients):
    partials = _make_sc_norm()(gradients)

    lcol = loss.reshape(N, 1)
    dcol_tc, dmin_tc, dmax_tc = pl.pallas_call(
        _norm_kernel,
        grid=(N_TC // ROWS,),
        in_specs=[
            pl.BlockSpec((ROWS, 1), lambda i: (i, 0)),
            pl.BlockSpec((ROWS, D), lambda i: (i, 0)),
        ],
        out_specs=[
            pl.BlockSpec((ROWS, 1), lambda i: (i, 0)),
            pl.BlockSpec((1, 1), lambda i: (0, 0)),
            pl.BlockSpec((1, 1), lambda i: (0, 0)),
        ],
        out_shape=[
            jax.ShapeDtypeStruct((N_TC, 1), jnp.float32),
            jax.ShapeDtypeStruct((1, 1), jnp.float32),
            jax.ShapeDtypeStruct((1, 1), jnp.float32),
        ],
    )(lcol[:N_TC], gradients)

    dcol_sc, dmin, dmax = pl.pallas_call(
        _finish_kernel,
        grid=(N_SC // FROWS,),
        in_specs=[
            pl.BlockSpec((FROWS, 1), lambda i: (i, 0)),
            pl.BlockSpec((FROWS, 16), lambda i: (i, 0)),
            pl.BlockSpec((1, 1), lambda i: (0, 0)),
            pl.BlockSpec((1, 1), lambda i: (0, 0)),
        ],
        out_specs=[
            pl.BlockSpec((FROWS, 1), lambda i: (i, 0)),
            pl.BlockSpec((1, 1), lambda i: (0, 0)),
            pl.BlockSpec((1, 1), lambda i: (0, 0)),
        ],
        out_shape=[
            jax.ShapeDtypeStruct((N_SC, 1), jnp.float32),
            jax.ShapeDtypeStruct((1, 1), jnp.float32),
            jax.ShapeDtypeStruct((1, 1), jnp.float32),
        ],
    )(lcol[N_TC:], partials, dmin_tc, dmax_tc)

    dcol = jnp.concatenate([dcol_tc, dcol_sc], axis=0)

    lrow = loss.reshape(1, N)
    out = pl.pallas_call(
        _rank_kernel,
        grid=(N // JB,),
        in_specs=[
            pl.BlockSpec((JB, 1), lambda i: (i, 0)),
            pl.BlockSpec((1, JB), lambda i: (0, i)),
            pl.BlockSpec((1, 1), lambda i: (0, 0)),
            pl.BlockSpec((1, 1), lambda i: (0, 0)),
        ],
        out_specs=pl.BlockSpec((1, 1), lambda i: (0, 0)),
        out_shape=jax.ShapeDtypeStruct((1, 1), jnp.float32),
        scratch_shapes=[
            pltpu.VMEM((1, B), jnp.float32),
            pltpu.VMEM((1, B), jnp.float32),
            pltpu.VMEM((1, B), jnp.float32),
            pltpu.VMEM((1, B), jnp.float32),
        ],
    )(dcol, lrow, dmin, dmax)

    return out[0, 0], dcol[:, 0]

# --- scband reference (transcript-rebuilt; emitter-appended) ---
"""Pipeline reference for scband-symmetric-self-paced-learning-11407433138209 (READ-ONLY COPY).

The authoritative reference and input builder live on the scoring server;
editing this copy changes nothing except your own understanding.
"""

import jax, jax.numpy as jnp
import numpy as np

MAX_EPOCH = 100
CURRENT_EPOCH = 10
DIFFICULTY_TYPE = "LGDM"


def setup_inputs(seed: int = 0):
    key = jax.random.key(seed)
    k1, k2 = jax.random.split(key)
    loss = jax.random.uniform(k1, (16384,), dtype=jnp.float32)
    gradients = jax.random.normal(k2, (16384, 2048), dtype=jnp.float32)
    return {"loss": loss, "gradients": gradients}


def compute_gradients_length(gradients):
    # per-example L2 norm of the flattened gradient (channel=False path)
    flat = gradients.reshape(gradients.shape[0], -1)
    return jnp.sqrt(jnp.sum(flat * flat, axis=1))


def reference(loss, gradients):
    epoch_step_size = 2.0 / (MAX_EPOCH - 1)
    weight_first = 2.0 - CURRENT_EPOCH * epoch_step_size
    weight_last = 2.0 - weight_first

    # torch version detaches via .cpu().numpy() -> stop_gradient
    gradients_length = jax.lax.stop_gradient(compute_gradients_length(gradients))

    if DIFFICULTY_TYPE == "loss":
        example_difficulty = loss
    elif DIFFICULTY_TYPE == "gradients":
        example_difficulty = gradients_length
    elif DIFFICULTY_TYPE == "LGDM":
        example_difficulty = 0.5 * loss + 0.5 * gradients_length
    else:
        raise NotImplementedError

    n = example_difficulty.shape[0]
    batch_step_size = (weight_first - weight_last) / (n - 1)
    indices = jnp.argsort(example_difficulty)
    vals = weight_first - batch_step_size * jnp.arange(n, dtype=example_difficulty.dtype)
    weight_matrix = jnp.zeros_like(example_difficulty).at[indices].set(vals)

    weighted = loss * weight_matrix
    out = jnp.mean(weighted)
    return out, example_difficulty

if __name__ == "__main__":
    import jax
    _d = setup_inputs()
    print(jax.jit(kernel)(*tuple(_d.values())))

</pallas_src>

<mosaic_0001>
#map = affine_map<(d0, d1) -> (0, 0)>
module attributes {stable_mosaic.version = 14 : i64} {
  func.func @sc_norm(%arg0: i32, %arg1: i32, %arg2: memref<16384x2048xf32, #tpu.memory_space<hbm>>, %arg3: memref<6144x16xf32, #tpu.memory_space<hbm>>, %arg4: memref<2x8x2048xf32, #tpu.memory_space<vmem>>, %arg5: memref<192x16xf32, #tpu.memory_space<vmem>>, %arg6: memref<!tpu.dma_semaphore, #tpu.memory_space<semaphore_mem>>, %arg7: memref<!tpu.dma_semaphore, #tpu.memory_space<semaphore_mem>>) attributes {dimension_semantics = [#tpu.dimension_semantics<core_parallel>, #tpu.dimension_semantics<subcore_parallel>], iteration_bounds = array<i64: 2, 16>, scalar_prefetch = 0 : i64, scratch_operands = 4 : i64, tpu.core_type = #tpu.core_type<sc_vector_subcore>, window_params = [{transform_indices = #map}, {transform_indices = #map}]} {
    %mul3A = arith.constant 2 : i32
    %mul3A_0 = arith.muli %arg1, %mul3A : i32
    %add3A = arith.addi %mul3A_0, %arg0 : i32
    %mul3A_1 = arith.constant 192 : i32
    %mul3A_2 = arith.muli %add3A, %mul3A_1 : i32
    %add3A_3 = arith.constant 10240 : i32
    %add3A_4 = arith.addi %add3A_3, %mul3A_2 : i32
    %add3A_5 = arith.constant 0 : i32
    %add3A_6 = arith.addi %add3A_4, %add3A_5 : i32
    %dma_start3A = arith.constant 0 : i32
    %dma_start3A_7 = arith.constant 0 : i32
    %dma_start3A_8 = arith.constant 0 : i32
    %dma_start3A_9 = tpu.memref_slice %arg4[%dma_start3A, %dma_start3A_7, %dma_start3A_8] : memref<2x8x2048xf32, #tpu.memory_space<vmem>> -> memref<1x8x2048xf32, #tpu.memory_space<vmem>>
    %dma_start3A_10 = tpu.memref_squeeze %dma_start3A_9 : memref<1x8x2048xf32, #tpu.memory_space<vmem>> -> memref<8x2048xf32, #tpu.memory_space<vmem>>
    %dma_start3A_11 = arith.constant 0 : i32
    %dma_start3A_12 = tpu.memref_slice %arg2[%add3A_6, %dma_start3A_11] : memref<16384x2048xf32, #tpu.memory_space<hbm>> -> memref<8x2048xf32, #tpu.memory_space<hbm>>
    %dma_start3A_13 = arith.constant 0 : i32
    %dma_start3A_14 = arith.constant 0 : i32
    %dma_start3A_15 = tpu.memref_slice %arg4[%dma_start3A, %dma_start3A_13, %dma_start3A_14] : memref<2x8x2048xf32, #tpu.memory_space<vmem>> -> memref<1x8x2048xf32, #tpu.memory_space<vmem>>
    %dma_start3A_16 = tpu.memref_squeeze %dma_start3A_15 : memref<1x8x2048xf32, #tpu.memory_space<vmem>> -> memref<8x2048xf32, #tpu.memory_space<vmem>>
    %dma_start3A_17 = arith.constant 0 : i32
    %dma_start3A_18 = tpu.memref_slice %arg2[%add3A_6, %dma_start3A_17] : memref<16384x2048xf32, #tpu.memory_space<hbm>> -> memref<8x2048xf32, #tpu.memory_space<hbm>>
    tpu.enqueue_dma source(%dma_start3A_18 : memref<8x2048xf32, #tpu.memory_space<hbm>>) target(%dma_start3A_16 : memref<8x2048xf32, #tpu.memory_space<vmem>>) target_semaphore(%arg6 : memref<!tpu.dma_semaphore, #tpu.memory_space<semaphore_mem>>)
    %scan3A = arith.constant 0 : i32
    %scan3A_19 = arith.constant 0 : i32
    %scan3A_20 = arith.constant 12 : i32
    %scan3A_21 = arith.addi %scan3A_19, %scan3A_20 : i32
    %scan3A_22 = arith.constant 1 : i32
    scf.for %scan3A_24 = %scan3A_19 to %scan3A_21 step %scan3A_22  : i32 {
      %mul3A_25 = arith.constant 2 : i32
      %mul3A_26 = arith.muli %scan3A_24, %mul3A_25 : i32
      %add3A_27 = arith.constant 1 : i32
      %add3A_28 = arith.addi %mul3A_26, %add3A_27 : i32
      %lt3A = arith.constant 24 : i32
      %lt3A_29 = arith.cmpi slt, %add3A_28, %lt3A : i32
      %convert_element_type3A = arith.extui %lt3A_29 : i1 to i32
      %cond3A = arith.constant 0 : i32
      %cond3A_30 = arith.cmpi ne, %convert_element_type3A, %cond3A : i32
      scf.if %cond3A_30 {
        %add3A_89 = arith.constant 1 : i32
        %add3A_90 = arith.addi %mul3A_26, %add3A_89 : i32
        %add3A_91 = arith.constant 10240 : i32
        %add3A_92 = arith.addi %add3A_91, %mul3A_2 : i32
        %mul3A_93 = arith.constant 8 : i32
        %mul3A_94 = arith.muli %add3A_90, %mul3A_93 : i32
        %add3A_95 = arith.addi %add3A_92, %mul3A_94 : i32
        %dma_start3A_96 = arith.constant 1 : i32
        %dma_start3A_97 = arith.constant 0 : i32
        %dma_start3A_98 = arith.constant 0 : i32
        %dma_start3A_99 = tpu.memref_slice %arg4[%dma_start3A_96, %dma_start3A_97, %dma_start3A_98] : memref<2x8x2048xf32, #tpu.memory_space<vmem>> -> memref<1x8x2048xf32, #tpu.memory_space<vmem>>
        %dma_start3A_100 = tpu.memref_squeeze %dma_start3A_99 : memref<1x8x2048xf32, #tpu.memory_space<vmem>> -> memref<8x2048xf32, #tpu.memory_space<vmem>>
        %dma_start3A_101 = arith.constant 0 : i32
        %dma_start3A_102 = tpu.memref_slice %arg2[%add3A_95, %dma_start3A_101] : memref<16384x2048xf32, #tpu.memory_space<hbm>> -> memref<8x2048xf32, #tpu.memory_space<hbm>>
        %dma_start3A_103 = arith.constant 0 : i32
        %dma_start3A_104 = arith.constant 0 : i32
        %dma_start3A_105 = tpu.memref_slice %arg4[%dma_start3A_96, %dma_start3A_103, %dma_start3A_104] : memref<2x8x2048xf32, #tpu.memory_space<vmem>> -> memref<1x8x2048xf32, #tpu.memory_space<vmem>>
        %dma_start3A_106 = tpu.memref_squeeze %dma_start3A_105 : memref<1x8x2048xf32, #tpu.memory_space<vmem>> -> memref<8x2048xf32, #tpu.memory_space<vmem>>
        %dma_start3A_107 = arith.constant 0 : i32
        %dma_start3A_108 = tpu.memref_slice %arg2[%add3A_95, %dma_start3A_107] : memref<16384x2048xf32, #tpu.memory_space<hbm>> -> memref<8x2048xf32, #tpu.memory_space<hbm>>
        tpu.enqueue_dma source(%dma_start3A_108 : memref<8x2048xf32, #tpu.memory_space<hbm>>) target(%dma_start3A_106 : memref<8x2048xf32, #tpu.memory_space<vmem>>) target_semaphore(%arg7 : memref<!tpu.dma_semaphore, #tpu.memory_space<semaphore_mem>>)
      } else {
      }
      %add3A_31 = arith.constant 10240 : i32
      %add3A_32 = arith.addi %add3A_31, %mul3A_2 : i32
      %mul3A_33 = arith.constant 8 : i32
      %mul3A_34 = arith.muli %mul3A_26, %mul3A_33 : i32
      %add3A_35 = arith.addi %add3A_32, %mul3A_34 : i32
      %dma_wait3A = arith.constant 0 : i32
      %dma_wait3A_36 = arith.constant 0 : i32
      %dma_wait3A_37 = arith.constant 0 : i32
      %dma_wait3A_38 = tpu.memref_slice %arg4[%dma_wait3A, %dma_wait3A_36, %dma_wait3A_37] : memref<2x8x2048xf32, #tpu.memory_space<vmem>> -> memref<1x8x2048xf32, #tpu.memory_space<vmem>>
      %dma_wait3A_39 = tpu.memref_squeeze %dma_wait3A_38 : memref<1x8x2048xf32, #tpu.memory_space<vmem>> -> memref<8x2048xf32, #tpu.memory_space<vmem>>
      %dma_wait3A_40 = arith.constant 0 : i32
      %dma_wait3A_41 = tpu.memref_slice %arg2[%add3A_35, %dma_wait3A_40] : memref<16384x2048xf32, #tpu.memory_space<hbm>> -> memref<8x2048xf32, #tpu.memory_space<hbm>>
      %dma_wait3A_42 = arith.constant 0 : i32
      %dma_wait3A_43 = arith.constant 0 : i32
      %dma_wait3A_44 = tpu.memref_slice %arg4[%dma_wait3A, %dma_wait3A_42, %dma_wait3A_43] : memref<2x8x2048xf32, #tpu.memory_space<vmem>> -> memref<1x8x2048xf32, #tpu.memory_space<vmem>>
      %dma_wait3A_45 = tpu.memref_squeeze %dma_wait3A_44 : memref<1x8x2048xf32, #tpu.memory_space<vmem>> -> memref<8x2048xf32, #tpu.memory_space<vmem>>
      %dma_wait3A_46 = arith.constant 0 : i32
      %dma_wait3A_47 = tpu.memref_slice %arg2[%add3A_35, %dma_wait3A_46] : memref<16384x2048xf32, #tpu.memory_space<hbm>> -> memref<8x2048xf32, #tpu.memory_space<hbm>>
      tpu.wait_dma2 semaphore(%arg6 : memref<!tpu.dma_semaphore, #tpu.memory_space<semaphore_mem>>) src(%dma_wait3A_47 : memref<8x2048xf32, #tpu.memory_space<hbm>>) dst(%dma_wait3A_45 : memref<8x2048xf32, #tpu.memory_space<vmem>>)
      %scan3A_48 = arith.constant 0 : i32
      %scan3A_49 = arith.constant 0 : i32
      %scan3A_50 = arith.constant 8 : i32
      %scan3A_51 = arith.addi %scan3A_49, %scan3A_50 : i32
      %scan3A_52 = arith.constant 1 : i32
      scf.for %scan3A_89 = %scan3A_49 to %scan3A_51 step %scan3A_52  : i32 {
        %broadcast_in_dim3A = arith.constant 0.000000e+00 : f32
        %broadcast_in_dim3A_90 = vector.broadcast %broadcast_in_dim3A : f32 to vector<16xf32>
        %broadcast_in_dim3A_91 = arith.constant 0.000000e+00 : f32
        %broadcast_in_dim3A_92 = vector.broadcast %broadcast_in_dim3A_91 : f32 to vector<16xf32>
        %broadcast_in_dim3A_93 = arith.constant 0.000000e+00 : f32
        %broadcast_in_dim3A_94 = vector.broadcast %broadcast_in_dim3A_93 : f32 to vector<16xf32>
        %broadcast_in_dim3A_95 = arith.constant 0.000000e+00 : f32
        %broadcast_in_dim3A_96 = vector.broadcast %broadcast_in_dim3A_95 : f32 to vector<16xf32>
        %get3A = arith.constant 0 : i32
        %get3A_97 = arith.index_cast %get3A : i32 to index
        %get3A_98 = arith.index_cast %scan3A_89 : i32 to index
        %get3A_99 = arith.constant 0 : index
        %get3A_100 = tpu.vector_load %arg4[%get3A_97, %get3A_98, %get3A_99] {strides = array<i32>} : memref<2x8x2048xf32, #tpu.memory_space<vmem>>, vector<1x1x16xf32>,
        %get3A_101 = vector.shape_cast %get3A_100 : vector<1x1x16xf32> to vector<16xf32>
        %mul3A_102 = arith.mulf %get3A_101, %get3A_101 : vector<16xf32>
        %add3A_103 = arith.addf %broadcast_in_dim3A_90, %mul3A_102 : vector<16xf32>
        %get3A_104 = arith.constant 0 : i32
        %get3A_105 = arith.index_cast %get3A_104 : i32 to index
        %get3A_106 = arith.index_cast %scan3A_89 : i32 to index
        %get3A_107 = arith.constant 16 : index
        %get3A_108 = tpu.vector_load %arg4[%get3A_105, %get3A_106, %get3A_107] {strides = array<i32>} : memref<2x8x2048xf32, #tpu.memory_space<vmem>>, vector<1x1x16xf32>,
        %get3A_109 = vector.shape_cast %get3A_108 : vector<1x1x16xf32> to vector<16xf32>
        %mul3A_110 = arith.mulf %get3A_109, %get3A_109 : vector<16xf32>
        %add3A_111 = arith.addf %broadcast_in_dim3A_92, %mul3A_110 : vector<16xf32>
        %get3A_112 = arith.constant 0 : i32
        %get3A_113 = arith.index_cast %get3A_112 : i32 to index
        %get3A_114 = arith.index_cast %scan3A_89 : i32 to index
        %get3A_115 = arith.constant 32 : index
        %get3A_116 = tpu.vector_load %arg4[%get3A_113, %get3A_114, %get3A_115] {strides = array<i32>} : memref<2x8x2048xf32, #tpu.memory_space<vmem>>, vector<1x1x16xf32>,
        %get3A_117 = vector.shape_cast %get3A_116 : vector<1x1x16xf32> to vector<16xf32>
        %mul3A_118 = arith.mulf %get3A_117, %get3A_117 : vector<16xf32>
        %add3A_119 = arith.addf %broadcast_in_dim3A_94, %mul3A_118 : vector<16xf32>
        %get3A_120 = arith.constant 0 : i32
        %get3A_121 = arith.index_cast %get3A_120 : i32 to index
        %get3A_122 = arith.index_cast %scan3A_89 : i32 to index
        %get3A_123 = arith.constant 48 : index
        %get3A_124 = tpu.vector_load %arg4[%get3A_121, %get3A_122, %get3A_123] {strides = array<i32>} : memref<2x8x2048xf32, #tpu.memory_space<vmem>>, vector<1x1x16xf32>,
        %get3A_125 = vector.shape_cast %get3A_124 : vector<1x1x16xf32> to vector<16xf32>
        %mul3A_126 = arith.mulf %get3A_125, %get3A_125 : vector<16xf32>
        %add3A_127 = arith.addf %broadcast_in_dim3A_96, %mul3A_126 : vector<16xf32>
        %get3A_128 = arith.constant 0 : i32
        %get3A_129 = arith.index_cast %get3A_128 : i32 to index
        %get3A_130 = arith.index_cast %scan3A_89 : i32 to index
        %get3A_131 = arith.constant 64 : index
        %get3A_132 = tpu.vector_load %arg4[%get3A_129, %get3A_130, %get3A_131] {strides = array<i32>} : memref<2x8x2048xf32, #tpu.memory_space<vmem>>, vector<1x1x16xf32>,
        %get3A_133 = vector.shape_cast %get3A_132 : vector<1x1x16xf32> to vector<16xf32>
        %mul3A_134 = arith.mulf %get3A_133, %get3A_133 : vector<16xf32>
        %add3A_135 = arith.addf %add3A_103, %mul3A_134 : vector<16xf32>
        %get3A_136 = arith.constant 0 : i32
        %get3A_137 = arith.index_cast %get3A_136 : i32 to index
        %get3A_138 = arith.index_cast %scan3A_89 : i32 to index
        %get3A_139 = arith.constant 80 : index
        %get3A_140 = tpu.vector_load %arg4[%get3A_137, %get3A_138, %get3A_139] {strides = array<i32>} : memref<2x8x2048xf32, #tpu.memory_space<vmem>>, vector<1x1x16xf32>,
        %get3A_141 = vector.shape_cast %get3A_140 : vector<1x1x16xf32> to vector<16xf32>
        %mul3A_142 = arith.mulf %get3A_141, %get3A_141 : vector<16xf32>
        %add3A_143 = arith.addf %add3A_111, %mul3A_142 : vector<16xf32>
        %get3A_144 = arith.constant 0 : i32
        %get3A_145 = arith.index_cast %get3A_144 : i32 to index
        %get3A_146 = arith.index_cast %scan3A_89 : i32 to index
        %get3A_147 = arith.constant 96 : index
        %get3A_148 = tpu.vector_load %arg4[%get3A_145, %get3A_146, %get3A_147] {strides = array<i32>} : memref<2x8x2048xf32, #tpu.memory_space<vmem>>, vector<1x1x16xf32>,
        %get3A_149 = vector.shape_cast %get3A_148 : vector<1x1x16xf32> to vector<16xf32>
        %mul3A_150 = arith.mulf %get3A_149, %get3A_149 : vector<16xf32>
        %add3A_151 = arith.addf %add3A_119, %mul3A_150 : vector<16xf32>
        %get3A_152 = arith.constant 0 : i32
        %get3A_153 = arith.index_cast %get3A_152 : i32 to index
        %get3A_154 = arith.index_cast %scan3A_89 : i32 to index
        %get3A_155 = arith.constant 112 : index
        %get3A_156 = tpu.vector_load %arg4[%get3A_153, %get3A_154, %get3A_155] {strides = array<i32>} : memref<2x8x2048xf32, #tpu.memory_space<vmem>>, vector<1x1x16xf32>,
        %get3A_157 = vector.shape_cast %get3A_156 : vector<1x1x16xf32> to vector<16xf32>
        %mul3A_158 = arith.mulf %get3A_157, %get3A_157 : vector<16xf32>
        %add3A_159 = arith.addf %add3A_127, %mul3A_158 : vector<16xf32>
        %get3A_160 = arith.constant 0 : i32
        %get3A_161 = arith.index_cast %get3A_160 : i32 to index
        %get3A_162 = arith.index_cast %scan3A_89 : i32 to index
        %get3A_163 = arith.constant 128 : index
        %get3A_164 = tpu.vector_load %arg4[%get3A_161, %get3A_162, %get3A_163] {strides = array<i32>} : memref<2x8x2048xf32, #tpu.memory_space<vmem>>, vector<1x1x16xf32>,
        %get3A_165 = vector.shape_cast %get3A_164 : vector<1x1x16xf32> to vector<16xf32>
        %mul3A_166 = arith.mulf %get3A_165, %get3A_165 : vector<16xf32>
        %add3A_167 = arith.addf %add3A_135, %mul3A_166 : vector<16xf32>
        %get3A_168 = arith.constant 0 : i32
        %get3A_169 = arith.index_cast %get3A_168 : i32 to index
        %get3A_170 = arith.index_cast %scan3A_89 : i32 to index
        %get3A_171 = arith.constant 144 : index
        %get3A_172 = tpu.vector_load %arg4[%get3A_169, %get3A_170, %get3A_171] {strides = array<i32>} : memref<2x8x2048xf32, #tpu.memory_space<vmem>>, vector<1x1x16xf32>,
        %get3A_173 = vector.shape_cast %get3A_172 : vector<1x1x16xf32> to vector<16xf32>
        %mul3A_174 = arith.mulf %get3A_173, %get3A_173 : vector<16xf32>
        %add3A_175 = arith.addf %add3A_143, %mul3A_174 : vector<16xf32>
        %get3A_176 = arith.constant 0 : i32
        %get3A_177 = arith.index_cast %get3A_176 : i32 to index
        %get3A_178 = arith.index_cast %scan3A_89 : i32 to index
        %get3A_179 = arith.constant 160 : index
        %get3A_180 = tpu.vector_load %arg4[%get3A_177, %get3A_178, %get3A_179] {strides = array<i32>} : memref<2x8x2048xf32, #tpu.memory_space<vmem>>, vector<1x1x16xf32>,
        %get3A_181 = vector.shape_cast %get3A_180 : vector<1x1x16xf32> to vector<16xf32>
        %mul3A_182 = arith.mulf %get3A_181, %get3A_181 : vector<16xf32>
        %add3A_183 = arith.addf %add3A_151, %mul3A_182 : vector<16xf32>
        %get3A_184 = arith.constant 0 : i32
        %get3A_185 = arith.index_cast %get3A_184 : i32 to index
        %get3A_186 = arith.index_cast %scan3A_89 : i32 to index
        %get3A_187 = arith.constant 176 : index
        %get3A_188 = tpu.vector_load %arg4[%get3A_185, %get3A_186, %get3A_187] {strides = array<i32>} : memref<2x8x2048xf32, #tpu.memory_space<vmem>>, vector<1x1x16xf32>,
        %get3A_189 = vector.shape_cast %get3A_188 : vector<1x1x16xf32> to vector<16xf32>
        %mul3A_190 = arith.mulf %get3A_189, %get3A_189 : vector<16xf32>
        %add3A_191 = arith.addf %add3A_159, %mul3A_190 : vector<16xf32>
        %get3A_192 = arith.constant 0 : i32
        %get3A_193 = arith.index_cast %get3A_192 : i32 to index
        %get3A_194 = arith.index_cast %scan3A_89 : i32 to index
        %get3A_195 = arith.constant 192 : index
        %get3A_196 = tpu.vector_load %arg4[%get3A_193, %get3A_194, %get3A_195] {strides = array<i32>} : memref<2x8x2048xf32, #tpu.memory_space<vmem>>, vector<1x1x16xf32>,
        %get3A_197 = vector.shape_cast %get3A_196 : vector<1x1x16xf32> to vector<16xf32>
        %mul3A_198 = arith.mulf %get3A_197, %get3A_197 : vector<16xf32>
        %add3A_199 = arith.addf %add3A_167, %mul3A_198 : vector<16xf32>
        %get3A_200 = arith.constant 0 : i32
        %get3A_201 = arith.index_cast %get3A_200 : i32 to index
        %get3A_202 = arith.index_cast %scan3A_89 : i32 to index
        %get3A_203 = arith.constant 208 : index
        %get3A_204 = tpu.vector_load %arg4[%get3A_201, %get3A_202, %get3A_203] {strides = array<i32>} : memref<2x8x2048xf32, #tpu.memory_space<vmem>>, vector<1x1x16xf32>,
        %get3A_205 = vector.shape_cast %get3A_204 : vector<1x1x16xf32> to vector<16xf32>
        %mul3A_206 = arith.mulf %get3A_205, %get3A_205 : vector<16xf32>
        %add3A_207 = arith.addf %add3A_175, %mul3A_206 : vector<16xf32>
        %get3A_208 = arith.constant 0 : i32
        %get3A_209 = arith.index_cast %get3A_208 : i32 to index
        %get3A_210 = arith.index_cast %scan3A_89 : i32 to index
        %get3A_211 = arith.constant 224 : index
        %get3A_212 = tpu.vector_load %arg4[%get3A_209, %get3A_210, %get3A_211] {strides = array<i32>} : memref<2x8x2048xf32, #tpu.memory_space<vmem>>, vector<1x1x16xf32>,
        %get3A_213 = vector.shape_cast %get3A_212 : vector<1x1x16xf32> to vector<16xf32>
        %mul3A_214 = arith.mulf %get3A_213, %get3A_213 : vector<16xf32>
        %add3A_215 = arith.addf %add3A_183, %mul3A_214 : vector<16xf32>
        %get3A_216 = arith.constant 0 : i32
        %get3A_217 = arith.index_cast %get3A_216 : i32 to index
        %get3A_218 = arith.index_cast %scan3A_89 : i32 to index
        %get3A_219 = arith.constant 240 : index
        %get3A_220 = tpu.vector_load %arg4[%get3A_217, %get3A_218, %get3A_219] {strides = array<i32>} : memref<2x8x2048xf32, #tpu.memory_space<vmem>>, vector<1x1x16xf32>,
        %get3A_221 = vector.shape_cast %get3A_220 : vector<1x1x16xf32> to vector<16xf32>
        %mul3A_222 = arith.mulf %get3A_221, %get3A_221 : vector<16xf32>
        %add3A_223 = arith.addf %add3A_191, %mul3A_222 : vector<16xf32>
        %get3A_224 = arith.constant 0 : i32
        %get3A_225 = arith.index_cast %get3A_224 : i32 to index
        %get3A_226 = arith.index_cast %scan3A_89 : i32 to index
        %get3A_227 = arith.constant 256 : index
        %get3A_228 = tpu.vector_load %arg4[%get3A_225, %get3A_226, %get3A_227] {strides = array<i32>} : memref<2x8x2048xf32, #tpu.memory_space<vmem>>, vector<1x1x16xf32>,
        %get3A_229 = vector.shape_cast %get3A_228 : vector<1x1x16xf32> to vector<16xf32>
        %mul3A_230 = arith.mulf %get3A_229, %get3A_229 : vector<16xf32>
        %add3A_231 = arith.addf %add3A_199, %mul3A_230 : vector<16xf32>
        %get3A_232 = arith.constant 0 : i32
        %get3A_233 = arith.index_cast %get3A_232 : i32 to index
        %get3A_234 = arith.index_cast %scan3A_89 : i32 to index
        %get3A_235 = arith.constant 272 : index
        %get3A_236 = tpu.vector_load %arg4[%get3A_233, %get3A_234, %get3A_235] {strides = array<i32>} : memref<2x8x2048xf32, #tpu.memory_space<vmem>>, vector<1x1x16xf32>,
        %get3A_237 = vector.shape_cast %get3A_236 : vector<1x1x16xf32> to vector<16xf32>
        %mul3A_238 = arith.mulf %get3A_237, %get3A_237 : vector<16xf32>
        %add3A_239 = arith.addf %add3A_207, %mul3A_238 : vector<16xf32>
        %get3A_240 = arith.constant 0 : i32
        %get3A_241 = arith.index_cast %get3A_240 : i32 to index
        %get3A_242 = arith.index_cast %scan3A_89 : i32 to index
        %get3A_243 = arith.constant 288 : index
        %get3A_244 = tpu.vector_load %arg4[%get3A_241, %get3A_242, %get3A_243] {strides = array<i32>} : memref<2x8x2048xf32, #tpu.memory_space<vmem>>, vector<1x1x16xf32>,
        %get3A_245 = vector.shape_cast %get3A_244 : vector<1x1x16xf32> to vector<16xf32>
        %mul3A_246 = arith.mulf %get3A_245, %get3A_245 : vector<16xf32>
        %add3A_247 = arith.addf %add3A_215, %mul3A_246 : vector<16xf32>
        %get3A_248 = arith.constant 0 : i32
        %get3A_249 = arith.index_cast %get3A_248 : i32 to index
        %get3A_250 = arith.index_cast %scan3A_89 : i32 to index
        %get3A_251 = arith.constant 304 : index
        %get3A_252 = tpu.vector_load %arg4[%get3A_249, %get3A_250, %get3A_251] {strides = array<i32>} : memref<2x8x2048xf32, #tpu.memory_space<vmem>>, vector<1x1x16xf32>,
        %get3A_253 = vector.shape_cast %get3A_252 : vector<1x1x16xf32> to vector<16xf32>
        %mul3A_254 = arith.mulf %get3A_253, %get3A_253 : vector<16xf32>
        %add3A_255 = arith.addf %add3A_223, %mul3A_254 : vector<16xf32>
        %get3A_256 = arith.constant 0 : i32
        %get3A_257 = arith.index_cast %get3A_256 : i32 to index
        %get3A_258 = arith.index_cast %scan3A_89 : i32 to index
        %get3A_259 = arith.constant 320 : index
        %get3A_260 = tpu.vector_load %arg4[%get3A_257, %get3A_258, %get3A_259] {strides = array<i32>} : memref<2x8x2048xf32, #tpu.memory_space<vmem>>, vector<1x1x16xf32>,
        %get3A_261 = vector.shape_cast %get3A_260 : vector<1x1x16xf32> to vector<16xf32>
        %mul3A_262 = arith.mulf %get3A_261, %get3A_261 : vector<16xf32>
        %add3A_263 = arith.addf %add3A_231, %mul3A_262 : vector<16xf32>
        %get3A_264 = arith.constant 0 : i32
        %get3A_265 = arith.index_cast %get3A_264 : i32 to index
        %get3A_266 = arith.index_cast %scan3A_89 : i32 to index
        %get3A_267 = arith.constant 336 : index
        %get3A_268 = tpu.vector_load %arg4[%get3A_265, %get3A_266, %get3A_267] {strides = array<i32>} : memref<2x8x2048xf32, #tpu.memory_space<vmem>>, vector<1x1x16xf32>,
        %get3A_269 = vector.shape_cast %get3A_268 : vector<1x1x16xf32> to vector<16xf32>
        %mul3A_270 = arith.mulf %get3A_269, %get3A_269 : vector<16xf32>
        %add3A_271 = arith.addf %add3A_239, %mul3A_270 : vector<16xf32>
        %get3A_272 = arith.constant 0 : i32
        %get3A_273 = arith.index_cast %get3A_272 : i32 to index
        %get3A_274 = arith.index_cast %scan3A_89 : i32 to index
        %get3A_275 = arith.constant 352 : index
        %get3A_276 = tpu.vector_load %arg4[%get3A_273, %get3A_274, %get3A_275] {strides = array<i32>} : memref<2x8x2048xf32, #tpu.memory_space<vmem>>, vector<1x1x16xf32>,
        %get3A_277 = vector.shape_cast %get3A_276 : vector<1x1x16xf32> to vector<16xf32>
        %mul3A_278 = arith.mulf %get3A_277, %get3A_277 : vector<16xf32>
        %add3A_279 = arith.addf %add3A_247, %mul3A_278 : vector<16xf32>
        %get3A_280 = arith.constant 0 : i32
        %get3A_281 = arith.index_cast %get3A_280 : i32 to index
        %get3A_282 = arith.index_cast %scan3A_89 : i32 to index
        %get3A_283 = arith.constant 368 : index
        %get3A_284 = tpu.vector_load %arg4[%get3A_281, %get3A_282, %get3A_283] {strides = array<i32>} : memref<2x8x2048xf32, #tpu.memory_space<vmem>>, vector<1x1x16xf32>,
        %get3A_285 = vector.shape_cast %get3A_284 : vector<1x1x16xf32> to vector<16xf32>
        %mul3A_286 = arith.mulf %get3A_285, %get3A_285 : vector<16xf32>
        %add3A_287 = arith.addf %add3A_255, %mul3A_286 : vector<16xf32>
        %get3A_288 = arith.constant 0 : i32
        %get3A_289 = arith.index_cast %get3A_288 : i32 to index
        %get3A_290 = arith.index_cast %scan3A_89 : i32 to index
        %get3A_291 = arith.constant 384 : index
        %get3A_292 = tpu.vector_load %arg4[%get3A_289, %get3A_290, %get3A_291] {strides = array<i32>} : memref<2x8x2048xf32, #tpu.memory_space<vmem>>, vector<1x1x16xf32>,
        %get3A_293 = vector.shape_cast %get3A_292 : vector<1x1x16xf32> to vector<16xf32>
        %mul3A_294 = arith.mulf %get3A_293, %get3A_293 : vector<16xf32>
        %add3A_295 = arith.addf %add3A_263, %mul3A_294 : vector<16xf32>
        %get3A_296 = arith.constant 0 : i32
        %get3A_297 = arith.index_cast %get3A_296 : i32 to index
        %get3A_298 = arith.index_cast %scan3A_89 : i32 to index
        %get3A_299 = arith.constant 400 : index
        %get3A_300 = tpu.vector_load %arg4[%get3A_297, %get3A_298, %get3A_299] {strides = array<i32>} : memref<2x8x2048xf32, #tpu.memory_space<vmem>>, vector<1x1x16xf32>,
        %get3A_301 = vector.shape_cast %get3A_300 : vector<1x1x16xf32> to vector<16xf32>
        %mul3A_302 = arith.mulf %get3A_301, %get3A_301 : vector<16xf32>
        %add3A_303 = arith.addf %add3A_271, %mul3A_302 : vector<16xf32>
        %get3A_304 = arith.constant 0 : i32
        %get3A_305 = arith.index_cast %get3A_304 : i32 to index
        %get3A_306 = arith.index_cast %scan3A_89 : i32 to index
        %get3A_307 = arith.constant 416 : index
        %get3A_308 = tpu.vector_load %arg4[%get3A_305, %get3A_306, %get3A_307] {strides = array<i32>} : memref<2x8x2048xf32, #tpu.memory_space<vmem>>, vector<1x1x16xf32>,
        %get3A_309 = vector.shape_cast %get3A_308 : vector<1x1x16xf32> to vector<16xf32>
        %mul3A_310 = arith.mulf %get3A_309, %get3A_309 : vector<16xf32>
        %add3A_311 = arith.addf %add3A_279, %mul3A_310 : vector<16xf32>
        %get3A_312 = arith.constant 0 : i32
        %get3A_313 = arith.index_cast %get3A_312 : i32 to index
        %get3A_314 = arith.index_cast %scan3A_89 : i32 to index
        %get3A_315 = arith.constant 432 : index
        %get3A_316 = tpu.vector_load %arg4[%get3A_313, %get3A_314, %get3A_315] {strides = array<i32>} : memref<2x8x2048xf32, #tpu.memory_space<vmem>>, vector<1x1x16xf32>,
        %get3A_317 = vector.shape_cast %get3A_316 : vector<1x1x16xf32> to vector<16xf32>
        %mul3A_318 = arith.mulf %get3A_317, %get3A_317 : vector<16xf32>
        %add3A_319 = arith.addf %add3A_287, %mul3A_318 : vector<16xf32>
        %get3A_320 = arith.constant 0 : i32
        %get3A_321 = arith.index_cast %get3A_320 : i32 to index
        %get3A_322 = arith.index_cast %scan3A_89 : i32 to index
        %get3A_323 = arith.constant 448 : index
        %get3A_324 = tpu.vector_load %arg4[%get3A_321, %get3A_322, %get3A_323] {strides = array<i32>} : memref<2x8x2048xf32, #tpu.memory_space<vmem>>, vector<1x1x16xf32>,
        %get3A_325 = vector.shape_cast %get3A_324 : vector<1x1x16xf32> to vector<16xf32>
        %mul3A_326 = arith.mulf %get3A_325, %get3A_325 : vector<16xf32>
        %add3A_327 = arith.addf %add3A_295, %mul3A_326 : vector<16xf32>
        %get3A_328 = arith.constant 0 : i32
        %get3A_329 = arith.index_cast %get3A_328 : i32 to index
        %get3A_330 = arith.index_cast %scan3A_89 : i32 to index
        %get3A_331 = arith.constant 464 : index
        %get3A_332 = tpu.vector_load %arg4[%get3A_329, %get3A_330, %get3A_331] {strides = array<i32>} : memref<2x8x2048xf32, #tpu.memory_space<vmem>>, vector<1x1x16xf32>,
        %get3A_333 = vector.shape_cast %get3A_332 : vector<1x1x16xf32> to vector<16xf32>
        %mul3A_334 = arith.mulf %get3A_333, %get3A_333 : vector<16xf32>
        %add3A_335 = arith.addf %add3A_303, %mul3A_334 : vector<16xf32>
        %get3A_336 = arith.constant 0 : i32
        %get3A_337 = arith.index_cast %get3A_336 : i32 to index
        %get3A_338 = arith.index_cast %scan3A_89 : i32 to index
        %get3A_339 = arith.constant 480 : index
        %get3A_340 = tpu.vector_load %arg4[%get3A_337, %get3A_338, %get3A_339] {strides = array<i32>} : memref<2x8x2048xf32, #tpu.memory_space<vmem>>, vector<1x1x16xf32>,
        %get3A_341 = vector.shape_cast %get3A_340 : vector<1x1x16xf32> to vector<16xf32>
        %mul3A_342 = arith.mulf %get3A_341, %get3A_341 : vector<16xf32>
        %add3A_343 = arith.addf %add3A_311, %mul3A_342 : vector<16xf32>
        %get3A_344 = arith.constant 0 : i32
        %get3A_345 = arith.index_cast %get3A_344 : i32 to index
        %get3A_346 = arith.index_cast %scan3A_89 : i32 to index
        %get3A_347 = arith.constant 496 : index
        %get3A_348 = tpu.vector_load %arg4[%get3A_345, %get3A_346, %get3A_347] {strides = array<i32>} : memref<2x8x2048xf32, #tpu.memory_space<vmem>>, vector<1x1x16xf32>,
        %get3A_349 = vector.shape_cast %get3A_348 : vector<1x1x16xf32> to vector<16xf32>
        %mul3A_350 = arith.mulf %get3A_349, %get3A_349 : vector<16xf32>
        %add3A_351 = arith.addf %add3A_319, %mul3A_350 : vector<16xf32>
        %get3A_352 = arith.constant 0 : i32
        %get3A_353 = arith.index_cast %get3A_352 : i32 to index
        %get3A_354 = arith.index_cast %scan3A_89 : i32 to index
        %get3A_355 = arith.constant 512 : index
        %get3A_356 = tpu.vector_load %arg4[%get3A_353, %get3A_354, %get3A_355] {strides = array<i32>} : memref<2x8x2048xf32, #tpu.memory_space<vmem>>, vector<1x1x16xf32>,
        %get3A_357 = vector.shape_cast %get3A_356 : vector<1x1x16xf32> to vector<16xf32>
        %mul3A_358 = arith.mulf %get3A_357, %get3A_357 : vector<16xf32>
        %add3A_359 = arith.addf %add3A_327, %mul3A_358 : vector<16xf32>
        %get3A_360 = arith.constant 0 : i32
        %get3A_361 = arith.index_cast %get3A_360 : i32 to index
        %get3A_362 = arith.index_cast %scan3A_89 : i32 to index
        %get3A_363 = arith.constant 528 : index
        %get3A_364 = tpu.vector_load %arg4[%get3A_361, %get3A_362, %get3A_363] {strides = array<i32>} : memref<2x8x2048xf32, #tpu.memory_space<vmem>>, vector<1x1x16xf32>,
        %get3A_365 = vector.shape_cast %get3A_364 : vector<1x1x16xf32> to vector<16xf32>
        %mul3A_366 = arith.mulf %get3A_365, %get3A_365 : vector<16xf32>
        %add3A_367 = arith.addf %add3A_335, %mul3A_366 : vector<16xf32>
        %get3A_368 = arith.constant 0 : i32
        %get3A_369 = arith.index_cast %get3A_368 : i32 to index
        %get3A_370 = arith.index_cast %scan3A_89 : i32 to index
        %get3A_371 = arith.constant 544 : index
        %get3A_372 = tpu.vector_load %arg4[%get3A_369, %get3A_370, %get3A_371] {strides = array<i32>} : memref<2x8x2048xf32, #tpu.memory_space<vmem>>, vector<1x1x16xf32>,
        %get3A_373 = vector.shape_cast %get3A_372 : vector<1x1x16xf32> to vector<16xf32>
        %mul3A_374 = arith.mulf %get3A_373, %get3A_373 : vector<16xf32>
        %add3A_375 = arith.addf %add3A_343, %mul3A_374 : vector<16xf32>
        %get3A_376 = arith.constant 0 : i32
        %get3A_377 = arith.index_cast %get3A_376 : i32 to index
        %get3A_378 = arith.index_cast %scan3A_89 : i32 to index
        %get3A_379 = arith.constant 560 : index
        %get3A_380 = tpu.vector_load %arg4[%get3A_377, %get3A_378, %get3A_379] {strides = array<i32>} : memref<2x8x2048xf32, #tpu.memory_space<vmem>>, vector<1x1x16xf32>,
        %get3A_381 = vector.shape_cast %get3A_380 : vector<1x1x16xf32> to vector<16xf32>
        %mul3A_382 = arith.mulf %get3A_381, %get3A_381 : vector<16xf32>
        %add3A_383 = arith.addf %add3A_351, %mul3A_382 : vector<16xf32>
        %get3A_384 = arith.constant 0 : i32
        %get3A_385 = arith.index_cast %get3A_384 : i32 to index
        %get3A_386 = arith.index_cast %scan3A_89 : i32 to index
        %get3A_387 = arith.constant 576 : index
        %get3A_388 = tpu.vector_load %arg4[%get3A_385, %get3A_386, %get3A_387] {strides = array<i32>} : memref<2x8x2048xf32, #tpu.memory_space<vmem>>, vector<1x1x16xf32>,
        %get3A_389 = vector.shape_cast %get3A_388 : vector<1x1x16xf32> to vector<16xf32>
        %mul3A_390 = arith.mulf %get3A_389, %get3A_389 : vector<16xf32>
        %add3A_391 = arith.addf %add3A_359, %mul3A_390 : vector<16xf32>
        %get3A_392 = arith.constant 0 : i32
        %get3A_393 = arith.index_cast %get3A_392 : i32 to index
        %get3A_394 = arith.index_cast %scan3A_89 : i32 to index
        %get3A_395 = arith.constant 592 : index
        %get3A_396 = tpu.vector_load %arg4[%get3A_393, %get3A_394, %get3A_395] {strides = array<i32>} : memref<2x8x2048xf32, #tpu.memory_space<vmem>>, vector<1x1x16xf32>,
        %get3A_397 = vector.shape_cast %get3A_396 : vector<1x1x16xf32> to vector<16xf32>
        %mul3A_398 = arith.mulf %get3A_397, %get3A_397 : vector<16xf32>
        %add3A_399 = arith.addf %add3A_367, %mul3A_398 : vector<16xf32>
        %get3A_400 = arith.constant 0 : i32
        %get3A_401 = arith.index_cast %get3A_400 : i32 to index
        %get3A_402 = arith.index_cast %scan3A_89 : i32 to index
        %get3A_403 = arith.constant 608 : index
        %get3A_404 = tpu.vector_load %arg4[%get3A_401, %get3A_402, %get3A_403] {strides = array<i32>} : memref<2x8x2048xf32, #tpu.memory_space<vmem>>, vector<1x1x16xf32>,
        %get3A_405 = vector.shape_cast %get3A_404 : vector<1x1x16xf32> to vector<16xf32>
        %mul3A_406 = arith.mulf %get3A_405, %get3A_405 : vector<16xf32>
        %add3A_407 = arith.addf %add3A_375, %mul3A_406 : vector<16xf32>
        %get3A_408 = arith.constant 0 : i32
        %get3A_409 = arith.index_cast %get3A_408 : i32 to index
        %get3A_410 = arith.index_cast %scan3A_89 : i32 to index
        %get3A_411 = arith.constant 624 : index
        %get3A_412 = tpu.vector_load %arg4[%get3A_409, %get3A_410, %get3A_411] {strides = array<i32>} : memref<2x8x2048xf32, #tpu.memory_space<vmem>>, vector<1x1x16xf32>,
        %get3A_413 = vector.shape_cast %get3A_412 : vector<1x1x16xf32> to vector<16xf32>
        %mul3A_414 = arith.mulf %get3A_413, %get3A_413 : vector<16xf32>
        %add3A_415 = arith.addf %add3A_383, %mul3A_414 : vector<16xf32>
        %get3A_416 = arith.constant 0 : i32
        %get3A_417 = arith.index_cast %get3A_416 : i32 to index
        %get3A_418 = arith.index_cast %scan3A_89 : i32 to index
        %get3A_419 = arith.constant 640 : index
        %get3A_420 = tpu.vector_load %arg4[%get3A_417, %get3A_418, %get3A_419] {strides = array<i32>} : memref<2x8x2048xf32, #tpu.memory_space<vmem>>, vector<1x1x16xf32>,
        %get3A_421 = vector.shape_cast %get3A_420 : vector<1x1x16xf32> to vector<16xf32>
        %mul3A_422 = arith.mulf %get3A_421, %get3A_421 : vector<16xf32>
        %add3A_423 = arith.addf %add3A_391, %mul3A_422 : vector<16xf32>
        %get3A_424 = arith.constant 0 : i32
        %get3A_425 = arith.index_cast %get3A_424 : i32 to index
        %get3A_426 = arith.index_cast %scan3A_89 : i32 to index
        %get3A_427 = arith.constant 656 : index
        %get3A_428 = tpu.vector_load %arg4[%get3A_425, %get3A_426, %get3A_427] {strides = array<i32>} : memref<2x8x2048xf32, #tpu.memory_space<vmem>>, vector<1x1x16xf32>,
        %get3A_429 = vector.shape_cast %get3A_428 : vector<1x1x16xf32> to vector<16xf32>
        %mul3A_430 = arith.mulf %get3A_429, %get3A_429 : vector<16xf32>
        %add3A_431 = arith.addf %add3A_399, %mul3A_430 : vector<16xf32>
        %get3A_432 = arith.constant 0 : i32
        %get3A_433 = arith.index_cast %get3A_432 : i32 to index
        %get3A_434 = arith.index_cast %scan3A_89 : i32 to index
        %get3A_435 = arith.constant 672 : index
        %get3A_436 = tpu.vector_load %arg4[%get3A_433, %get3A_434, %get3A_435] {strides = array<i32>} : memref<2x8x2048xf32, #tpu.memory_space<vmem>>, vector<1x1x16xf32>,
        %get3A_437 = vector.shape_cast %get3A_436 : vector<1x1x16xf32> to vector<16xf32>
        %mul3A_438 = arith.mulf %get3A_437, %get3A_437 : vector<16xf32>
        %add3A_439 = arith.addf %add3A_407, %mul3A_438 : vector<16xf32>
        %get3A_440 = arith.constant 0 : i32
        %get3A_441 = arith.index_cast %get3A_440 : i32 to index
        %get3A_442 = arith.index_cast %scan3A_89 : i32 to index
        %get3A_443 = arith.constant 688 : index
        %get3A_444 = tpu.vector_load %arg4[%get3A_441, %get3A_442, %get3A_443] {strides = array<i32>} : memref<2x8x2048xf32, #tpu.memory_space<vmem>>, vector<1x1x16xf32>,
        %get3A_445 = vector.shape_cast %get3A_444 : vector<1x1x16xf32> to vector<16xf32>
        %mul3A_446 = arith.mulf %get3A_445, %get3A_445 : vector<16xf32>
        %add3A_447 = arith.addf %add3A_415, %mul3A_446 : vector<16xf32>
        %get3A_448 = arith.constant 0 : i32
        %get3A_449 = arith.index_cast %get3A_448 : i32 to index
        %get3A_450 = arith.index_cast %scan3A_89 : i32 to index
        %get3A_451 = arith.constant 704 : index
        %get3A_452 = tpu.vector_load %arg4[%get3A_449, %get3A_450, %get3A_451] {strides = array<i32>} : memref<2x8x2048xf32, #tpu.memory_space<vmem>>, vector<1x1x16xf32>,
        %get3A_453 = vector.shape_cast %get3A_452 : vector<1x1x16xf32> to vector<16xf32>
        %mul3A_454 = arith.mulf %get3A_453, %get3A_453 : vector<16xf32>
        %add3A_455 = arith.addf %add3A_423, %mul3A_454 : vector<16xf32>
        %get3A_456 = arith.constant 0 : i32
        %get3A_457 = arith.index_cast %get3A_456 : i32 to index
        %get3A_458 = arith.index_cast %scan3A_89 : i32 to index
        %get3A_459 = arith.constant 720 : index
        %get3A_460 = tpu.vector_load %arg4[%get3A_457, %get3A_458, %get3A_459] {strides = array<i32>} : memref<2x8x2048xf32, #tpu.memory_space<vmem>>, vector<1x1x16xf32>,
        %get3A_461 = vector.shape_cast %get3A_460 : vector<1x1x16xf32> to vector<16xf32>
        %mul3A_462 = arith.mulf %get3A_461, %get3A_461 : vector<16xf32>
        %add3A_463 = arith.addf %add3A_431, %mul3A_462 : vector<16xf32>
        %get3A_464 = arith.constant 0 : i32
        %get3A_465 = arith.index_cast %get3A_464 : i32 to index
        %get3A_466 = arith.index_cast %scan3A_89 : i32 to index
        %get3A_467 = arith.constant 736 : index
        %get3A_468 = tpu.vector_load %arg4[%get3A_465, %get3A_466, %get3A_467] {strides = array<i32>} : memref<2x8x2048xf32, #tpu.memory_space<vmem>>, vector<1x1x16xf32>,
        %get3A_469 = vector.shape_cast %get3A_468 : vector<1x1x16xf32> to vector<16xf32>
        %mul3A_470 = arith.mulf %get3A_469, %get3A_469 : vector<16xf32>
        %add3A_471 = arith.addf %add3A_439, %mul3A_470 : vector<16xf32>
        %get3A_472 = arith.constant 0 : i32
        %get3A_473 = arith.index_cast %get3A_472 : i32 to index
        %get3A_474 = arith.index_cast %scan3A_89 : i32 to index
        %get3A_475 = arith.constant 752 : index
        %get3A_476 = tpu.vector_load %arg4[%get3A_473, %get3A_474, %get3A_475] {strides = array<i32>} : memref<2x8x2048xf32, #tpu.memory_space<vmem>>, vector<1x1x16xf32>,
        %get3A_477 = vector.shape_cast %get3A_476 : vector<1x1x16xf32> to vector<16xf32>
        %mul3A_478 = arith.mulf %get3A_477, %get3A_477 : vector<16xf32>
        %add3A_479 = arith.addf %add3A_447, %mul3A_478 : vector<16xf32>
        %get3A_480 = arith.constant 0 : i32
        %get3A_481 = arith.index_cast %get3A_480 : i32 to index
        %get3A_482 = arith.index_cast %scan3A_89 : i32 to index
        %get3A_483 = arith.constant 768 : index
        %get3A_484 = tpu.vector_load %arg4[%get3A_481, %get3A_482, %get3A_483] {strides = array<i32>} : memref<2x8x2048xf32, #tpu.memory_space<vmem>>, vector<1x1x16xf32>,
        %get3A_485 = vector.shape_cast %get3A_484 : vector<1x1x16xf32> to vector<16xf32>
        %mul3A_486 = arith.mulf %get3A_485, %get3A_485 : vector<16xf32>
        %add3A_487 = arith.addf %add3A_455, %mul3A_486 : vector<16xf32>
        %get3A_488 = arith.constant 0 : i32
        %get3A_489 = arith.index_cast %get3A_488 : i32 to index
        %get3A_490 = arith.index_cast %scan3A_89 : i32 to index
        %get3A_491 = arith.constant 784 : index
        %get3A_492 = tpu.vector_load %arg4[%get3A_489, %get3A_490, %get3A_491] {strides = array<i32>} : memref<2x8x2048xf32, #tpu.memory_space<vmem>>, vector<1x1x16xf32>,
        %get3A_493 = vector.shape_cast %get3A_492 : vector<1x1x16xf32> to vector<16xf32>
        %mul3A_494 = arith.mulf %get3A_493, %get3A_493 : vector<16xf32>
        %add3A_495 = arith.addf %add3A_463, %mul3A_494 : vector<16xf32>
        %get3A_496 = arith.constant 0 : i32
        %get3A_497 = arith.index_cast %get3A_496 : i32 to index
        %get3A_498 = arith.index_cast %scan3A_89 : i32 to index
        %get3A_499 = arith.constant 800 : index
        %get3A_500 = tpu.vector_load %arg4[%get3A_497, %get3A_498, %get3A_499] {strides = array<i32>} : memref<2x8x2048xf32, #tpu.memory_space<vmem>>, vector<1x1x16xf32>,
        %get3A_501 = vector.shape_cast %get3A_500 : vector<1x1x16xf32> to vector<16xf32>
        %mul3A_502 = arith.mulf %get3A_501, %get3A_501 : vector<16xf32>
        %add3A_503 = arith.addf %add3A_471, %mul3A_502 : vector<16xf32>
        %get3A_504 = arith.constant 0 : i32
        %get3A_505 = arith.index_cast %get3A_504 : i32 to index
        %get3A_506 = arith.index_cast %scan3A_89 : i32 to index
        %get3A_507 = arith.constant 816 : index
        %get3A_508 = tpu.vector_load %arg4[%get3A_505, %get3A_506, %get3A_507] {strides = array<i32>} : memref<2x8x2048xf32, #tpu.memory_space<vmem>>, vector<1x1x16xf32>,
        %get3A_509 = vector.shape_cast %get3A_508 : vector<1x1x16xf32> to vector<16xf32>
        %mul3A_510 = arith.mulf %get3A_509, %get3A_509 : vector<16xf32>
        %add3A_511 = arith.addf %add3A_479, %mul3A_510 : vector<16xf32>
        %get3A_512 = arith.constant 0 : i32
        %get3A_513 = arith.index_cast %get3A_512 : i32 to index
        %get3A_514 = arith.index_cast %scan3A_89 : i32 to index
        %get3A_515 = arith.constant 832 : index
        %get3A_516 = tpu.vector_load %arg4[%get3A_513, %get3A_514, %get3A_515] {strides = array<i32>} : memref<2x8x2048xf32, #tpu.memory_space<vmem>>, vector<1x1x16xf32>,
        %get3A_517 = vector.shape_cast %get3A_516 : vector<1x1x16xf32> to vector<16xf32>
        %mul3A_518 = arith.mulf %get3A_517, %get3A_517 : vector<16xf32>
        %add3A_519 = arith.addf %add3A_487, %mul3A_518 : vector<16xf32>
        %get3A_520 = arith.constant 0 : i32
        %get3A_521 = arith.index_cast %get3A_520 : i32 to index
        %get3A_522 = arith.index_cast %scan3A_89 : i32 to index
        %get3A_523 = arith.constant 848 : index
        %get3A_524 = tpu.vector_load %arg4[%get3A_521, %get3A_522, %get3A_523] {strides = array<i32>} : memref<2x8x2048xf32, #tpu.memory_space<vmem>>, vector<1x1x16xf32>,
        %get3A_525 = vector.shape_cast %get3A_524 : vector<1x1x16xf32> to vector<16xf32>
        %mul3A_526 = arith.mulf %get3A_525, %get3A_525 : vector<16xf32>
        %add3A_527 = arith.addf %add3A_495, %mul3A_526 : vector<16xf32>
        %get3A_528 = arith.constant 0 : i32
        %get3A_529 = arith.index_cast %get3A_528 : i32 to index
        %get3A_530 = arith.index_cast %scan3A_89 : i32 to index
        %get3A_531 = arith.constant 864 : index
        %get3A_532 = tpu.vector_load %arg4[%get3A_529, %get3A_530, %get3A_531] {strides = array<i32>} : memref<2x8x2048xf32, #tpu.memory_space<vmem>>, vector<1x1x16xf32>,
        %get3A_533 = vector.shape_cast %get3A_532 : vector<1x1x16xf32> to vector<16xf32>
        %mul3A_534 = arith.mulf %get3A_533, %get3A_533 : vector<16xf32>
        %add3A_535 = arith.addf %add3A_503, %mul3A_534 : vector<16xf32>
        %get3A_536 = arith.constant 0 : i32
        %get3A_537 = arith.index_cast %get3A_536 : i32 to index
        %get3A_538 = arith.index_cast %scan3A_89 : i32 to index
        %get3A_539 = arith.constant 880 : index
        %get3A_540 = tpu.vector_load %arg4[%get3A_537, %get3A_538, %get3A_539] {strides = array<i32>} : memref<2x8x2048xf32, #tpu.memory_space<vmem>>, vector<1x1x16xf32>,
        %get3A_541 = vector.shape_cast %get3A_540 : vector<1x1x16xf32> to vector<16xf32>
        %mul3A_542 = arith.mulf %get3A_541, %get3A_541 : vector<16xf32>
        %add3A_543 = arith.addf %add3A_511, %mul3A_542 : vector<16xf32>
        %get3A_544 = arith.constant 0 : i32
        %get3A_545 = arith.index_cast %get3A_544 : i32 to index
        %get3A_546 = arith.index_cast %scan3A_89 : i32 to index
        %get3A_547 = arith.constant 896 : index
        %get3A_548 = tpu.vector_load %arg4[%get3A_545, %get3A_546, %get3A_547] {strides = array<i32>} : memref<2x8x2048xf32, #tpu.memory_space<vmem>>, vector<1x1x16xf32>,
        %get3A_549 = vector.shape_cast %get3A_548 : vector<1x1x16xf32> to vector<16xf32>
        %mul3A_550 = arith.mulf %get3A_549, %get3A_549 : vector<16xf32>
        %add3A_551 = arith.addf %add3A_519, %mul3A_550 : vector<16xf32>
        %get3A_552 = arith.constant 0 : i32
        %get3A_553 = arith.index_cast %get3A_552 : i32 to index
        %get3A_554 = arith.index_cast %scan3A_89 : i32 to index
        %get3A_555 = arith.constant 912 : index
        %get3A_556 = tpu.vector_load %arg4[%get3A_553, %get3A_554, %get3A_555] {strides = array<i32>} : memref<2x8x2048xf32, #tpu.memory_space<vmem>>, vector<1x1x16xf32>,
        %get3A_557 = vector.shape_cast %get3A_556 : vector<1x1x16xf32> to vector<16xf32>
        %mul3A_558 = arith.mulf %get3A_557, %get3A_557 : vector<16xf32>
        %add3A_559 = arith.addf %add3A_527, %mul3A_558 : vector<16xf32>
        %get3A_560 = arith.constant 0 : i32
        %get3A_561 = arith.index_cast %get3A_560 : i32 to index
        %get3A_562 = arith.index_cast %scan3A_89 : i32 to index
        %get3A_563 = arith.constant 928 : index
        %get3A_564 = tpu.vector_load %arg4[%get3A_561, %get3A_562, %get3A_563] {strides = array<i32>} : memref<2x8x2048xf32, #tpu.memory_space<vmem>>, vector<1x1x16xf32>,
        %get3A_565 = vector.shape_cast %get3A_564 : vector<1x1x16xf32> to vector<16xf32>
        %mul3A_566 = arith.mulf %get3A_565, %get3A_565 : vector<16xf32>
        %add3A_567 = arith.addf %add3A_535, %mul3A_566 : vector<16xf32>
        %get3A_568 = arith.constant 0 : i32
        %get3A_569 = arith.index_cast %get3A_568 : i32 to index
        %get3A_570 = arith.index_cast %scan3A_89 : i32 to index
        %get3A_571 = arith.constant 944 : index
        %get3A_572 = tpu.vector_load %arg4[%get3A_569, %get3A_570, %get3A_571] {strides = array<i32>} : memref<2x8x2048xf32, #tpu.memory_space<vmem>>, vector<1x1x16xf32>,
        %get3A_573 = vector.shape_cast %get3A_572 : vector<1x1x16xf32> to vector<16xf32>
        %mul3A_574 = arith.mulf %get3A_573, %get3A_573 : vector<16xf32>
        %add3A_575 = arith.addf %add3A_543, %mul3A_574 : vector<16xf32>
        %get3A_576 = arith.constant 0 : i32
        %get3A_577 = arith.index_cast %get3A_576 : i32 to index
        %get3A_578 = arith.index_cast %scan3A_89 : i32 to index
        %get3A_579 = arith.constant 960 : index
        %get3A_580 = tpu.vector_load %arg4[%get3A_577, %get3A_578, %get3A_579] {strides = array<i32>} : memref<2x8x2048xf32, #tpu.memory_space<vmem>>, vector<1x1x16xf32>,
        %get3A_581 = vector.shape_cast %get3A_580 : vector<1x1x16xf32> to vector<16xf32>
        %mul3A_582 = arith.mulf %get3A_581, %get3A_581 : vector<16xf32>
        %add3A_583 = arith.addf %add3A_551, %mul3A_582 : vector<16xf32>
        %get3A_584 = arith.constant 0 : i32
        %get3A_585 = arith.index_cast %get3A_584 : i32 to index
        %get3A_586 = arith.index_cast %scan3A_89 : i32 to index
        %get3A_587 = arith.constant 976 : index
        %get3A_588 = tpu.vector_load %arg4[%get3A_585, %get3A_586, %get3A_587] {strides = array<i32>} : memref<2x8x2048xf32, #tpu.memory_space<vmem>>, vector<1x1x16xf32>,
        %get3A_589 = vector.shape_cast %get3A_588 : vector<1x1x16xf32> to vector<16xf32>
        %mul3A_590 = arith.mulf %get3A_589, %get3A_589 : vector<16xf32>
        %add3A_591 = arith.addf %add3A_559, %mul3A_590 : vector<16xf32>
        %get3A_592 = arith.constant 0 : i32
        %get3A_593 = arith.index_cast %get3A_592 : i32 to index
        %get3A_594 = arith.index_cast %scan3A_89 : i32 to index
        %get3A_595 = arith.constant 992 : index
        %get3A_596 = tpu.vector_load %arg4[%get3A_593, %get3A_594, %get3A_595] {strides = array<i32>} : memref<2x8x2048xf32, #tpu.memory_space<vmem>>, vector<1x1x16xf32>,
        %get3A_597 = vector.shape_cast %get3A_596 : vector<1x1x16xf32> to vector<16xf32>
        %mul3A_598 = arith.mulf %get3A_597, %get3A_597 : vector<16xf32>
        %add3A_599 = arith.addf %add3A_567, %mul3A_598 : vector<16xf32>
        %get3A_600 = arith.constant 0 : i32
        %get3A_601 = arith.index_cast %get3A_600 : i32 to index
        %get3A_602 = arith.index_cast %scan3A_89 : i32 to index
        %get3A_603 = arith.constant 1008 : index
        %get3A_604 = tpu.vector_load %arg4[%get3A_601, %get3A_602, %get3A_603] {strides = array<i32>} : memref<2x8x2048xf32, #tpu.memory_space<vmem>>, vector<1x1x16xf32>,
        %get3A_605 = vector.shape_cast %get3A_604 : vector<1x1x16xf32> to vector<16xf32>
        %mul3A_606 = arith.mulf %get3A_605, %get3A_605 : vector<16xf32>
        %add3A_607 = arith.addf %add3A_575, %mul3A_606 : vector<16xf32>
        %get3A_608 = arith.constant 0 : i32
        %get3A_609 = arith.index_cast %get3A_608 : i32 to index
        %get3A_610 = arith.index_cast %scan3A_89 : i32 to index
        %get3A_611 = arith.constant 1024 : index
        %get3A_612 = tpu.vector_load %arg4[%get3A_609, %get3A_610, %get3A_611] {strides = array<i32>} : memref<2x8x2048xf32, #tpu.memory_space<vmem>>, vector<1x1x16xf32>,
        %get3A_613 = vector.shape_cast %get3A_612 : vector<1x1x16xf32> to vector<16xf32>
        %mul3A_614 = arith.mulf %get3A_613, %get3A_613 : vector<16xf32>
        %add3A_615 = arith.addf %add3A_583, %mul3A_614 : vector<16xf32>
        %get3A_616 = arith.constant 0 : i32
        %get3A_617 = arith.index_cast %get3A_616 : i32 to index
        %get3A_618 = arith.index_cast %scan3A_89 : i32 to index
        %get3A_619 = arith.constant 1040 : index
        %get3A_620 = tpu.vector_load %arg4[%get3A_617, %get3A_618, %get3A_619] {strides = array<i32>} : memref<2x8x2048xf32, #tpu.memory_space<vmem>>, vector<1x1x16xf32>,
        %get3A_621 = vector.shape_cast %get3A_620 : vector<1x1x16xf32> to vector<16xf32>
        %mul3A_622 = arith.mulf %get3A_621, %get3A_621 : vector<16xf32>
        %add3A_623 = arith.addf %add3A_591, %mul3A_622 : vector<16xf32>
        %get3A_624 = arith.constant 0 : i32
        %get3A_625 = arith.index_cast %get3A_624 : i32 to index
        %get3A_626 = arith.index_cast %scan3A_89 : i32 to index
        %get3A_627 = arith.constant 1056 : index
        %get3A_628 = tpu.vector_load %arg4[%get3A_625, %get3A_626, %get3A_627] {strides = array<i32>} : memref<2x8x2048xf32, #tpu.memory_space<vmem>>, vector<1x1x16xf32>,
        %get3A_629 = vector.shape_cast %get3A_628 : vector<1x1x16xf32> to vector<16xf32>
        %mul3A_630 = arith.mulf %get3A_629, %get3A_629 : vector<16xf32>
        %add3A_631 = arith.addf %add3A_599, %mul3A_630 : vector<16xf32>
        %get3A_632 = arith.constant 0 : i32
        %get3A_633 = arith.index_cast %get3A_632 : i32 to index
        %get3A_634 = arith.index_cast %scan3A_89 : i32 to index
        %get3A_635 = arith.constant 1072 : index
        %get3A_636 = tpu.vector_load %arg4[%get3A_633, %get3A_634, %get3A_635] {strides = array<i32>} : memref<2x8x2048xf32, #tpu.memory_space<vmem>>, vector<1x1x16xf32>,
        %get3A_637 = vector.shape_cast %get3A_636 : vector<1x1x16xf32> to vector<16xf32>
        %mul3A_638 = arith.mulf %get3A_637, %get3A_637 : vector<16xf32>
        %add3A_639 = arith.addf %add3A_607, %mul3A_638 : vector<16xf32>
        %get3A_640 = arith.constant 0 : i32
        %get3A_641 = arith.index_cast %get3A_640 : i32 to index
        %get3A_642 = arith.index_cast %scan3A_89 : i32 to index
        %get3A_643 = arith.constant 1088 : index
        %get3A_644 = tpu.vector_load %arg4[%get3A_641, %get3A_642, %get3A_643] {strides = array<i32>} : memref<2x8x2048xf32, #tpu.memory_space<vmem>>, vector<1x1x16xf32>,
        %get3A_645 = vector.shape_cast %get3A_644 : vector<1x1x16xf32> to vector<16xf32>
        %mul3A_646 = arith.mulf %get3A_645, %get3A_645 : vector<16xf32>
        %add3A_647 = arith.addf %add3A_615, %mul3A_646 : vector<16xf32>
        %get3A_648 = arith.constant 0 : i32
        %get3A_649 = arith.index_cast %get3A_648 : i32 to index
        %get3A_650 = arith.index_cast %scan3A_89 : i32 to index
        %get3A_651 = arith.constant 1104 : index
        %get3A_652 = tpu.vector_load %arg4[%get3A_649, %get3A_650, %get3A_651] {strides = array<i32>} : memref<2x8x2048xf32, #tpu.memory_space<vmem>>, vector<1x1x16xf32>,
        %get3A_653 = vector.shape_cast %get3A_652 : vector<1x1x16xf32> to vector<16xf32>
        %mul3A_654 = arith.mulf %get3A_653, %get3A_653 : vector<16xf32>
        %add3A_655 = arith.addf %add3A_623, %mul3A_654 : vector<16xf32>
        %get3A_656 = arith.constant 0 : i32
        %get3A_657 = arith.index_cast %get3A_656 : i32 to index
        %get3A_658 = arith.index_cast %scan3A_89 : i32 to index
        %get3A_659 = arith.constant 1120 : index
        %get3A_660 = tpu.vector_load %arg4[%get3A_657, %get3A_658, %get3A_659] {strides = array<i32>} : memref<2x8x2048xf32, #tpu.memory_space<vmem>>, vector<1x1x16xf32>,
        %get3A_661 = vector.shape_cast %get3A_660 : vector<1x1x16xf32> to vector<16xf32>
        %mul3A_662 = arith.mulf %get3A_661, %get3A_661 : vector<16xf32>
        %add3A_663 = arith.addf %add3A_631, %mul3A_662 : vector<16xf32>
        %get3A_664 = arith.constant 0 : i32
        %get3A_665 = arith.index_cast %get3A_664 : i32 to index
        %get3A_666 = arith.index_cast %scan3A_89 : i32 to index
        %get3A_667 = arith.constant 1136 : index
        %get3A_668 = tpu.vector_load %arg4[%get3A_665, %get3A_666, %get3A_667] {strides = array<i32>} : memref<2x8x2048xf32, #tpu.memory_space<vmem>>, vector<1x1x16xf32>,
        %get3A_669 = vector.shape_cast %get3A_668 : vector<1x1x16xf32> to vector<16xf32>
        %mul3A_670 = arith.mulf %get3A_669, %get3A_669 : vector<16xf32>
        %add3A_671 = arith.addf %add3A_639, %mul3A_670 : vector<16xf32>
        %get3A_672 = arith.constant 0 : i32
        %get3A_673 = arith.index_cast %get3A_672 : i32 to index
        %get3A_674 = arith.index_cast %scan3A_89 : i32 to index
        %get3A_675 = arith.constant 1152 : index
        %get3A_676 = tpu.vector_load %arg4[%get3A_673, %get3A_674, %get3A_675] {strides = array<i32>} : memref<2x8x2048xf32, #tpu.memory_space<vmem>>, vector<1x1x16xf32>,
        %get3A_677 = vector.shape_cast %get3A_676 : vector<1x1x16xf32> to vector<16xf32>
        %mul3A_678 = arith.mulf %get3A_677, %get3A_677 : vector<16xf32>
        %add3A_679 = arith.addf %add3A_647, %mul3A_678 : vector<16xf32>
        %get3A_680 = arith.constant 0 : i32
        %get3A_681 = arith.index_cast %get3A_680 : i32 to index
        %get3A_682 = arith.index_cast %scan3A_89 : i32 to index
        %get3A_683 = arith.constant 1168 : index
        %get3A_684 = tpu.vector_load %arg4[%get3A_681, %get3A_682, %get3A_683] {strides = array<i32>} : memref<2x8x2048xf32, #tpu.memory_space<vmem>>, vector<1x1x16xf32>,
        %get3A_685 = vector.shape_cast %get3A_684 : vector<1x1x16xf32> to vector<16xf32>
        %mul3A_686 = arith.mulf %get3A_685, %get3A_685 : vector<16xf32>
        %add3A_687 = arith.addf %add3A_655, %mul3A_686 : vector<16xf32>
        %get3A_688 = arith.constant 0 : i32
        %get3A_689 = arith.index_cast %get3A_688 : i32 to index
        %get3A_690 = arith.index_cast %scan3A_89 : i32 to index
        %get3A_691 = arith.constant 1184 : index
        %get3A_692 = tpu.vector_load %arg4[%get3A_689, %get3A_690, %get3A_691] {strides = array<i32>} : memref<2x8x2048xf32, #tpu.memory_space<vmem>>, vector<1x1x16xf32>,
        %get3A_693 = vector.shape_cast %get3A_692 : vector<1x1x16xf32> to vector<16xf32>
        %mul3A_694 = arith.mulf %get3A_693, %get3A_693 : vector<16xf32>
        %add3A_695 = arith.addf %add3A_663, %mul3A_694 : vector<16xf32>
        %get3A_696 = arith.constant 0 : i32
        %get3A_697 = arith.index_cast %get3A_696 : i32 to index
        %get3A_698 = arith.index_cast %scan3A_89 : i32 to index
        %get3A_699 = arith.constant 1200 : index
        %get3A_700 = tpu.vector_load %arg4[%get3A_697, %get3A_698, %get3A_699] {strides = array<i32>} : memref<2x8x2048xf32, #tpu.memory_space<vmem>>, vector<1x1x16xf32>,
        %get3A_701 = vector.shape_cast %get3A_700 : vector<1x1x16xf32> to vector<16xf32>
        %mul3A_702 = arith.mulf %get3A_701, %get3A_701 : vector<16xf32>
        %add3A_703 = arith.addf %add3A_671, %mul3A_702 : vector<16xf32>
        %get3A_704 = arith.constant 0 : i32
        %get3A_705 = arith.index_cast %get3A_704 : i32 to index
        %get3A_706 = arith.index_cast %scan3A_89 : i32 to index
        %get3A_707 = arith.constant 1216 : index
        %get3A_708 = tpu.vector_load %arg4[%get3A_705, %get3A_706, %get3A_707] {strides = array<i32>} : memref<2x8x2048xf32, #tpu.memory_space<vmem>>, vector<1x1x16xf32>,
        %get3A_709 = vector.shape_cast %get3A_708 : vector<1x1x16xf32> to vector<16xf32>
        %mul3A_710 = arith.mulf %get3A_709, %get3A_709 : vector<16xf32>
        %add3A_711 = arith.addf %add3A_679, %mul3A_710 : vector<16xf32>
        %get3A_712 = arith.constant 0 : i32
        %get3A_713 = arith.index_cast %get3A_712 : i32 to index
        %get3A_714 = arith.index_cast %scan3A_89 : i32 to index
        %get3A_715 = arith.constant 1232 : index
        %get3A_716 = tpu.vector_load %arg4[%get3A_713, %get3A_714, %get3A_715] {strides = array<i32>} : memref<2x8x2048xf32, #tpu.memory_space<vmem>>, vector<1x1x16xf32>,
        %get3A_717 = vector.shape_cast %get3A_716 : vector<1x1x16xf32> to vector<16xf32>
        %mul3A_718 = arith.mulf %get3A_717, %get3A_717 : vector<16xf32>
        %add3A_719 = arith.addf %add3A_687, %mul3A_718 : vector<16xf32>
        %get3A_720 = arith.constant 0 : i32
        %get3A_721 = arith.index_cast %get3A_720 : i32 to index
        %get3A_722 = arith.index_cast %scan3A_89 : i32 to index
        %get3A_723 = arith.constant 1248 : index
        %get3A_724 = tpu.vector_load %arg4[%get3A_721, %get3A_722, %get3A_723] {strides = array<i32>} : memref<2x8x2048xf32, #tpu.memory_space<vmem>>, vector<1x1x16xf32>,
        %get3A_725 = vector.shape_cast %get3A_724 : vector<1x1x16xf32> to vector<16xf32>
        %mul3A_726 = arith.mulf %get3A_725, %get3A_725 : vector<16xf32>
        %add3A_727 = arith.addf %add3A_695, %mul3A_726 : vector<16xf32>
        %get3A_728 = arith.constant 0 : i32
        %get3A_729 = arith.index_cast %get3A_728 : i32 to index
        %get3A_730 = arith.index_cast %scan3A_89 : i32 to index
        %get3A_731 = arith.constant 1264 : index
        %get3A_732 = tpu.vector_load %arg4[%get3A_729, %get3A_730, %get3A_731] {strides = array<i32>} : memref<2x8x2048xf32, #tpu.memory_space<vmem>>, vector<1x1x16xf32>,
        %get3A_733 = vector.shape_cast %get3A_732 : vector<1x1x16xf32> to vector<16xf32>
        %mul3A_734 = arith.mulf %get3A_733, %get3A_733 : vector<16xf32>
        %add3A_735 = arith.addf %add3A_703, %mul3A_734 : vector<16xf32>
        %get3A_736 = arith.constant 0 : i32
        %get3A_737 = arith.index_cast %get3A_736 : i32 to index
        %get3A_738 = arith.index_cast %scan3A_89 : i32 to index
        %get3A_739 = arith.constant 1280 : index
        %get3A_740 = tpu.vector_load %arg4[%get3A_737, %get3A_738, %get3A_739] {strides = array<i32>} : memref<2x8x2048xf32, #tpu.memory_space<vmem>>, vector<1x1x16xf32>,
        %get3A_741 = vector.shape_cast %get3A_740 : vector<1x1x16xf32> to vector<16xf32>
        %mul3A_742 = arith.mulf %get3A_741, %get3A_741 : vector<16xf32>
        %add3A_743 = arith.addf %add3A_711, %mul3A_742 : vector<16xf32>
        %get3A_744 = arith.constant 0 : i32
        %get3A_745 = arith.index_cast %get3A_744 : i32 to index
        %get3A_746 = arith.index_cast %scan3A_89 : i32 to index
        %get3A_747 = arith.constant 1296 : index
        %get3A_748 = tpu.vector_load %arg4[%get3A_745, %get3A_746, %get3A_747] {strides = array<i32>} : memref<2x8x2048xf32, #tpu.memory_space<vmem>>, vector<1x1x16xf32>,
        %get3A_749 = vector.shape_cast %get3A_748 : vector<1x1x16xf32> to vector<16xf32>
        %mul3A_750 = arith.mulf %get3A_749, %get3A_749 : vector<16xf32>
        %add3A_751 = arith.addf %add3A_719, %mul3A_750 : vector<16xf32>
        %get3A_752 = arith.constant 0 : i32
        %get3A_753 = arith.index_cast %get3A_752 : i32 to index
        %get3A_754 = arith.index_cast %scan3A_89 : i32 to index
        %get3A_755 = arith.constant 1312 : index
        %get3A_756 = tpu.vector_load %arg4[%get3A_753, %get3A_754, %get3A_755] {strides = array<i32>} : memref<2x8x2048xf32, #tpu.memory_space<vmem>>, vector<1x1x16xf32>,
        %get3A_757 = vector.shape_cast %get3A_756 : vector<1x1x16xf32> to vector<16xf32>
        %mul3A_758 = arith.mulf %get3A_757, %get3A_757 : vector<16xf32>
        %add3A_759 = arith.addf %add3A_727, %mul3A_758 : vector<16xf32>
        %get3A_760 = arith.constant 0 : i32
        %get3A_761 = arith.index_cast %get3A_760 : i32 to index
        %get3A_762 = arith.index_cast %scan3A_89 : i32 to index
        %get3A_763 = arith.constant 1328 : index
        %get3A_764 = tpu.vector_load %arg4[%get3A_761, %get3A_762, %get3A_763] {strides = array<i32>} : memref<2x8x2048xf32, #tpu.memory_space<vmem>>, vector<1x1x16xf32>,
        %get3A_765 = vector.shape_cast %get3A_764 : vector<1x1x16xf32> to vector<16xf32>
        %mul3A_766 = arith.mulf %get3A_765, %get3A_765 : vector<16xf32>
        %add3A_767 = arith.addf %add3A_735, %mul3A_766 : vector<16xf32>
        %get3A_768 = arith.constant 0 : i32
        %get3A_769 = arith.index_cast %get3A_768 : i32 to index
        %get3A_770 = arith.index_cast %scan3A_89 : i32 to index
        %get3A_771 = arith.constant 1344 : index
        %get3A_772 = tpu.vector_load %arg4[%get3A_769, %get3A_770, %get3A_771] {strides = array<i32>} : memref<2x8x2048xf32, #tpu.memory_space<vmem>>, vector<1x1x16xf32>,
        %get3A_773 = vector.shape_cast %get3A_772 : vector<1x1x16xf32> to vector<16xf32>
        %mul3A_774 = arith.mulf %get3A_773, %get3A_773 : vector<16xf32>
        %add3A_775 = arith.addf %add3A_743, %mul3A_774 : vector<16xf32>
        %get3A_776 = arith.constant 0 : i32
        %get3A_777 = arith.index_cast %get3A_776 : i32 to index
        %get3A_778 = arith.index_cast %scan3A_89 : i32 to index
        %get3A_779 = arith.constant 1360 : index
        %get3A_780 = tpu.vector_load %arg4[%get3A_777, %get3A_778, %get3A_779] {strides = array<i32>} : memref<2x8x2048xf32, #tpu.memory_space<vmem>>, vector<1x1x16xf32>,
        %get3A_781 = vector.shape_cast %get3A_780 : vector<1x1x16xf32> to vector<16xf32>
        %mul3A_782 = arith.mulf %get3A_781, %get3A_781 : vector<16xf32>
        %add3A_783 = arith.addf %add3A_751, %mul3A_782 : vector<16xf32>
        %get3A_784 = arith.constant 0 : i32
        %get3A_785 = arith.index_cast %get3A_784 : i32 to index
        %get3A_786 = arith.index_cast %scan3A_89 : i32 to index
        %get3A_787 = arith.constant 1376 : index
        %get3A_788 = tpu.vector_load %arg4[%get3A_785, %get3A_786, %get3A_787] {strides = array<i32>} : memref<2x8x2048xf32, #tpu.memory_space<vmem>>, vector<1x1x16xf32>,
        %get3A_789 = vector.shape_cast %get3A_788 : vector<1x1x16xf32> to vector<16xf32>
        %mul3A_790 = arith.mulf %get3A_789, %get3A_789 : vector<16xf32>
        %add3A_791 = arith.addf %add3A_759, %mul3A_790 : vector<16xf32>
        %get3A_792 = arith.constant 0 : i32
        %get3A_793 = arith.index_cast %get3A_792 : i32 to index
        %get3A_794 = arith.index_cast %scan3A_89 : i32 to index
        %get3A_795 = arith.constant 1392 : index
        %get3A_796 = tpu.vector_load %arg4[%get3A_793, %get3A_794, %get3A_795] {strides = array<i32>} : memref<2x8x2048xf32, #tpu.memory_space<vmem>>, vector<1x1x16xf32>,
        %get3A_797 = vector.shape_cast %get3A_796 : vector<1x1x16xf32> to vector<16xf32>
        %mul3A_798 = arith.mulf %get3A_797, %get3A_797 : vector<16xf32>
        %add3A_799 = arith.addf %add3A_767, %mul3A_798 : vector<16xf32>
        %get3A_800 = arith.constant 0 : i32
        %get3A_801 = arith.index_cast %get3A_800 : i32 to index
        %get3A_802 = arith.index_cast %scan3A_89 : i32 to index
        %get3A_803 = arith.constant 1408 : index
        %get3A_804 = tpu.vector_load %arg4[%get3A_801, %get3A_802, %get3A_803] {strides = array<i32>} : memref<2x8x2048xf32, #tpu.memory_space<vmem>>, vector<1x1x16xf32>,
        %get3A_805 = vector.shape_cast %get3A_804 : vector<1x1x16xf32> to vector<16xf32>
        %mul3A_806 = arith.mulf %get3A_805, %get3A_805 : vector<16xf32>
        %add3A_807 = arith.addf %add3A_775, %mul3A_806 : vector<16xf32>
        %get3A_808 = arith.constant 0 : i32
        %get3A_809 = arith.index_cast %get3A_808 : i32 to index
        %get3A_810 = arith.index_cast %scan3A_89 : i32 to index
        %get3A_811 = arith.constant 1424 : index
        %get3A_812 = tpu.vector_load %arg4[%get3A_809, %get3A_810, %get3A_811] {strides = array<i32>} : memref<2x8x2048xf32, #tpu.memory_space<vmem>>, vector<1x1x16xf32>,
        %get3A_813 = vector.shape_cast %get3A_812 : vector<1x1x16xf32> to vector<16xf32>
        %mul3A_814 = arith.mulf %get3A_813, %get3A_813 : vector<16xf32>
        %add3A_815 = arith.addf %add3A_783, %mul3A_814 : vector<16xf32>
        %get3A_816 = arith.constant 0 : i32
        %get3A_817 = arith.index_cast %get3A_816 : i32 to index
        %get3A_818 = arith.index_cast %scan3A_89 : i32 to index
        %get3A_819 = arith.constant 1440 : index
        %get3A_820 = tpu.vector_load %arg4[%get3A_817, %get3A_818, %get3A_819] {strides = array<i32>} : memref<2x8x2048xf32, #tpu.memory_space<vmem>>, vector<1x1x16xf32>,
        %get3A_821 = vector.shape_cast %get3A_820 : vector<1x1x16xf32> to vector<16xf32>
        %mul3A_822 = arith.mulf %get3A_821, %get3A_821 : vector<16xf32>
        %add3A_823 = arith.addf %add3A_791, %mul3A_822 : vector<16xf32>
        %get3A_824 = arith.constant 0 : i32
        %get3A_825 = arith.index_cast %get3A_824 : i32 to index
        %get3A_826 = arith.index_cast %scan3A_89 : i32 to index
        %get3A_827 = arith.constant 1456 : index
        %get3A_828 = tpu.vector_load %arg4[%get3A_825, %get3A_826, %get3A_827] {strides = array<i32>} : memref<2x8x2048xf32, #tpu.memory_space<vmem>>, vector<1x1x16xf32>,
        %get3A_829 = vector.shape_cast %get3A_828 : vector<1x1x16xf32> to vector<16xf32>
        %mul3A_830 = arith.mulf %get3A_829, %get3A_829 : vector<16xf32>
        %add3A_831 = arith.addf %add3A_799, %mul3A_830 : vector<16xf32>
        %get3A_832 = arith.constant 0 : i32
        %get3A_833 = arith.index_cast %get3A_832 : i32 to index
        %get3A_834 = arith.index_cast %scan3A_89 : i32 to index
        %get3A_835 = arith.constant 1472 : index
        %get3A_836 = tpu.vector_load %arg4[%get3A_833, %get3A_834, %get3A_835] {strides = array<i32>} : memref<2x8x2048xf32, #tpu.memory_space<vmem>>, vector<1x1x16xf32>,
        %get3A_837 = vector.shape_cast %get3A_836 : vector<1x1x16xf32> to vector<16xf32>
        %mul3A_838 = arith.mulf %get3A_837, %get3A_837 : vector<16xf32>
        %add3A_839 = arith.addf %add3A_807, %mul3A_838 : vector<16xf32>
        %get3A_840 = arith.constant 0 : i32
        %get3A_841 = arith.index_cast %get3A_840 : i32 to index
        %get3A_842 = arith.index_cast %scan3A_89 : i32 to index
        %get3A_843 = arith.constant 1488 : index
        %get3A_844 = tpu.vector_load %arg4[%get3A_841, %get3A_842, %get3A_843] {strides = array<i32>} : memref<2x8x2048xf32, #tpu.memory_space<vmem>>, vector<1x1x16xf32>,
        %get3A_845 = vector.shape_cast %get3A_844 : vector<1x1x16xf32> to vector<16xf32>
        %mul3A_846 = arith.mulf %get3A_845, %get3A_845 : vector<16xf32>
        %add3A_847 = arith.addf %add3A_815, %mul3A_846 : vector<16xf32>
        %get3A_848 = arith.constant 0 : i32
        %get3A_849 = arith.index_cast %get3A_848 : i32 to index
        %get3A_850 = arith.index_cast %scan3A_89 : i32 to index
        %get3A_851 = arith.constant 1504 : index
        %get3A_852 = tpu.vector_load %arg4[%get3A_849, %get3A_850, %get3A_851] {strides = array<i32>} : memref<2x8x2048xf32, #tpu.memory_space<vmem>>, vector<1x1x16xf32>,
        %get3A_853 = vector.shape_cast %get3A_852 : vector<1x1x16xf32> to vector<16xf32>
        %mul3A_854 = arith.mulf %get3A_853, %get3A_853 : vector<16xf32>
        %add3A_855 = arith.addf %add3A_823, %mul3A_854 : vector<16xf32>
        %get3A_856 = arith.constant 0 : i32
        %get3A_857 = arith.index_cast %get3A_856 : i32 to index
        %get3A_858 = arith.index_cast %scan3A_89 : i32 to index
        %get3A_859 = arith.constant 1520 : index
        %get3A_860 = tpu.vector_load %arg4[%get3A_857, %get3A_858, %get3A_859] {strides = array<i32>} : memref<2x8x2048xf32, #tpu.memory_space<vmem>>, vector<1x1x16xf32>,
        %get3A_861 = vector.shape_cast %get3A_860 : vector<1x1x16xf32> to vector<16xf32>
        %mul3A_862 = arith.mulf %get3A_861, %get3A_861 : vector<16xf32>
        %add3A_863 = arith.addf %add3A_831, %mul3A_862 : vector<16xf32>
        %get3A_864 = arith.constant 0 : i32
        %get3A_865 = arith.index_cast %get3A_864 : i32 to index
        %get3A_866 = arith.index_cast %scan3A_89 : i32 to index
        %get3A_867 = arith.constant 1536 : index
        %get3A_868 = tpu.vector_load %arg4[%get3A_865, %get3A_866, %get3A_867] {strides = array<i32>} : memref<2x8x2048xf32, #tpu.memory_space<vmem>>, vector<1x1x16xf32>,
        %get3A_869 = vector.shape_cast %get3A_868 : vector<1x1x16xf32> to vector<16xf32>
        %mul3A_870 = arith.mulf %get3A_869, %get3A_869 : vector<16xf32>
        %add3A_871 = arith.addf %add3A_839, %mul3A_870 : vector<16xf32>
        %get3A_872 = arith.constant 0 : i32
        %get3A_873 = arith.index_cast %get3A_872 : i32 to index
        %get3A_874 = arith.index_cast %scan3A_89 : i32 to index
        %get3A_875 = arith.constant 1552 : index
        %get3A_876 = tpu.vector_load %arg4[%get3A_873, %get3A_874, %get3A_875] {strides = array<i32>} : memref<2x8x2048xf32, #tpu.memory_space<vmem>>, vector<1x1x16xf32>,
        %get3A_877 = vector.shape_cast %get3A_876 : vector<1x1x16xf32> to vector<16xf32>
        %mul3A_878 = arith.mulf %get3A_877, %get3A_877 : vector<16xf32>
        %add3A_879 = arith.addf %add3A_847, %mul3A_878 : vector<16xf32>
        %get3A_880 = arith.constant 0 : i32
        %get3A_881 = arith.index_cast %get3A_880 : i32 to index
        %get3A_882 = arith.index_cast %scan3A_89 : i32 to index
        %get3A_883 = arith.constant 1568 : index
        %get3A_884 = tpu.vector_load %arg4[%get3A_881, %get3A_882, %get3A_883] {strides = array<i32>} : memref<2x8x2048xf32, #tpu.memory_space<vmem>>, vector<1x1x16xf32>,
        %get3A_885 = vector.shape_cast %get3A_884 : vector<1x1x16xf32> to vector<16xf32>
        %mul3A_886 = arith.mulf %get3A_885, %get3A_885 : vector<16xf32>
        %add3A_887 = arith.addf %add3A_855, %mul3A_886 : vector<16xf32>
        %get3A_888 = arith.constant 0 : i32
        %get3A_889 = arith.index_cast %get3A_888 : i32 to index
        %get3A_890 = arith.index_cast %scan3A_89 : i32 to index
        %get3A_891 = arith.constant 1584 : index
        %get3A_892 = tpu.vector_load %arg4[%get3A_889, %get3A_890, %get3A_891] {strides = array<i32>} : memref<2x8x2048xf32, #tpu.memory_space<vmem>>, vector<1x1x16xf32>,
        %get3A_893 = vector.shape_cast %get3A_892 : vector<1x1x16xf32> to vector<16xf32>
        %mul3A_894 = arith.mulf %get3A_893, %get3A_893 : vector<16xf32>
        %add3A_895 = arith.addf %add3A_863, %mul3A_894 : vector<16xf32>
        %get3A_896 = arith.constant 0 : i32
        %get3A_897 = arith.index_cast %get3A_896 : i32 to index
        %get3A_898 = arith.index_cast %scan3A_89 : i32 to index
        %get3A_899 = arith.constant 1600 : index
        %get3A_900 = tpu.vector_load %arg4[%get3A_897, %get3A_898, %get3A_899] {strides = array<i32>} : memref<2x8x2048xf32, #tpu.memory_space<vmem>>, vector<1x1x16xf32>,
        %get3A_901 = vector.shape_cast %get3A_900 : vector<1x1x16xf32> to vector<16xf32>
        %mul3A_902 = arith.mulf %get3A_901, %get3A_901 : vector<16xf32>
        %add3A_903 = arith.addf %add3A_871, %mul3A_902 : vector<16xf32>
        %get3A_904 = arith.constant 0 : i32
        %get3A_905 = arith.index_cast %get3A_904 : i32 to index
        %get3A_906 = arith.index_cast %scan3A_89 : i32 to index
        %get3A_907 = arith.constant 1616 : index
        %get3A_908 = tpu.vector_load %arg4[%get3A_905, %get3A_906, %get3A_907] {strides = array<i32>} : memref<2x8x2048xf32, #tpu.memory_space<vmem>>, vector<1x1x16xf32>,
        %get3A_909 = vector.shape_cast %get3A_908 : vector<1x1x16xf32> to vector<16xf32>
        %mul3A_910 = arith.mulf %get3A_909, %get3A_909 : vector<16xf32>
        %add3A_911 = arith.addf %add3A_879, %mul3A_910 : vector<16xf32>
        %get3A_912 = arith.constant 0 : i32
        %get3A_913 = arith.index_cast %get3A_912 : i32 to index
        %get3A_914 = arith.index_cast %scan3A_89 : i32 to index
        %get3A_915 = arith.constant 1632 : index
        %get3A_916 = tpu.vector_load %arg4[%get3A_913, %get3A_914, %get3A_915] {strides = array<i32>} : memref<2x8x2048xf32, #tpu.memory_space<vmem>>, vector<1x1x16xf32>,
        %get3A_917 = vector.shape_cast %get3A_916 : vector<1x1x16xf32> to vector<16xf32>
        %mul3A_918 = arith.mulf %get3A_917, %get3A_917 : vector<16xf32>
        %add3A_919 = arith.addf %add3A_887, %mul3A_918 : vector<16xf32>
        %get3A_920 = arith.constant 0 : i32
        %get3A_921 = arith.index_cast %get3A_920 : i32 to index
        %get3A_922 = arith.index_cast %scan3A_89 : i32 to index
        %get3A_923 = arith.constant 1648 : index
        %get3A_924 = tpu.vector_load %arg4[%get3A_921, %get3A_922, %get3A_923] {strides = array<i32>} : memref<2x8x2048xf32, #tpu.memory_space<vmem>>, vector<1x1x16xf32>,
        %get3A_925 = vector.shape_cast %get3A_924 : vector<1x1x16xf32> to vector<16xf32>
        %mul3A_926 = arith.mulf %get3A_925, %get3A_925 : vector<16xf32>
        %add3A_927 = arith.addf %add3A_895, %mul3A_926 : vector<16xf32>
        %get3A_928 = arith.constant 0 : i32
        %get3A_929 = arith.index_cast %get3A_928 : i32 to index
        %get3A_930 = arith.index_cast %scan3A_89 : i32 to index
        %get3A_931 = arith.constant 1664 : index
        %get3A_932 = tpu.vector_load %arg4[%get3A_929, %get3A_930, %get3A_931] {strides = array<i32>} : memref<2x8x2048xf32, #tpu.memory_space<vmem>>, vector<1x1x16xf32>,
        %get3A_933 = vector.shape_cast %get3A_932 : vector<1x1x16xf32> to vector<16xf32>
        %mul3A_934 = arith.mulf %get3A_933, %get3A_933 : vector<16xf32>
        %add3A_935 = arith.addf %add3A_903, %mul3A_934 : vector<16xf32>
        %get3A_936 = arith.constant 0 : i32
        %get3A_937 = arith.index_cast %get3A_936 : i32 to index
        %get3A_938 = arith.index_cast %scan3A_89 : i32 to index
        %get3A_939 = arith.constant 1680 : index
        %get3A_940 = tpu.vector_load %arg4[%get3A_937, %get3A_938, %get3A_939] {strides = array<i32>} : memref<2x8x2048xf32, #tpu.memory_space<vmem>>, vector<1x1x16xf32>,
        %get3A_941 = vector.shape_cast %get3A_940 : vector<1x1x16xf32> to vector<16xf32>
        %mul3A_942 = arith.mulf %get3A_941, %get3A_941 : vector<16xf32>
        %add3A_943 = arith.addf %add3A_911, %mul3A_942 : vector<16xf32>
        %get3A_944 = arith.constant 0 : i32
        %get3A_945 = arith.index_cast %get3A_944 : i32 to index
        %get3A_946 = arith.index_cast %scan3A_89 : i32 to index
        %get3A_947 = arith.constant 1696 : index
        %get3A_948 = tpu.vector_load %arg4[%get3A_945, %get3A_946, %get3A_947] {strides = array<i32>} : memref<2x8x2048xf32, #tpu.memory_space<vmem>>, vector<1x1x16xf32>,
        %get3A_949 = vector.shape_cast %get3A_948 : vector<1x1x16xf32> to vector<16xf32>
        %mul3A_950 = arith.mulf %get3A_949, %get3A_949 : vector<16xf32>
        %add3A_951 = arith.addf %add3A_919, %mul3A_950 : vector<16xf32>
        %get3A_952 = arith.constant 0 : i32
        %get3A_953 = arith.index_cast %get3A_952 : i32 to index
        %get3A_954 = arith.index_cast %scan3A_89 : i32 to index
        %get3A_955 = arith.constant 1712 : index
        %get3A_956 = tpu.vector_load %arg4[%get3A_953, %get3A_954, %get3A_955] {strides = array<i32>} : memref<2x8x2048xf32, #tpu.memory_space<vmem>>, vector<1x1x16xf32>,
        %get3A_957 = vector.shape_cast %get3A_956 : vector<1x1x16xf32> to vector<16xf32>
        %mul3A_958 = arith.mulf %get3A_957, %get3A_957 : vector<16xf32>
        %add3A_959 = arith.addf %add3A_927, %mul3A_958 : vector<16xf32>
        %get3A_960 = arith.constant 0 : i32
        %get3A_961 = arith.index_cast %get3A_960 : i32 to index
        %get3A_962 = arith.index_cast %scan3A_89 : i32 to index
        %get3A_963 = arith.constant 1728 : index
        %get3A_964 = tpu.vector_load %arg4[%get3A_961, %get3A_962, %get3A_963] {strides = array<i32>} : memref<2x8x2048xf32, #tpu.memory_space<vmem>>, vector<1x1x16xf32>,
        %get3A_965 = vector.shape_cast %get3A_964 : vector<1x1x16xf32> to vector<16xf32>
        %mul3A_966 = arith.mulf %get3A_965, %get3A_965 : vector<16xf32>
        %add3A_967 = arith.addf %add3A_935, %mul3A_966 : vector<16xf32>
        %get3A_968 = arith.constant 0 : i32
        %get3A_969 = arith.index_cast %get3A_968 : i32 to index
        %get3A_970 = arith.index_cast %scan3A_89 : i32 to index
        %get3A_971 = arith.constant 1744 : index
        %get3A_972 = tpu.vector_load %arg4[%get3A_969, %get3A_970, %get3A_971] {strides = array<i32>} : memref<2x8x2048xf32, #tpu.memory_space<vmem>>, vector<1x1x16xf32>,
        %get3A_973 = vector.shape_cast %get3A_972 : vector<1x1x16xf32> to vector<16xf32>
        %mul3A_974 = arith.mulf %get3A_973, %get3A_973 : vector<16xf32>
        %add3A_975 = arith.addf %add3A_943, %mul3A_974 : vector<16xf32>
        %get3A_976 = arith.constant 0 : i32
        %get3A_977 = arith.index_cast %get3A_976 : i32 to index
        %get3A_978 = arith.index_cast %scan3A_89 : i32 to index
        %get3A_979 = arith.constant 1760 : index
        %get3A_980 = tpu.vector_load %arg4[%get3A_977, %get3A_978, %get3A_979] {strides = array<i32>} : memref<2x8x2048xf32, #tpu.memory_space<vmem>>, vector<1x1x16xf32>,
        %get3A_981 = vector.shape_cast %get3A_980 : vector<1x1x16xf32> to vector<16xf32>
        %mul3A_982 = arith.mulf %get3A_981, %get3A_981 : vector<16xf32>
        %add3A_983 = arith.addf %add3A_951, %mul3A_982 : vector<16xf32>
        %get3A_984 = arith.constant 0 : i32
        %get3A_985 = arith.index_cast %get3A_984 : i32 to index
        %get3A_986 = arith.index_cast %scan3A_89 : i32 to index
        %get3A_987 = arith.constant 1776 : index
        %get3A_988 = tpu.vector_load %arg4[%get3A_985, %get3A_986, %get3A_987] {strides = array<i32>} : memref<2x8x2048xf32, #tpu.memory_space<vmem>>, vector<1x1x16xf32>,
        %get3A_989 = vector.shape_cast %get3A_988 : vector<1x1x16xf32> to vector<16xf32>
        %mul3A_990 = arith.mulf %get3A_989, %get3A_989 : vector<16xf32>
        %add3A_991 = arith.addf %add3A_959, %mul3A_990 : vector<16xf32>
        %get3A_992 = arith.constant 0 : i32
        %get3A_993 = arith.index_cast %get3A_992 : i32 to index
        %get3A_994 = arith.index_cast %scan3A_89 : i32 to index
        %get3A_995 = arith.constant 1792 : index
        %get3A_996 = tpu.vector_load %arg4[%get3A_993, %get3A_994, %get3A_995] {strides = array<i32>} : memref<2x8x2048xf32, #tpu.memory_space<vmem>>, vector<1x1x16xf32>,
        %get3A_997 = vector.shape_cast %get3A_996 : vector<1x1x16xf32> to vector<16xf32>
        %mul3A_998 = arith.mulf %get3A_997, %get3A_997 : vector<16xf32>
        %add3A_999 = arith.addf %add3A_967, %mul3A_998 : vector<16xf32>
        %get3A_1000 = arith.constant 0 : i32
        %get3A_1001 = arith.index_cast %get3A_1000 : i32 to index
        %get3A_1002 = arith.index_cast %scan3A_89 : i32 to index
        %get3A_1003 = arith.constant 1808 : index
        %get3A_1004 = tpu.vector_load %arg4[%get3A_1001, %get3A_1002, %get3A_1003] {strides = array<i32>} : memref<2x8x2048xf32, #tpu.memory_space<vmem>>, vector<1x1x16xf32>,
        %get3A_1005 = vector.shape_cast %get3A_1004 : vector<1x1x16xf32> to vector<16xf32>
        %mul3A_1006 = arith.mulf %get3A_1005, %get3A_1005 : vector<16xf32>
        %add3A_1007 = arith.addf %add3A_975, %mul3A_1006 : vector<16xf32>
        %get3A_1008 = arith.constant 0 : i32
        %get3A_1009 = arith.index_cast %get3A_1008 : i32 to index
        %get3A_1010 = arith.index_cast %scan3A_89 : i32 to index
        %get3A_1011 = arith.constant 1824 : index
        %get3A_1012 = tpu.vector_load %arg4[%get3A_1009, %get3A_1010, %get3A_1011] {strides = array<i32>} : memref<2x8x2048xf32, #tpu.memory_space<vmem>>, vector<1x1x16xf32>,
        %get3A_1013 = vector.shape_cast %get3A_1012 : vector<1x1x16xf32> to vector<16xf32>
        %mul3A_1014 = arith.mulf %get3A_1013, %get3A_1013 : vector<16xf32>
        %add3A_1015 = arith.addf %add3A_983, %mul3A_1014 : vector<16xf32>
        %get3A_1016 = arith.constant 0 : i32
        %get3A_1017 = arith.index_cast %get3A_1016 : i32 to index
        %get3A_1018 = arith.index_cast %scan3A_89 : i32 to index
        %get3A_1019 = arith.constant 1840 : index
        %get3A_1020 = tpu.vector_load %arg4[%get3A_1017, %get3A_1018, %get3A_1019] {strides = array<i32>} : memref<2x8x2048xf32, #tpu.memory_space<vmem>>, vector<1x1x16xf32>,
        %get3A_1021 = vector.shape_cast %get3A_1020 : vector<1x1x16xf32> to vector<16xf32>
        %mul3A_1022 = arith.mulf %get3A_1021, %get3A_1021 : vector<16xf32>
        %add3A_1023 = arith.addf %add3A_991, %mul3A_1022 : vector<16xf32>
        %get3A_1024 = arith.constant 0 : i32
        %get3A_1025 = arith.index_cast %get3A_1024 : i32 to index
        %get3A_1026 = arith.index_cast %scan3A_89 : i32 to index
        %get3A_1027 = arith.constant 1856 : index
        %get3A_1028 = tpu.vector_load %arg4[%get3A_1025, %get3A_1026, %get3A_1027] {strides = array<i32>} : memref<2x8x2048xf32, #tpu.memory_space<vmem>>, vector<1x1x16xf32>,
        %get3A_1029 = vector.shape_cast %get3A_1028 : vector<1x1x16xf32> to vector<16xf32>
        %mul3A_1030 = arith.mulf %get3A_1029, %get3A_1029 : vector<16xf32>
        %add3A_1031 = arith.addf %add3A_999, %mul3A_1030 : vector<16xf32>
        %get3A_1032 = arith.constant 0 : i32
        %get3A_1033 = arith.index_cast %get3A_1032 : i32 to index
        %get3A_1034 = arith.index_cast %scan3A_89 : i32 to index
        %get3A_1035 = arith.constant 1872 : index
        %get3A_1036 = tpu.vector_load %arg4[%get3A_1033, %get3A_1034, %get3A_1035] {strides = array<i32>} : memref<2x8x2048xf32, #tpu.memory_space<vmem>>, vector<1x1x16xf32>,
        %get3A_1037 = vector.shape_cast %get3A_1036 : vector<1x1x16xf32> to vector<16xf32>
        %mul3A_1038 = arith.mulf %get3A_1037, %get3A_1037 : vector<16xf32>
        %add3A_1039 = arith.addf %add3A_1007, %mul3A_1038 : vector<16xf32>
        %get3A_1040 = arith.constant 0 : i32
        %get3A_1041 = arith.index_cast %get3A_1040 : i32 to index
        %get3A_1042 = arith.index_cast %scan3A_89 : i32 to index
        %get3A_1043 = arith.constant 1888 : index
        %get3A_1044 = tpu.vector_load %arg4[%get3A_1041, %get3A_1042, %get3A_1043] {strides = array<i32>} : memref<2x8x2048xf32, #tpu.memory_space<vmem>>, vector<1x1x16xf32>,
        %get3A_1045 = vector.shape_cast %get3A_1044 : vector<1x1x16xf32> to vector<16xf32>
        %mul3A_1046 = arith.mulf %get3A_1045, %get3A_1045 : vector<16xf32>
        %add3A_1047 = arith.addf %add3A_1015, %mul3A_1046 : vector<16xf32>
        %get3A_1048 = arith.constant 0 : i32
        %get3A_1049 = arith.index_cast %get3A_1048 : i32 to index
        %get3A_1050 = arith.index_cast %scan3A_89 : i32 to index
        %get3A_1051 = arith.constant 1904 : index
        %get3A_1052 = tpu.vector_load %arg4[%get3A_1049, %get3A_1050, %get3A_1051] {strides = array<i32>} : memref<2x8x2048xf32, #tpu.memory_space<vmem>>, vector<1x1x16xf32>,
        %get3A_1053 = vector.shape_cast %get3A_1052 : vector<1x1x16xf32> to vector<16xf32>
        %mul3A_1054 = arith.mulf %get3A_1053, %get3A_1053 : vector<16xf32>
        %add3A_1055 = arith.addf %add3A_1023, %mul3A_1054 : vector<16xf32>
        %get3A_1056 = arith.constant 0 : i32
        %get3A_1057 = arith.index_cast %get3A_1056 : i32 to index
        %get3A_1058 = arith.index_cast %scan3A_89 : i32 to index
        %get3A_1059 = arith.constant 1920 : index
        %get3A_1060 = tpu.vector_load %arg4[%get3A_1057, %get3A_1058, %get3A_1059] {strides = array<i32>} : memref<2x8x2048xf32, #tpu.memory_space<vmem>>, vector<1x1x16xf32>,
        %get3A_1061 = vector.shape_cast %get3A_1060 : vector<1x1x16xf32> to vector<16xf32>
        %mul3A_1062 = arith.mulf %get3A_1061, %get3A_1061 : vector<16xf32>
        %add3A_1063 = arith.addf %add3A_1031, %mul3A_1062 : vector<16xf32>
        %get3A_1064 = arith.constant 0 : i32
        %get3A_1065 = arith.index_cast %get3A_1064 : i32 to index
        %get3A_1066 = arith.index_cast %scan3A_89 : i32 to index
        %get3A_1067 = arith.constant 1936 : index
        %get3A_1068 = tpu.vector_load %arg4[%get3A_1065, %get3A_1066, %get3A_1067] {strides = array<i32>} : memref<2x8x2048xf32, #tpu.memory_space<vmem>>, vector<1x1x16xf32>,
        %get3A_1069 = vector.shape_cast %get3A_1068 : vector<1x1x16xf32> to vector<16xf32>
        %mul3A_1070 = arith.mulf %get3A_1069, %get3A_1069 : vector<16xf32>
        %add3A_1071 = arith.addf %add3A_1039, %mul3A_1070 : vector<16xf32>
        %get3A_1072 = arith.constant 0 : i32
        %get3A_1073 = arith.index_cast %get3A_1072 : i32 to index
        %get3A_1074 = arith.index_cast %scan3A_89 : i32 to index
        %get3A_1075 = arith.constant 1952 : index
        %get3A_1076 = tpu.vector_load %arg4[%get3A_1073, %get3A_1074, %get3A_1075] {strides = array<i32>} : memref<2x8x2048xf32, #tpu.memory_space<vmem>>, vector<1x1x16xf32>,
        %get3A_1077 = vector.shape_cast %get3A_1076 : vector<1x1x16xf32> to vector<16xf32>
        %mul3A_1078 = arith.mulf %get3A_1077, %get3A_1077 : vector<16xf32>
        %add3A_1079 = arith.addf %add3A_1047, %mul3A_1078 : vector<16xf32>
        %get3A_1080 = arith.constant 0 : i32
        %get3A_1081 = arith.index_cast %get3A_1080 : i32 to index
        %get3A_1082 = arith.index_cast %scan3A_89 : i32 to index
        %get3A_1083 = arith.constant 1968 : index
        %get3A_1084 = tpu.vector_load %arg4[%get3A_1081, %get3A_1082, %get3A_1083] {strides = array<i32>} : memref<2x8x2048xf32, #tpu.memory_space<vmem>>, vector<1x1x16xf32>,
        %get3A_1085 = vector.shape_cast %get3A_1084 : vector<1x1x16xf32> to vector<16xf32>
        %mul3A_1086 = arith.mulf %get3A_1085, %get3A_1085 : vector<16xf32>
        %add3A_1087 = arith.addf %add3A_1055, %mul3A_1086 : vector<16xf32>
        %get3A_1088 = arith.constant 0 : i32
        %get3A_1089 = arith.index_cast %get3A_1088 : i32 to index
        %get3A_1090 = arith.index_cast %scan3A_89 : i32 to index
        %get3A_1091 = arith.constant 1984 : index
        %get3A_1092 = tpu.vector_load %arg4[%get3A_1089, %get3A_1090, %get3A_1091] {strides = array<i32>} : memref<2x8x2048xf32, #tpu.memory_space<vmem>>, vector<1x1x16xf32>,
        %get3A_1093 = vector.shape_cast %get3A_1092 : vector<1x1x16xf32> to vector<16xf32>
        %mul3A_1094 = arith.mulf %get3A_1093, %get3A_1093 : vector<16xf32>
        %add3A_1095 = arith.addf %add3A_1063, %mul3A_1094 : vector<16xf32>
        %get3A_1096 = arith.constant 0 : i32
        %get3A_1097 = arith.index_cast %get3A_1096 : i32 to index
        %get3A_1098 = arith.index_cast %scan3A_89 : i32 to index
        %get3A_1099 = arith.constant 2000 : index
        %get3A_1100 = tpu.vector_load %arg4[%get3A_1097, %get3A_1098, %get3A_1099] {strides = array<i32>} : memref<2x8x2048xf32, #tpu.memory_space<vmem>>, vector<1x1x16xf32>,
        %get3A_1101 = vector.shape_cast %get3A_1100 : vector<1x1x16xf32> to vector<16xf32>
        %mul3A_1102 = arith.mulf %get3A_1101, %get3A_1101 : vector<16xf32>
        %add3A_1103 = arith.addf %add3A_1071, %mul3A_1102 : vector<16xf32>
        %get3A_1104 = arith.constant 0 : i32
        %get3A_1105 = arith.index_cast %get3A_1104 : i32 to index
        %get3A_1106 = arith.index_cast %scan3A_89 : i32 to index
        %get3A_1107 = arith.constant 2016 : index
        %get3A_1108 = tpu.vector_load %arg4[%get3A_1105, %get3A_1106, %get3A_1107] {strides = array<i32>} : memref<2x8x2048xf32, #tpu.memory_space<vmem>>, vector<1x1x16xf32>,
        %get3A_1109 = vector.shape_cast %get3A_1108 : vector<1x1x16xf32> to vector<16xf32>
        %mul3A_1110 = arith.mulf %get3A_1109, %get3A_1109 : vector<16xf32>
        %add3A_1111 = arith.addf %add3A_1079, %mul3A_1110 : vector<16xf32>
        %get3A_1112 = arith.constant 0 : i32
        %get3A_1113 = arith.index_cast %get3A_1112 : i32 to index
        %get3A_1114 = arith.index_cast %scan3A_89 : i32 to index
        %get3A_1115 = arith.constant 2032 : index
        %get3A_1116 = tpu.vector_load %arg4[%get3A_1113, %get3A_1114, %get3A_1115] {strides = array<i32>} : memref<2x8x2048xf32, #tpu.memory_space<vmem>>, vector<1x1x16xf32>,
        %get3A_1117 = vector.shape_cast %get3A_1116 : vector<1x1x16xf32> to vector<16xf32>
        %mul3A_1118 = arith.mulf %get3A_1117, %get3A_1117 : vector<16xf32>
        %add3A_1119 = arith.addf %add3A_1087, %mul3A_1118 : vector<16xf32>
        %add3A_1120 = arith.addf %add3A_1095, %add3A_1103 : vector<16xf32>
        %add3A_1121 = arith.addf %add3A_1111, %add3A_1119 : vector<16xf32>
        %add3A_1122 = arith.addf %add3A_1120, %add3A_1121 : vector<16xf32>
        %mul3A_1123 = arith.constant 8 : i32
        %mul3A_1124 = arith.muli %mul3A_26, %mul3A_1123 : i32
        %add3A_1125 = arith.addi %mul3A_1124, %scan3A_89 : i32
        %swap3A = arith.index_cast %add3A_1125 : i32 to index
        %swap3A_1126 = arith.constant 0 : index
        %swap3A_1127 = tpu.vector_load %arg5[%swap3A, %swap3A_1126] {strides = array<i32>} : memref<192x16xf32, #tpu.memory_space<vmem>>, vector<1x16xf32>,
        %swap3A_1128 = vector.shape_cast %swap3A_1127 : vector<1x16xf32> to vector<16xf32>
        %swap3A_1129 = vector.shape_cast %add3A_1122 : vector<16xf32> to vector<1x16xf32>
        tpu.vector_store %arg5[%swap3A, %swap3A_1126], %swap3A_1129 {strides = array<i32>} : memref<192x16xf32, #tpu.memory_space<vmem>>, vector<1x16xf32>,
      }
      %scan3A_53 = arith.constant 8 : i32
      %add3A_54 = arith.constant 2 : i32
      %add3A_55 = arith.addi %mul3A_26, %add3A_54 : i32
      %lt3A_56 = arith.constant 24 : i32
      %lt3A_57 = arith.cmpi slt, %add3A_55, %lt3A_56 : i32
      %convert_element_type3A_58 = arith.extui %lt3A_57 : i1 to i32
      %cond3A_59 = arith.constant 0 : i32
      %cond3A_60 = arith.cmpi ne, %convert_element_type3A_58, %cond3A_59 : i32
      scf.if %cond3A_60 {
        %add3A_89 = arith.constant 2 : i32
        %add3A_90 = arith.addi %mul3A_26, %add3A_89 : i32
        %add3A_91 = arith.constant 10240 : i32
        %add3A_92 = arith.addi %add3A_91, %mul3A_2 : i32
        %mul3A_93 = arith.constant 8 : i32
        %mul3A_94 = arith.muli %add3A_90, %mul3A_93 : i32
        %add3A_95 = arith.addi %add3A_92, %mul3A_94 : i32
        %dma_start3A_96 = arith.constant 0 : i32
        %dma_start3A_97 = arith.constant 0 : i32
        %dma_start3A_98 = arith.constant 0 : i32
        %dma_start3A_99 = tpu.memref_slice %arg4[%dma_start3A_96, %dma_start3A_97, %dma_start3A_98] : memref<2x8x2048xf32, #tpu.memory_space<vmem>> -> memref<1x8x2048xf32, #tpu.memory_space<vmem>>
        %dma_start3A_100 = tpu.memref_squeeze %dma_start3A_99 : memref<1x8x2048xf32, #tpu.memory_space<vmem>> -> memref<8x2048xf32, #tpu.memory_space<vmem>>
        %dma_start3A_101 = arith.constant 0 : i32
        %dma_start3A_102 = tpu.memref_slice %arg2[%add3A_95, %dma_start3A_101] : memref<16384x2048xf32, #tpu.memory_space<hbm>> -> memref<8x2048xf32, #tpu.memory_space<hbm>>
        %dma_start3A_103 = arith.constant 0 : i32
        %dma_start3A_104 = arith.constant 0 : i32
        %dma_start3A_105 = tpu.memref_slice %arg4[%dma_start3A_96, %dma_start3A_103, %dma_start3A_104] : memref<2x8x2048xf32, #tpu.memory_space<vmem>> -> memref<1x8x2048xf32, #tpu.memory_space<vmem>>
        %dma_start3A_106 = tpu.memref_squeeze %dma_start3A_105 : memref<1x8x2048xf32, #tpu.memory_space<vmem>> -> memref<8x2048xf32, #tpu.memory_space<vmem>>
        %dma_start3A_107 = arith.constant 0 : i32
        %dma_start3A_108 = tpu.memref_slice %arg2[%add3A_95, %dma_start3A_107] : memref<16384x2048xf32, #tpu.memory_space<hbm>> -> memref<8x2048xf32, #tpu.memory_space<hbm>>
        tpu.enqueue_dma source(%dma_start3A_108 : memref<8x2048xf32, #tpu.memory_space<hbm>>) target(%dma_start3A_106 : memref<8x2048xf32, #tpu.memory_space<vmem>>) target_semaphore(%arg6 : memref<!tpu.dma_semaphore, #tpu.memory_space<semaphore_mem>>)
      } else {
      }
      %add3A_61 = arith.constant 1 : i32
      %add3A_62 = arith.addi %mul3A_26, %add3A_61 : i32
      %add3A_63 = arith.constant 10240 : i32
      %add3A_64 = arith.addi %add3A_63, %mul3A_2 : i32
      %mul3A_65 = arith.constant 8 : i32
      %mul3A_66 = arith.muli %add3A_62, %mul3A_65 : i32
      %add3A_67 = arith.addi %add3A_64, %mul3A_66 : i32
      %dma_wait3A_68 = arith.constant 1 : i32
      %dma_wait3A_69 = arith.constant 0 : i32
      %dma_wait3A_70 = arith.constant 0 : i32
      %dma_wait3A_71 = tpu.memref_slice %arg4[%dma_wait3A_68, %dma_wait3A_69, %dma_wait3A_70] : memref<2x8x2048xf32, #tpu.memory_space<vmem>> -> memref<1x8x2048xf32, #tpu.memory_space<vmem>>
      %dma_wait3A_72 = tpu.memref_squeeze %dma_wait3A_71 : memref<1x8x2048xf32, #tpu.memory_space<vmem>> -> memref<8x2048xf32, #tpu.memory_space<vmem>>
      %dma_wait3A_73 = arith.constant 0 : i32
      %dma_wait3A_74 = tpu.memref_slice %arg2[%add3A_67, %dma_wait3A_73] : memref<16384x2048xf32, #tpu.memory_space<hbm>> -> memref<8x2048xf32, #tpu.memory_space<hbm>>
      %dma_wait3A_75 = arith.constant 0 : i32
      %dma_wait3A_76 = arith.constant 0 : i32
      %dma_wait3A_77 = tpu.memref_slice %arg4[%dma_wait3A_68, %dma_wait3A_75, %dma_wait3A_76] : memref<2x8x2048xf32, #tpu.memory_space<vmem>> -> memref<1x8x2048xf32, #tpu.memory_space<vmem>>
      %dma_wait3A_78 = tpu.memref_squeeze %dma_wait3A_77 : memref<1x8x2048xf32, #tpu.memory_space<vmem>> -> memref<8x2048xf32, #tpu.memory_space<vmem>>
      %dma_wait3A_79 = arith.constant 0 : i32
      %dma_wait3A_80 = tpu.memref_slice %arg2[%add3A_67, %dma_wait3A_79] : memref<16384x2048xf32, #tpu.memory_space<hbm>> -> memref<8x2048xf32, #tpu.memory_space<hbm>>
      tpu.wait_dma2 semaphore(%arg7 : memref<!tpu.dma_semaphore, #tpu.memory_space<semaphore_mem>>) src(%dma_wait3A_80 : memref<8x2048xf32, #tpu.memory_space<hbm>>) dst(%dma_wait3A_78 : memref<8x2048xf32, #tpu.memory_space<vmem>>)
      %add3A_81 = arith.constant 1 : i32
      %add3A_82 = arith.addi %mul3A_26, %add3A_81 : i32
      %scan3A_83 = arith.constant 0 : i32
      %scan3A_84 = arith.constant 0 : i32
      %scan3A_85 = arith.constant 8 : i32
      %scan3A_86 = arith.addi %scan3A_84, %scan3A_85 : i32
      %scan3A_87 = arith.constant 1 : i32
      scf.for %scan3A_89 = %scan3A_84 to %scan3A_86 step %scan3A_87  : i32 {
        %broadcast_in_dim3A = arith.constant 0.000000e+00 : f32
        %broadcast_in_dim3A_90 = vector.broadcast %broadcast_in_dim3A : f32 to vector<16xf32>
        %broadcast_in_dim3A_91 = arith.constant 0.000000e+00 : f32
        %broadcast_in_dim3A_92 = vector.broadcast %broadcast_in_dim3A_91 : f32 to vector<16xf32>
        %broadcast_in_dim3A_93 = arith.constant 0.000000e+00 : f32
        %broadcast_in_dim3A_94 = vector.broadcast %broadcast_in_dim3A_93 : f32 to vector<16xf32>
        %broadcast_in_dim3A_95 = arith.constant 0.000000e+00 : f32
        %broadcast_in_dim3A_96 = vector.broadcast %broadcast_in_dim3A_95 : f32 to vector<16xf32>
        %get3A = arith.constant 1 : i32
        %get3A_97 = arith.index_cast %get3A : i32 to index
        %get3A_98 = arith.index_cast %scan3A_89 : i32 to index
        %get3A_99 = arith.constant 0 : index
        %get3A_100 = tpu.vector_load %arg4[%get3A_97, %get3A_98, %get3A_99] {strides = array<i32>} : memref<2x8x2048xf32, #tpu.memory_space<vmem>>, vector<1x1x16xf32>,
        %get3A_101 = vector.shape_cast %get3A_100 : vector<1x1x16xf32> to vector<16xf32>
        %mul3A_102 = arith.mulf %get3A_101, %get3A_101 : vector<16xf32>
        %add3A_103 = arith.addf %broadcast_in_dim3A_90, %mul3A_102 : vector<16xf32>
        %get3A_104 = arith.constant 1 : i32
        %get3A_105 = arith.index_cast %get3A_104 : i32 to index
        %get3A_106 = arith.index_cast %scan3A_89 : i32 to index
        %get3A_107 = arith.constant 16 : index
        %get3A_108 = tpu.vector_load %arg4[%get3A_105, %get3A_106, %get3A_107] {strides = array<i32>} : memref<2x8x2048xf32, #tpu.memory_space<vmem>>, vector<1x1x16xf32>,
        %get3A_109 = vector.shape_cast %get3A_108 : vector<1x1x16xf32> to vector<16xf32>
        %mul3A_110 = arith.mulf %get3A_109, %get3A_109 : vector<16xf32>
        %add3A_111 = arith.addf %broadcast_in_dim3A_92, %mul3A_110 : vector<16xf32>
        %get3A_112 = arith.constant 1 : i32
        %get3A_113 = arith.index_cast %get3A_112 : i32 to index
        %get3A_114 = arith.index_cast %scan3A_89 : i32 to index
        %get3A_115 = arith.constant 32 : index
        %get3A_116 = tpu.vector_load %arg4[%get3A_113, %get3A_114, %get3A_115] {strides = array<i32>} : memref<2x8x2048xf32, #tpu.memory_space<vmem>>, vector<1x1x16xf32>,
        %get3A_117 = vector.shape_cast %get3A_116 : vector<1x1x16xf32> to vector<16xf32>
        %mul3A_118 = arith.mulf %get3A_117, %get3A_117 : vector<16xf32>
        %add3A_119 = arith.addf %broadcast_in_dim3A_94, %mul3A_118 : vector<16xf32>
        %get3A_120 = arith.constant 1 : i32
        %get3A_121 = arith.index_cast %get3A_120 : i32 to index
        %get3A_122 = arith.index_cast %scan3A_89 : i32 to index
        %get3A_123 = arith.constant 48 : index
        %get3A_124 = tpu.vector_load %arg4[%get3A_121, %get3A_122, %get3A_123] {strides = array<i32>} : memref<2x8x2048xf32, #tpu.memory_space<vmem>>, vector<1x1x16xf32>,
        %get3A_125 = vector.shape_cast %get3A_124 : vector<1x1x16xf32> to vector<16xf32>
        %mul3A_126 = arith.mulf %get3A_125, %get3A_125 : vector<16xf32>
        %add3A_127 = arith.addf %broadcast_in_dim3A_96, %mul3A_126 : vector<16xf32>
        %get3A_128 = arith.constant 1 : i32
        %get3A_129 = arith.index_cast %get3A_128 : i32 to index
        %get3A_130 = arith.index_cast %scan3A_89 : i32 to index
        %get3A_131 = arith.constant 64 : index
        %get3A_132 = tpu.vector_load %arg4[%get3A_129, %get3A_130, %get3A_131] {strides = array<i32>} : memref<2x8x2048xf32, #tpu.memory_space<vmem>>, vector<1x1x16xf32>,
        %get3A_133 = vector.shape_cast %get3A_132 : vector<1x1x16xf32> to vector<16xf32>
        %mul3A_134 = arith.mulf %get3A_133, %get3A_133 : vector<16xf32>
        %add3A_135 = arith.addf %add3A_103, %mul3A_134 : vector<16xf32>
        %get3A_136 = arith.constant 1 : i32
        %get3A_137 = arith.index_cast %get3A_136 : i32 to index
        %get3A_138 = arith.index_cast %scan3A_89 : i32 to index
        %get3A_139 = arith.constant 80 : index
        %get3A_140 = tpu.vector_load %arg4[%get3A_137, %get3A_138, %get3A_139] {strides = array<i32>} : memref<2x8x2048xf32, #tpu.memory_space<vmem>>, vector<1x1x16xf32>,
        %get3A_141 = vector.shape_cast %get3A_140 : vector<1x1x16xf32> to vector<16xf32>
        %mul3A_142 = arith.mulf %get3A_141, %get3A_141 : vector<16xf32>
        %add3A_143 = arith.addf %add3A_111, %mul3A_142 : vector<16xf32>
        %get3A_144 = arith.constant 1 : i32
        %get3A_145 = arith.index_cast %get3A_144 : i32 to index
        %get3A_146 = arith.index_cast %scan3A_89 : i32 to index
        %get3A_147 = arith.constant 96 : index
        %get3A_148 = tpu.vector_load %arg4[%get3A_145, %get3A_146, %get3A_147] {strides = array<i32>} : memref<2x8x2048xf32, #tpu.memory_space<vmem>>, vector<1x1x16xf32>,
        %get3A_149 = vector.shape_cast %get3A_148 : vector<1x1x16xf32> to vector<16xf32>
        %mul3A_150 = arith.mulf %get3A_149, %get3A_149 : vector<16xf32>
        %add3A_151 = arith.addf %add3A_119, %mul3A_150 : vector<16xf32>
        %get3A_152 = arith.constant 1 : i32
        %get3A_153 = arith.index_cast %get3A_152 : i32 to index
        %get3A_154 = arith.index_cast %scan3A_89 : i32 to index
        %get3A_155 = arith.constant 112 : index
        %get3A_156 = tpu.vector_load %arg4[%get3A_153, %get3A_154, %get3A_155] {strides = array<i32>} : memref<2x8x2048xf32, #tpu.memory_space<vmem>>, vector<1x1x16xf32>,
        %get3A_157 = vector.shape_cast %get3A_156 : vector<1x1x16xf32> to vector<16xf32>
        %mul3A_158 = arith.mulf %get3A_157, %get3A_157 : vector<16xf32>
        %add3A_159 = arith.addf %add3A_127, %mul3A_158 : vector<16xf32>
        %get3A_160 = arith.constant 1 : i32
        %get3A_161 = arith.index_cast %get3A_160 : i32 to index
        %get3A_162 = arith.index_cast %scan3A_89 : i32 to index
        %get3A_163 = arith.constant 128 : index
        %get3A_164 = tpu.vector_load %arg4[%get3A_161, %get3A_162, %get3A_163] {strides = array<i32>} : memref<2x8x2048xf32, #tpu.memory_space<vmem>>, vector<1x1x16xf32>,
        %get3A_165 = vector.shape_cast %get3A_164 : vector<1x1x16xf32> to vector<16xf32>
        %mul3A_166 = arith.mulf %get3A_165, %get3A_165 : vector<16xf32>
        %add3A_167 = arith.addf %add3A_135, %mul3A_166 : vector<16xf32>
        %get3A_168 = arith.constant 1 : i32
        %get3A_169 = arith.index_cast %get3A_168 : i32 to index
        %get3A_170 = arith.index_cast %scan3A_89 : i32 to index
        %get3A_171 = arith.constant 144 : index
        %get3A_172 = tpu.vector_load %arg4[%get3A_169, %get3A_170, %get3A_171] {strides = array<i32>} : memref<2x8x2048xf32, #tpu.memory_space<vmem>>, vector<1x1x16xf32>,
        %get3A_173 = vector.shape_cast %get3A_172 : vector<1x1x16xf32> to vector<16xf32>
        %mul3A_174 = arith.mulf %get3A_173, %get3A_173 : vector<16xf32>
        %add3A_175 = arith.addf %add3A_143, %mul3A_174 : vector<16xf32>
        %get3A_176 = arith.constant 1 : i32
        %get3A_177 = arith.index_cast %get3A_176 : i32 to index
        %get3A_178 = arith.index_cast %scan3A_89 : i32 to index
        %get3A_179 = arith.constant 160 : index
        %get3A_180 = tpu.vector_load %arg4[%get3A_177, %get3A_178, %get3A_179] {strides = array<i32>} : memref<2x8x2048xf32, #tpu.memory_space<vmem>>, vector<1x1x16xf32>,
        %get3A_181 = vector.shape_cast %get3A_180 : vector<1x1x16xf32> to vector<16xf32>
        %mul3A_182 = arith.mulf %get3A_181, %get3A_181 : vector<16xf32>
        %add3A_183 = arith.addf %add3A_151, %mul3A_182 : vector<16xf32>
        %get3A_184 = arith.constant 1 : i32
        %get3A_185 = arith.index_cast %get3A_184 : i32 to index
        %get3A_186 = arith.index_cast %scan3A_89 : i32 to index
        %get3A_187 = arith.constant 176 : index
        %get3A_188 = tpu.vector_load %arg4[%get3A_185, %get3A_186, %get3A_187] {strides = array<i32>} : memref<2x8x2048xf32, #tpu.memory_space<vmem>>, vector<1x1x16xf32>,
        %get3A_189 = vector.shape_cast %get3A_188 : vector<1x1x16xf32> to vector<16xf32>
        %mul3A_190 = arith.mulf %get3A_189, %get3A_189 : vector<16xf32>
        %add3A_191 = arith.addf %add3A_159, %mul3A_190 : vector<16xf32>
        %get3A_192 = arith.constant 1 : i32
        %get3A_193 = arith.index_cast %get3A_192 : i32 to index
        %get3A_194 = arith.index_cast %scan3A_89 : i32 to index
        %get3A_195 = arith.constant 192 : index
        %get3A_196 = tpu.vector_load %arg4[%get3A_193, %get3A_194, %get3A_195] {strides = array<i32>} : memref<2x8x2048xf32, #tpu.memory_space<vmem>>, vector<1x1x16xf32>,
        %get3A_197 = vector.shape_cast %get3A_196 : vector<1x1x16xf32> to vector<16xf32>
        %mul3A_198 = arith.mulf %get3A_197, %get3A_197 : vector<16xf32>
        %add3A_199 = arith.addf %add3A_167, %mul3A_198 : vector<16xf32>
        %get3A_200 = arith.constant 1 : i32
        %get3A_201 = arith.index_cast %get3A_200 : i32 to index
        %get3A_202 = arith.index_cast %scan3A_89 : i32 to index
        %get3A_203 = arith.constant 208 : index
        %get3A_204 = tpu.vector_load %arg4[%get3A_201, %get3A_202, %get3A_203] {strides = array<i32>} : memref<2x8x2048xf32, #tpu.memory_space<vmem>>, vector<1x1x16xf32>,
        %get3A_205 = vector.shape_cast %get3A_204 : vector<1x1x16xf32> to vector<16xf32>
        %mul3A_206 = arith.mulf %get3A_205, %get3A_205 : vector<16xf32>
        %add3A_207 = arith.addf %add3A_175, %mul3A_206 : vector<16xf32>
        %get3A_208 = arith.constant 1 : i32
        %get3A_209 = arith.index_cast %get3A_208 : i32 to index
        %get3A_210 = arith.index_cast %scan3A_89 : i32 to index
        %get3A_211 = arith.constant 224 : index
        %get3A_212 = tpu.vector_load %arg4[%get3A_209, %get3A_210, %get3A_211] {strides = array<i32>} : memref<2x8x2048xf32, #tpu.memory_space<vmem>>, vector<1x1x16xf32>,
        %get3A_213 = vector.shape_cast %get3A_212 : vector<1x1x16xf32> to vector<16xf32>
        %mul3A_214 = arith.mulf %get3A_213, %get3A_213 : vector<16xf32>
        %add3A_215 = arith.addf %add3A_183, %mul3A_214 : vector<16xf32>
        %get3A_216 = arith.constant 1 : i32
        %get3A_217 = arith.index_cast %get3A_216 : i32 to index
        %get3A_218 = arith.index_cast %scan3A_89 : i32 to index
        %get3A_219 = arith.constant 240 : index
        %get3A_220 = tpu.vector_load %arg4[%get3A_217, %get3A_218, %get3A_219] {strides = array<i32>} : memref<2x8x2048xf32, #tpu.memory_space<vmem>>, vector<1x1x16xf32>,
        %get3A_221 = vector.shape_cast %get3A_220 : vector<1x1x16xf32> to vector<16xf32>
        %mul3A_222 = arith.mulf %get3A_221, %get3A_221 : vector<16xf32>
        %add3A_223 = arith.addf %add3A_191, %mul3A_222 : vector<16xf32>
        %get3A_224 = arith.constant 1 : i32
        %get3A_225 = arith.index_cast %get3A_224 : i32 to index
        %get3A_226 = arith.index_cast %scan3A_89 : i32 to index
        %get3A_227 = arith.constant 256 : index
        %get3A_228 = tpu.vector_load %arg4[%get3A_225, %get3A_226, %get3A_227] {strides = array<i32>} : memref<2x8x2048xf32, #tpu.memory_space<vmem>>, vector<1x1x16xf32>,
        %get3A_229 = vector.shape_cast %get3A_228 : vector<1x1x16xf32> to vector<16xf32>
        %mul3A_230 = arith.mulf %get3A_229, %get3A_229 : vector<16xf32>
        %add3A_231 = arith.addf %add3A_199, %mul3A_230 : vector<16xf32>
        %get3A_232 = arith.constant 1 : i32
        %get3A_233 = arith.index_cast %get3A_232 : i32 to index
        %get3A_234 = arith.index_cast %scan3A_89 : i32 to index
        %get3A_235 = arith.constant 272 : index
        %get3A_236 = tpu.vector_load %arg4[%get3A_233, %get3A_234, %get3A_235] {strides = array<i32>} : memref<2x8x2048xf32, #tpu.memory_space<vmem>>, vector<1x1x16xf32>,
        %get3A_237 = vector.shape_cast %get3A_236 : vector<1x1x16xf32> to vector<16xf32>
        %mul3A_238 = arith.mulf %get3A_237, %get3A_237 : vector<16xf32>
        %add3A_239 = arith.addf %add3A_207, %mul3A_238 : vector<16xf32>
        %get3A_240 = arith.constant 1 : i32
        %get3A_241 = arith.index_cast %get3A_240 : i32 to index
        %get3A_242 = arith.index_cast %scan3A_89 : i32 to index
        %get3A_243 = arith.constant 288 : index
        %get3A_244 = tpu.vector_load %arg4[%get3A_241, %get3A_242, %get3A_243] {strides = array<i32>} : memref<2x8x2048xf32, #tpu.memory_space<vmem>>, vector<1x1x16xf32>,
        %get3A_245 = vector.shape_cast %get3A_244 : vector<1x1x16xf32> to vector<16xf32>
        %mul3A_246 = arith.mulf %get3A_245, %get3A_245 : vector<16xf32>
        %add3A_247 = arith.addf %add3A_215, %mul3A_246 : vector<16xf32>
        %get3A_248 = arith.constant 1 : i32
        %get3A_249 = arith.index_cast %get3A_248 : i32 to index
        %get3A_250 = arith.index_cast %scan3A_89 : i32 to index
        %get3A_251 = arith.constant 304 : index
        %get3A_252 = tpu.vector_load %arg4[%get3A_249, %get3A_250, %get3A_251] {strides = array<i32>} : memref<2x8x2048xf32, #tpu.memory_space<vmem>>, vector<1x1x16xf32>,
        %get3A_253 = vector.shape_cast %get3A_252 : vector<1x1x16xf32> to vector<16xf32>
        %mul3A_254 = arith.mulf %get3A_253, %get3A_253 : vector<16xf32>
        %add3A_255 = arith.addf %add3A_223, %mul3A_254 : vector<16xf32>
        %get3A_256 = arith.constant 1 : i32
        %get3A_257 = arith.index_cast %get3A_256 : i32 to index
        %get3A_258 = arith.index_cast %scan3A_89 : i32 to index
        %get3A_259 = arith.constant 320 : index
        %get3A_260 = tpu.vector_load %arg4[%get3A_257, %get3A_258, %get3A_259] {strides = array<i32>} : memref<2x8x2048xf32, #tpu.memory_space<vmem>>, vector<1x1x16xf32>,
        %get3A_261 = vector.shape_cast %get3A_260 : vector<1x1x16xf32> to vector<16xf32>
        %mul3A_262 = arith.mulf %get3A_261, %get3A_261 : vector<16xf32>
        %add3A_263 = arith.addf %add3A_231, %mul3A_262 : vector<16xf32>
        %get3A_264 = arith.constant 1 : i32
        %get3A_265 = arith.index_cast %get3A_264 : i32 to index
        %get3A_266 = arith.index_cast %scan3A_89 : i32 to index
        %get3A_267 = arith.constant 336 : index
        %get3A_268 = tpu.vector_load %arg4[%get3A_265, %get3A_266, %get3A_267] {strides = array<i32>} : memref<2x8x2048xf32, #tpu.memory_space<vmem>>, vector<1x1x16xf32>,
        %get3A_269 = vector.shape_cast %get3A_268 : vector<1x1x16xf32> to vector<16xf32>
        %mul3A_270 = arith.mulf %get3A_269, %get3A_269 : vector<16xf32>
        %add3A_271 = arith.addf %add3A_239, %mul3A_270 : vector<16xf32>
        %get3A_272 = arith.constant 1 : i32
        %get3A_273 = arith.index_cast %get3A_272 : i32 to index
        %get3A_274 = arith.index_cast %scan3A_89 : i32 to index
        %get3A_275 = arith.constant 352 : index
        %get3A_276 = tpu.vector_load %arg4[%get3A_273, %get3A_274, %get3A_275] {strides = array<i32>} : memref<2x8x2048xf32, #tpu.memory_space<vmem>>, vector<1x1x16xf32>,
        %get3A_277 = vector.shape_cast %get3A_276 : vector<1x1x16xf32> to vector<16xf32>
        %mul3A_278 = arith.mulf %get3A_277, %get3A_277 : vector<16xf32>
        %add3A_279 = arith.addf %add3A_247, %mul3A_278 : vector<16xf32>
        %get3A_280 = arith.constant 1 : i32
        %get3A_281 = arith.index_cast %get3A_280 : i32 to index
        %get3A_282 = arith.index_cast %scan3A_89 : i32 to index
        %get3A_283 = arith.constant 368 : index
        %get3A_284 = tpu.vector_load %arg4[%get3A_281, %get3A_282, %get3A_283] {strides = array<i32>} : memref<2x8x2048xf32, #tpu.memory_space<vmem>>, vector<1x1x16xf32>,
        %get3A_285 = vector.shape_cast %get3A_284 : vector<1x1x16xf32> to vector<16xf32>
        %mul3A_286 = arith.mulf %get3A_285, %get3A_285 : vector<16xf32>
        %add3A_287 = arith.addf %add3A_255, %mul3A_286 : vector<16xf32>
        %get3A_288 = arith.constant 1 : i32
        %get3A_289 = arith.index_cast %get3A_288 : i32 to index
        %get3A_290 = arith.index_cast %scan3A_89 : i32 to index
        %get3A_291 = arith.constant 384 : index
        %get3A_292 = tpu.vector_load %arg4[%get3A_289, %get3A_290, %get3A_291] {strides = array<i32>} : memref<2x8x2048xf32, #tpu.memory_space<vmem>>, vector<1x1x16xf32>,
        %get3A_293 = vector.shape_cast %get3A_292 : vector<1x1x16xf32> to vector<16xf32>
        %mul3A_294 = arith.mulf %get3A_293, %get3A_293 : vector<16xf32>
        %add3A_295 = arith.addf %add3A_263, %mul3A_294 : vector<16xf32>
        %get3A_296 = arith.constant 1 : i32
        %get3A_297 = arith.index_cast %get3A_296 : i32 to index
        %get3A_298 = arith.index_cast %scan3A_89 : i32 to index
        %get3A_299 = arith.constant 400 : index
        %get3A_300 = tpu.vector_load %arg4[%get3A_297, %get3A_298, %get3A_299] {strides = array<i32>} : memref<2x8x2048xf32, #tpu.memory_space<vmem>>, vector<1x1x16xf32>,
        %get3A_301 = vector.shape_cast %get3A_300 : vector<1x1x16xf32> to vector<16xf32>
        %mul3A_302 = arith.mulf %get3A_301, %get3A_301 : vector<16xf32>
        %add3A_303 = arith.addf %add3A_271, %mul3A_302 : vector<16xf32>
        %get3A_304 = arith.constant 1 : i32
        %get3A_305 = arith.index_cast %get3A_304 : i32 to index
        %get3A_306 = arith.index_cast %scan3A_89 : i32 to index
        %get3A_307 = arith.constant 416 : index
        %get3A_308 = tpu.vector_load %arg4[%get3A_305, %get3A_306, %get3A_307] {strides = array<i32>} : memref<2x8x2048xf32, #tpu.memory_space<vmem>>, vector<1x1x16xf32>,
        %get3A_309 = vector.shape_cast %get3A_308 : vector<1x1x16xf32> to vector<16xf32>
        %mul3A_310 = arith.mulf %get3A_309, %get3A_309 : vector<16xf32>
        %add3A_311 = arith.addf %add3A_279, %mul3A_310 : vector<16xf32>
        %get3A_312 = arith.constant 1 : i32
        %get3A_313 = arith.index_cast %get3A_312 : i32 to index
        %get3A_314 = arith.index_cast %scan3A_89 : i32 to index
        %get3A_315 = arith.constant 432 : index
        %get3A_316 = tpu.vector_load %arg4[%get3A_313, %get3A_314, %get3A_315] {strides = array<i32>} : memref<2x8x2048xf32, #tpu.memory_space<vmem>>, vector<1x1x16xf32>,
        %get3A_317 = vector.shape_cast %get3A_316 : vector<1x1x16xf32> to vector<16xf32>
        %mul3A_318 = arith.mulf %get3A_317, %get3A_317 : vector<16xf32>
        %add3A_319 = arith.addf %add3A_287, %mul3A_318 : vector<16xf32>
        %get3A_320 = arith.constant 1 : i32
        %get3A_321 = arith.index_cast %get3A_320 : i32 to index
        %get3A_322 = arith.index_cast %scan3A_89 : i32 to index
        %get3A_323 = arith.constant 448 : index
        %get3A_324 = tpu.vector_load %arg4[%get3A_321, %get3A_322, %get3A_323] {strides = array<i32>} : memref<2x8x2048xf32, #tpu.memory_space<vmem>>, vector<1x1x16xf32>,
        %get3A_325 = vector.shape_cast %get3A_324 : vector<1x1x16xf32> to vector<16xf32>
        %mul3A_326 = arith.mulf %get3A_325, %get3A_325 : vector<16xf32>
        %add3A_327 = arith.addf %add3A_295, %mul3A_326 : vector<16xf32>
        %get3A_328 = arith.constant 1 : i32
        %get3A_329 = arith.index_cast %get3A_328 : i32 to index
        %get3A_330 = arith.index_cast %scan3A_89 : i32 to index
        %get3A_331 = arith.constant 464 : index
        %get3A_332 = tpu.vector_load %arg4[%get3A_329, %get3A_330, %get3A_331] {strides = array<i32>} : memref<2x8x2048xf32, #tpu.memory_space<vmem>>, vector<1x1x16xf32>,
        %get3A_333 = vector.shape_cast %get3A_332 : vector<1x1x16xf32> to vector<16xf32>
        %mul3A_334 = arith.mulf %get3A_333, %get3A_333 : vector<16xf32>
        %add3A_335 = arith.addf %add3A_303, %mul3A_334 : vector<16xf32>
        %get3A_336 = arith.constant 1 : i32
        %get3A_337 = arith.index_cast %get3A_336 : i32 to index
        %get3A_338 = arith.index_cast %scan3A_89 : i32 to index
        %get3A_339 = arith.constant 480 : index
        %get3A_340 = tpu.vector_load %arg4[%get3A_337, %get3A_338, %get3A_339] {strides = array<i32>} : memref<2x8x2048xf32, #tpu.memory_space<vmem>>, vector<1x1x16xf32>,
        %get3A_341 = vector.shape_cast %get3A_340 : vector<1x1x16xf32> to vector<16xf32>
        %mul3A_342 = arith.mulf %get3A_341, %get3A_341 : vector<16xf32>
        %add3A_343 = arith.addf %add3A_311, %mul3A_342 : vector<16xf32>
        %get3A_344 = arith.constant 1 : i32
        %get3A_345 = arith.index_cast %get3A_344 : i32 to index
        %get3A_346 = arith.index_cast %scan3A_89 : i32 to index
        %get3A_347 = arith.constant 496 : index
        %get3A_348 = tpu.vector_load %arg4[%get3A_345, %get3A_346, %get3A_347] {strides = array<i32>} : memref<2x8x2048xf32, #tpu.memory_space<vmem>>, vector<1x1x16xf32>,
        %get3A_349 = vector.shape_cast %get3A_348 : vector<1x1x16xf32> to vector<16xf32>
        %mul3A_350 = arith.mulf %get3A_349, %get3A_349 : vector<16xf32>
        %add3A_351 = arith.addf %add3A_319, %mul3A_350 : vector<16xf32>
        %get3A_352 = arith.constant 1 : i32
        %get3A_353 = arith.index_cast %get3A_352 : i32 to index
        %get3A_354 = arith.index_cast %scan3A_89 : i32 to index
        %get3A_355 = arith.constant 512 : index
        %get3A_356 = tpu.vector_load %arg4[%get3A_353, %get3A_354, %get3A_355] {strides = array<i32>} : memref<2x8x2048xf32, #tpu.memory_space<vmem>>, vector<1x1x16xf32>,
        %get3A_357 = vector.shape_cast %get3A_356 : vector<1x1x16xf32> to vector<16xf32>
        %mul3A_358 = arith.mulf %get3A_357, %get3A_357 : vector<16xf32>
        %add3A_359 = arith.addf %add3A_327, %mul3A_358 : vector<16xf32>
        %get3A_360 = arith.constant 1 : i32
        %get3A_361 = arith.index_cast %get3A_360 : i32 to index
        %get3A_362 = arith.index_cast %scan3A_89 : i32 to index
        %get3A_363 = arith.constant 528 : index
        %get3A_364 = tpu.vector_load %arg4[%get3A_361, %get3A_362, %get3A_363] {strides = array<i32>} : memref<2x8x2048xf32, #tpu.memory_space<vmem>>, vector<1x1x16xf32>,
        %get3A_365 = vector.shape_cast %get3A_364 : vector<1x1x16xf32> to vector<16xf32>
        %mul3A_366 = arith.mulf %get3A_365, %get3A_365 : vector<16xf32>
        %add3A_367 = arith.addf %add3A_335, %mul3A_366 : vector<16xf32>
        %get3A_368 = arith.constant 1 : i32
        %get3A_369 = arith.index_cast %get3A_368 : i32 to index
        %get3A_370 = arith.index_cast %scan3A_89 : i32 to index
        %get3A_371 = arith.constant 544 : index
        %get3A_372 = tpu.vector_load %arg4[%get3A_369, %get3A_370, %get3A_371] {strides = array<i32>} : memref<2x8x2048xf32, #tpu.memory_space<vmem>>, vector<1x1x16xf32>,
        %get3A_373 = vector.shape_cast %get3A_372 : vector<1x1x16xf32> to vector<16xf32>
        %mul3A_374 = arith.mulf %get3A_373, %get3A_373 : vector<16xf32>
        %add3A_375 = arith.addf %add3A_343, %mul3A_374 : vector<16xf32>
        %get3A_376 = arith.constant 1 : i32
        %get3A_377 = arith.index_cast %get3A_376 : i32 to index
        %get3A_378 = arith.index_cast %scan3A_89 : i32 to index
        %get3A_379 = arith.constant 560 : index
        %get3A_380 = tpu.vector_load %arg4[%get3A_377, %get3A_378, %get3A_379] {strides = array<i32>} : memref<2x8x2048xf32, #tpu.memory_space<vmem>>, vector<1x1x16xf32>,
        %get3A_381 = vector.shape_cast %get3A_380 : vector<1x1x16xf32> to vector<16xf32>
        %mul3A_382 = arith.mulf %get3A_381, %get3A_381 : vector<16xf32>
        %add3A_383 = arith.addf %add3A_351, %mul3A_382 : vector<16xf32>
        %get3A_384 = arith.constant 1 : i32
        %get3A_385 = arith.index_cast %get3A_384 : i32 to index
        %get3A_386 = arith.index_cast %scan3A_89 : i32 to index
        %get3A_387 = arith.constant 576 : index
        %get3A_388 = tpu.vector_load %arg4[%get3A_385, %get3A_386, %get3A_387] {strides = array<i32>} : memref<2x8x2048xf32, #tpu.memory_space<vmem>>, vector<1x1x16xf32>,
        %get3A_389 = vector.shape_cast %get3A_388 : vector<1x1x16xf32> to vector<16xf32>
        %mul3A_390 = arith.mulf %get3A_389, %get3A_389 : vector<16xf32>
        %add3A_391 = arith.addf %add3A_359, %mul3A_390 : vector<16xf32>
        %get3A_392 = arith.constant 1 : i32
        %get3A_393 = arith.index_cast %get3A_392 : i32 to index
        %get3A_394 = arith.index_cast %scan3A_89 : i32 to index
        %get3A_395 = arith.constant 592 : index
        %get3A_396 = tpu.vector_load %arg4[%get3A_393, %get3A_394, %get3A_395] {strides = array<i32>} : memref<2x8x2048xf32, #tpu.memory_space<vmem>>, vector<1x1x16xf32>,
        %get3A_397 = vector.shape_cast %get3A_396 : vector<1x1x16xf32> to vector<16xf32>
        %mul3A_398 = arith.mulf %get3A_397, %get3A_397 : vector<16xf32>
        %add3A_399 = arith.addf %add3A_367, %mul3A_398 : vector<16xf32>
        %get3A_400 = arith.constant 1 : i32
        %get3A_401 = arith.index_cast %get3A_400 : i32 to index
        %get3A_402 = arith.index_cast %scan3A_89 : i32 to index
        %get3A_403 = arith.constant 608 : index
        %get3A_404 = tpu.vector_load %arg4[%get3A_401, %get3A_402, %get3A_403] {strides = array<i32>} : memref<2x8x2048xf32, #tpu.memory_space<vmem>>, vector<1x1x16xf32>,
        %get3A_405 = vector.shape_cast %get3A_404 : vector<1x1x16xf32> to vector<16xf32>
        %mul3A_406 = arith.mulf %get3A_405, %get3A_405 : vector<16xf32>
        %add3A_407 = arith.addf %add3A_375, %mul3A_406 : vector<16xf32>
        %get3A_408 = arith.constant 1 : i32
        %get3A_409 = arith.index_cast %get3A_408 : i32 to index
        %get3A_410 = arith.index_cast %scan3A_89 : i32 to index
        %get3A_411 = arith.constant 624 : index
        %get3A_412 = tpu.vector_load %arg4[%get3A_409, %get3A_410, %get3A_411] {strides = array<i32>} : memref<2x8x2048xf32, #tpu.memory_space<vmem>>, vector<1x1x16xf32>,
        %get3A_413 = vector.shape_cast %get3A_412 : vector<1x1x16xf32> to vector<16xf32>
        %mul3A_414 = arith.mulf %get3A_413, %get3A_413 : vector<16xf32>
        %add3A_415 = arith.addf %add3A_383, %mul3A_414 : vector<16xf32>
        %get3A_416 = arith.constant 1 : i32
        %get3A_417 = arith.index_cast %get3A_416 : i32 to index
        %get3A_418 = arith.index_cast %scan3A_89 : i32 to index
        %get3A_419 = arith.constant 640 : index
        %get3A_420 = tpu.vector_load %arg4[%get3A_417, %get3A_418, %get3A_419] {strides = array<i32>} : memref<2x8x2048xf32, #tpu.memory_space<vmem>>, vector<1x1x16xf32>,
        %get3A_421 = vector.shape_cast %get3A_420 : vector<1x1x16xf32> to vector<16xf32>
        %mul3A_422 = arith.mulf %get3A_421, %get3A_421 : vector<16xf32>
        %add3A_423 = arith.addf %add3A_391, %mul3A_422 : vector<16xf32>
        %get3A_424 = arith.constant 1 : i32
        %get3A_425 = arith.index_cast %get3A_424 : i32 to index
        %get3A_426 = arith.index_cast %scan3A_89 : i32 to index
        %get3A_427 = arith.constant 656 : index
        %get3A_428 = tpu.vector_load %arg4[%get3A_425, %get3A_426, %get3A_427] {strides = array<i32>} : memref<2x8x2048xf32, #tpu.memory_space<vmem>>, vector<1x1x16xf32>,
        %get3A_429 = vector.shape_cast %get3A_428 : vector<1x1x16xf32> to vector<16xf32>
        %mul3A_430 = arith.mulf %get3A_429, %get3A_429 : vector<16xf32>
        %add3A_431 = arith.addf %add3A_399, %mul3A_430 : vector<16xf32>
        %get3A_432 = arith.constant 1 : i32
        %get3A_433 = arith.index_cast %get3A_432 : i32 to index
        %get3A_434 = arith.index_cast %scan3A_89 : i32 to index
        %get3A_435 = arith.constant 672 : index
        %get3A_436 = tpu.vector_load %arg4[%get3A_433, %get3A_434, %get3A_435] {strides = array<i32>} : memref<2x8x2048xf32, #tpu.memory_space<vmem>>, vector<1x1x16xf32>,
        %get3A_437 = vector.shape_cast %get3A_436 : vector<1x1x16xf32> to vector<16xf32>
        %mul3A_438 = arith.mulf %get3A_437, %get3A_437 : vector<16xf32>
        %add3A_439 = arith.addf %add3A_407, %mul3A_438 : vector<16xf32>
        %get3A_440 = arith.constant 1 : i32
        %get3A_441 = arith.index_cast %get3A_440 : i32 to index
        %get3A_442 = arith.index_cast %scan3A_89 : i32 to index
        %get3A_443 = arith.constant 688 : index
        %get3A_444 = tpu.vector_load %arg4[%get3A_441, %get3A_442, %get3A_443] {strides = array<i32>} : memref<2x8x2048xf32, #tpu.memory_space<vmem>>, vector<1x1x16xf32>,
        %get3A_445 = vector.shape_cast %get3A_444 : vector<1x1x16xf32> to vector<16xf32>
        %mul3A_446 = arith.mulf %get3A_445, %get3A_445 : vector<16xf32>
        %add3A_447 = arith.addf %add3A_415, %mul3A_446 : vector<16xf32>
        %get3A_448 = arith.constant 1 : i32
        %get3A_449 = arith.index_cast %get3A_448 : i32 to index
        %get3A_450 = arith.index_cast %scan3A_89 : i32 to index
        %get3A_451 = arith.constant 704 : index
        %get3A_452 = tpu.vector_load %arg4[%get3A_449, %get3A_450, %get3A_451] {strides = array<i32>} : memref<2x8x2048xf32, #tpu.memory_space<vmem>>, vector<1x1x16xf32>,
        %get3A_453 = vector.shape_cast %get3A_452 : vector<1x1x16xf32> to vector<16xf32>
        %mul3A_454 = arith.mulf %get3A_453, %get3A_453 : vector<16xf32>
        %add3A_455 = arith.addf %add3A_423, %mul3A_454 : vector<16xf32>
        %get3A_456 = arith.constant 1 : i32
        %get3A_457 = arith.index_cast %get3A_456 : i32 to index
        %get3A_458 = arith.index_cast %scan3A_89 : i32 to index
        %get3A_459 = arith.constant 720 : index
        %get3A_460 = tpu.vector_load %arg4[%get3A_457, %get3A_458, %get3A_459] {strides = array<i32>} : memref<2x8x2048xf32, #tpu.memory_space<vmem>>, vector<1x1x16xf32>,
        %get3A_461 = vector.shape_cast %get3A_460 : vector<1x1x16xf32> to vector<16xf32>
        %mul3A_462 = arith.mulf %get3A_461, %get3A_461 : vector<16xf32>
        %add3A_463 = arith.addf %add3A_431, %mul3A_462 : vector<16xf32>
        %get3A_464 = arith.constant 1 : i32
        %get3A_465 = arith.index_cast %get3A_464 : i32 to index
        %get3A_466 = arith.index_cast %scan3A_89 : i32 to index
        %get3A_467 = arith.constant 736 : index
        %get3A_468 = tpu.vector_load %arg4[%get3A_465, %get3A_466, %get3A_467] {strides = array<i32>} : memref<2x8x2048xf32, #tpu.memory_space<vmem>>, vector<1x1x16xf32>,
        %get3A_469 = vector.shape_cast %get3A_468 : vector<1x1x16xf32> to vector<16xf32>
        %mul3A_470 = arith.mulf %get3A_469, %get3A_469 : vector<16xf32>
        %add3A_471 = arith.addf %add3A_439, %mul3A_470 : vector<16xf32>
        %get3A_472 = arith.constant 1 : i32
        %get3A_473 = arith.index_cast %get3A_472 : i32 to index
        %get3A_474 = arith.index_cast %scan3A_89 : i32 to index
        %get3A_475 = arith.constant 752 : index
        %get3A_476 = tpu.vector_load %arg4[%get3A_473, %get3A_474, %get3A_475] {strides = array<i32>} : memref<2x8x2048xf32, #tpu.memory_space<vmem>>, vector<1x1x16xf32>,
        %get3A_477 = vector.shape_cast %get3A_476 : vector<1x1x16xf32> to vector<16xf32>
        %mul3A_478 = arith.mulf %get3A_477, %get3A_477 : vector<16xf32>
        %add3A_479 = arith.addf %add3A_447, %mul3A_478 : vector<16xf32>
        %get3A_480 = arith.constant 1 : i32
        %get3A_481 = arith.index_cast %get3A_480 : i32 to index
        %get3A_482 = arith.index_cast %scan3A_89 : i32 to index
        %get3A_483 = arith.constant 768 : index
        %get3A_484 = tpu.vector_load %arg4[%get3A_481, %get3A_482, %get3A_483] {strides = array<i32>} : memref<2x8x2048xf32, #tpu.memory_space<vmem>>, vector<1x1x16xf32>,
        %get3A_485 = vector.shape_cast %get3A_484 : vector<1x1x16xf32> to vector<16xf32>
        %mul3A_486 = arith.mulf %get3A_485, %get3A_485 : vector<16xf32>
        %add3A_487 = arith.addf %add3A_455, %mul3A_486 : vector<16xf32>
        %get3A_488 = arith.constant 1 : i32
        %get3A_489 = arith.index_cast %get3A_488 : i32 to index
        %get3A_490 = arith.index_cast %scan3A_89 : i32 to index
        %get3A_491 = arith.constant 784 : index
        %get3A_492 = tpu.vector_load %arg4[%get3A_489, %get3A_490, %get3A_491] {strides = array<i32>} : memref<2x8x2048xf32, #tpu.memory_space<vmem>>, vector<1x1x16xf32>,
        %get3A_493 = vector.shape_cast %get3A_492 : vector<1x1x16xf32> to vector<16xf32>
        %mul3A_494 = arith.mulf %get3A_493, %get3A_493 : vector<16xf32>
        %add3A_495 = arith.addf %add3A_463, %mul3A_494 : vector<16xf32>
        %get3A_496 = arith.constant 1 : i32
        %get3A_497 = arith.index_cast %get3A_496 : i32 to index
        %get3A_498 = arith.index_cast %scan3A_89 : i32 to index
        %get3A_499 = arith.constant 800 : index
        %get3A_500 = tpu.vector_load %arg4[%get3A_497, %get3A_498, %get3A_499] {strides = array<i32>} : memref<2x8x2048xf32, #tpu.memory_space<vmem>>, vector<1x1x16xf32>,
        %get3A_501 = vector.shape_cast %get3A_500 : vector<1x1x16xf32> to vector<16xf32>
        %mul3A_502 = arith.mulf %get3A_501, %get3A_501 : vector<16xf32>
        %add3A_503 = arith.addf %add3A_471, %mul3A_502 : vector<16xf32>
        %get3A_504 = arith.constant 1 : i32
        %get3A_505 = arith.index_cast %get3A_504 : i32 to index
        %get3A_506 = arith.index_cast %scan3A_89 : i32 to index
        %get3A_507 = arith.constant 816 : index
        %get3A_508 = tpu.vector_load %arg4[%get3A_505, %get3A_506, %get3A_507] {strides = array<i32>} : memref<2x8x2048xf32, #tpu.memory_space<vmem>>, vector<1x1x16xf32>,
        %get3A_509 = vector.shape_cast %get3A_508 : vector<1x1x16xf32> to vector<16xf32>
        %mul3A_510 = arith.mulf %get3A_509, %get3A_509 : vector<16xf32>
        %add3A_511 = arith.addf %add3A_479, %mul3A_510 : vector<16xf32>
        %get3A_512 = arith.constant 1 : i32
        %get3A_513 = arith.index_cast %get3A_512 : i32 to index
        %get3A_514 = arith.index_cast %scan3A_89 : i32 to index
        %get3A_515 = arith.constant 832 : index
        %get3A_516 = tpu.vector_load %arg4[%get3A_513, %get3A_514, %get3A_515] {strides = array<i32>} : memref<2x8x2048xf32, #tpu.memory_space<vmem>>, vector<1x1x16xf32>,
        %get3A_517 = vector.shape_cast %get3A_516 : vector<1x1x16xf32> to vector<16xf32>
        %mul3A_518 = arith.mulf %get3A_517, %get3A_517 : vector<16xf32>
        %add3A_519 = arith.addf %add3A_487, %mul3A_518 : vector<16xf32>
        %get3A_520 = arith.constant 1 : i32
        %get3A_521 = arith.index_cast %get3A_520 : i32 to index
        %get3A_522 = arith.index_cast %scan3A_89 : i32 to index
        %get3A_523 = arith.constant 848 : index
        %get3A_524 = tpu.vector_load %arg4[%get3A_521, %get3A_522, %get3A_523] {strides = array<i32>} : memref<2x8x2048xf32, #tpu.memory_space<vmem>>, vector<1x1x16xf32>,
        %get3A_525 = vector.shape_cast %get3A_524 : vector<1x1x16xf32> to vector<16xf32>
        %mul3A_526 = arith.mulf %get3A_525, %get3A_525 : vector<16xf32>
        %add3A_527 = arith.addf %add3A_495, %mul3A_526 : vector<16xf32>
        %get3A_528 = arith.constant 1 : i32
        %get3A_529 = arith.index_cast %get3A_528 : i32 to index
        %get3A_530 = arith.index_cast %scan3A_89 : i32 to index
        %get3A_531 = arith.constant 864 : index
        %get3A_532 = tpu.vector_load %arg4[%get3A_529, %get3A_530, %get3A_531] {strides = array<i32>} : memref<2x8x2048xf32, #tpu.memory_space<vmem>>, vector<1x1x16xf32>,
        %get3A_533 = vector.shape_cast %get3A_532 : vector<1x1x16xf32> to vector<16xf32>
        %mul3A_534 = arith.mulf %get3A_533, %get3A_533 : vector<16xf32>
        %add3A_535 = arith.addf %add3A_503, %mul3A_534 : vector<16xf32>
        %get3A_536 = arith.constant 1 : i32
        %get3A_537 = arith.index_cast %get3A_536 : i32 to index
        %get3A_538 = arith.index_cast %scan3A_89 : i32 to index
        %get3A_539 = arith.constant 880 : index
        %get3A_540 = tpu.vector_load %arg4[%get3A_537, %get3A_538, %get3A_539] {strides = array<i32>} : memref<2x8x2048xf32, #tpu.memory_space<vmem>>, vector<1x1x16xf32>,
        %get3A_541 = vector.shape_cast %get3A_540 : vector<1x1x16xf32> to vector<16xf32>
        %mul3A_542 = arith.mulf %get3A_541, %get3A_541 : vector<16xf32>
        %add3A_543 = arith.addf %add3A_511, %mul3A_542 : vector<16xf32>
        %get3A_544 = arith.constant 1 : i32
        %get3A_545 = arith.index_cast %get3A_544 : i32 to index
        %get3A_546 = arith.index_cast %scan3A_89 : i32 to index
        %get3A_547 = arith.constant 896 : index
        %get3A_548 = tpu.vector_load %arg4[%get3A_545, %get3A_546, %get3A_547] {strides = array<i32>} : memref<2x8x2048xf32, #tpu.memory_space<vmem>>, vector<1x1x16xf32>,
        %get3A_549 = vector.shape_cast %get3A_548 : vector<1x1x16xf32> to vector<16xf32>
        %mul3A_550 = arith.mulf %get3A_549, %get3A_549 : vector<16xf32>
        %add3A_551 = arith.addf %add3A_519, %mul3A_550 : vector<16xf32>
        %get3A_552 = arith.constant 1 : i32
        %get3A_553 = arith.index_cast %get3A_552 : i32 to index
        %get3A_554 = arith.index_cast %scan3A_89 : i32 to index
        %get3A_555 = arith.constant 912 : index
        %get3A_556 = tpu.vector_load %arg4[%get3A_553, %get3A_554, %get3A_555] {strides = array<i32>} : memref<2x8x2048xf32, #tpu.memory_space<vmem>>, vector<1x1x16xf32>,
        %get3A_557 = vector.shape_cast %get3A_556 : vector<1x1x16xf32> to vector<16xf32>
        %mul3A_558 = arith.mulf %get3A_557, %get3A_557 : vector<16xf32>
        %add3A_559 = arith.addf %add3A_527, %mul3A_558 : vector<16xf32>
        %get3A_560 = arith.constant 1 : i32
        %get3A_561 = arith.index_cast %get3A_560 : i32 to index
        %get3A_562 = arith.index_cast %scan3A_89 : i32 to index
        %get3A_563 = arith.constant 928 : index
        %get3A_564 = tpu.vector_load %arg4[%get3A_561, %get3A_562, %get3A_563] {strides = array<i32>} : memref<2x8x2048xf32, #tpu.memory_space<vmem>>, vector<1x1x16xf32>,
        %get3A_565 = vector.shape_cast %get3A_564 : vector<1x1x16xf32> to vector<16xf32>
        %mul3A_566 = arith.mulf %get3A_565, %get3A_565 : vector<16xf32>
        %add3A_567 = arith.addf %add3A_535, %mul3A_566 : vector<16xf32>
        %get3A_568 = arith.constant 1 : i32
        %get3A_569 = arith.index_cast %get3A_568 : i32 to index
        %get3A_570 = arith.index_cast %scan3A_89 : i32 to index
        %get3A_571 = arith.constant 944 : index
        %get3A_572 = tpu.vector_load %arg4[%get3A_569, %get3A_570, %get3A_571] {strides = array<i32>} : memref<2x8x2048xf32, #tpu.memory_space<vmem>>, vector<1x1x16xf32>,
        %get3A_573 = vector.shape_cast %get3A_572 : vector<1x1x16xf32> to vector<16xf32>
        %mul3A_574 = arith.mulf %get3A_573, %get3A_573 : vector<16xf32>
        %add3A_575 = arith.addf %add3A_543, %mul3A_574 : vector<16xf32>
        %get3A_576 = arith.constant 1 : i32
        %get3A_577 = arith.index_cast %get3A_576 : i32 to index
        %get3A_578 = arith.index_cast %scan3A_89 : i32 to index
        %get3A_579 = arith.constant 960 : index
        %get3A_580 = tpu.vector_load %arg4[%get3A_577, %get3A_578, %get3A_579] {strides = array<i32>} : memref<2x8x2048xf32, #tpu.memory_space<vmem>>, vector<1x1x16xf32>,
        %get3A_581 = vector.shape_cast %get3A_580 : vector<1x1x16xf32> to vector<16xf32>
        %mul3A_582 = arith.mulf %get3A_581, %get3A_581 : vector<16xf32>
        %add3A_583 = arith.addf %add3A_551, %mul3A_582 : vector<16xf32>
        %get3A_584 = arith.constant 1 : i32
        %get3A_585 = arith.index_cast %get3A_584 : i32 to index
        %get3A_586 = arith.index_cast %scan3A_89 : i32 to index
        %get3A_587 = arith.constant 976 : index
        %get3A_588 = tpu.vector_load %arg4[%get3A_585, %get3A_586, %get3A_587] {strides = array<i32>} : memref<2x8x2048xf32, #tpu.memory_space<vmem>>, vector<1x1x16xf32>,
        %get3A_589 = vector.shape_cast %get3A_588 : vector<1x1x16xf32> to vector<16xf32>
        %mul3A_590 = arith.mulf %get3A_589, %get3A_589 : vector<16xf32>
        %add3A_591 = arith.addf %add3A_559, %mul3A_590 : vector<16xf32>
        %get3A_592 = arith.constant 1 : i32
        %get3A_593 = arith.index_cast %get3A_592 : i32 to index
        %get3A_594 = arith.index_cast %scan3A_89 : i32 to index
        %get3A_595 = arith.constant 992 : index
        %get3A_596 = tpu.vector_load %arg4[%get3A_593, %get3A_594, %get3A_595] {strides = array<i32>} : memref<2x8x2048xf32, #tpu.memory_space<vmem>>, vector<1x1x16xf32>,
        %get3A_597 = vector.shape_cast %get3A_596 : vector<1x1x16xf32> to vector<16xf32>
        %mul3A_598 = arith.mulf %get3A_597, %get3A_597 : vector<16xf32>
        %add3A_599 = arith.addf %add3A_567, %mul3A_598 : vector<16xf32>
        %get3A_600 = arith.constant 1 : i32
        %get3A_601 = arith.index_cast %get3A_600 : i32 to index
        %get3A_602 = arith.index_cast %scan3A_89 : i32 to index
        %get3A_603 = arith.constant 1008 : index
        %get3A_604 = tpu.vector_load %arg4[%get3A_601, %get3A_602, %get3A_603] {strides = array<i32>} : memref<2x8x2048xf32, #tpu.memory_space<vmem>>, vector<1x1x16xf32>,
        %get3A_605 = vector.shape_cast %get3A_604 : vector<1x1x16xf32> to vector<16xf32>
        %mul3A_606 = arith.mulf %get3A_605, %get3A_605 : vector<16xf32>
        %add3A_607 = arith.addf %add3A_575, %mul3A_606 : vector<16xf32>
        %get3A_608 = arith.constant 1 : i32
        %get3A_609 = arith.index_cast %get3A_608 : i32 to index
        %get3A_610 = arith.index_cast %scan3A_89 : i32 to index
        %get3A_611 = arith.constant 1024 : index
        %get3A_612 = tpu.vector_load %arg4[%get3A_609, %get3A_610, %get3A_611] {strides = array<i32>} : memref<2x8x2048xf32, #tpu.memory_space<vmem>>, vector<1x1x16xf32>,
        %get3A_613 = vector.shape_cast %get3A_612 : vector<1x1x16xf32> to vector<16xf32>
        %mul3A_614 = arith.mulf %get3A_613, %get3A_613 : vector<16xf32>
        %add3A_615 = arith.addf %add3A_583, %mul3A_614 : vector<16xf32>
        %get3A_616 = arith.constant 1 : i32
        %get3A_617 = arith.index_cast %get3A_616 : i32 to index
        %get3A_618 = arith.index_cast %scan3A_89 : i32 to index
        %get3A_619 = arith.constant 1040 : index
        %get3A_620 = tpu.vector_load %arg4[%get3A_617, %get3A_618, %get3A_619] {strides = array<i32>} : memref<2x8x2048xf32, #tpu.memory_space<vmem>>, vector<1x1x16xf32>,
        %get3A_621 = vector.shape_cast %get3A_620 : vector<1x1x16xf32> to vector<16xf32>
        %mul3A_622 = arith.mulf %get3A_621, %get3A_621 : vector<16xf32>
        %add3A_623 = arith.addf %add3A_591, %mul3A_622 : vector<16xf32>
        %get3A_624 = arith.constant 1 : i32
        %get3A_625 = arith.index_cast %get3A_624 : i32 to index
        %get3A_626 = arith.index_cast %scan3A_89 : i32 to index
        %get3A_627 = arith.constant 1056 : index
        %get3A_628 = tpu.vector_load %arg4[%get3A_625, %get3A_626, %get3A_627] {strides = array<i32>} : memref<2x8x2048xf32, #tpu.memory_space<vmem>>, vector<1x1x16xf32>,
        %get3A_629 = vector.shape_cast %get3A_628 : vector<1x1x16xf32> to vector<16xf32>
        %mul3A_630 = arith.mulf %get3A_629, %get3A_629 : vector<16xf32>
        %add3A_631 = arith.addf %add3A_599, %mul3A_630 : vector<16xf32>
        %get3A_632 = arith.constant 1 : i32
        %get3A_633 = arith.index_cast %get3A_632 : i32 to index
        %get3A_634 = arith.index_cast %scan3A_89 : i32 to index
        %get3A_635 = arith.constant 1072 : index
        %get3A_636 = tpu.vector_load %arg4[%get3A_633, %get3A_634, %get3A_635] {strides = array<i32>} : memref<2x8x2048xf32, #tpu.memory_space<vmem>>, vector<1x1x16xf32>,
        %get3A_637 = vector.shape_cast %get3A_636 : vector<1x1x16xf32> to vector<16xf32>
        %mul3A_638 = arith.mulf %get3A_637, %get3A_637 : vector<16xf32>
        %add3A_639 = arith.addf %add3A_607, %mul3A_638 : vector<16xf32>
        %get3A_640 = arith.constant 1 : i32
        %get3A_641 = arith.index_cast %get3A_640 : i32 to index
        %get3A_642 = arith.index_cast %scan3A_89 : i32 to index
        %get3A_643 = arith.constant 1088 : index
        %get3A_644 = tpu.vector_load %arg4[%get3A_641, %get3A_642, %get3A_643] {strides = array<i32>} : memref<2x8x2048xf32, #tpu.memory_space<vmem>>, vector<1x1x16xf32>,
        %get3A_645 = vector.shape_cast %get3A_644 : vector<1x1x16xf32> to vector<16xf32>
        %mul3A_646 = arith.mulf %get3A_645, %get3A_645 : vector<16xf32>
        %add3A_647 = arith.addf %add3A_615, %mul3A_646 : vector<16xf32>
        %get3A_648 = arith.constant 1 : i32
        %get3A_649 = arith.index_cast %get3A_648 : i32 to index
        %get3A_650 = arith.index_cast %scan3A_89 : i32 to index
        %get3A_651 = arith.constant 1104 : index
        %get3A_652 = tpu.vector_load %arg4[%get3A_649, %get3A_650, %get3A_651] {strides = array<i32>} : memref<2x8x2048xf32, #tpu.memory_space<vmem>>, vector<1x1x16xf32>,
        %get3A_653 = vector.shape_cast %get3A_652 : vector<1x1x16xf32> to vector<16xf32>
        %mul3A_654 = arith.mulf %get3A_653, %get3A_653 : vector<16xf32>
        %add3A_655 = arith.addf %add3A_623, %mul3A_654 : vector<16xf32>
        %get3A_656 = arith.constant 1 : i32
        %get3A_657 = arith.index_cast %get3A_656 : i32 to index
        %get3A_658 = arith.index_cast %scan3A_89 : i32 to index
        %get3A_659 = arith.constant 1120 : index
        %get3A_660 = tpu.vector_load %arg4[%get3A_657, %get3A_658, %get3A_659] {strides = array<i32>} : memref<2x8x2048xf32, #tpu.memory_space<vmem>>, vector<1x1x16xf32>,
        %get3A_661 = vector.shape_cast %get3A_660 : vector<1x1x16xf32> to vector<16xf32>
        %mul3A_662 = arith.mulf %get3A_661, %get3A_661 : vector<16xf32>
        %add3A_663 = arith.addf %add3A_631, %mul3A_662 : vector<16xf32>
        %get3A_664 = arith.constant 1 : i32
        %get3A_665 = arith.index_cast %get3A_664 : i32 to index
        %get3A_666 = arith.index_cast %scan3A_89 : i32 to index
        %get3A_667 = arith.constant 1136 : index
        %get3A_668 = tpu.vector_load %arg4[%get3A_665, %get3A_666, %get3A_667] {strides = array<i32>} : memref<2x8x2048xf32, #tpu.memory_space<vmem>>, vector<1x1x16xf32>,
        %get3A_669 = vector.shape_cast %get3A_668 : vector<1x1x16xf32> to vector<16xf32>
        %mul3A_670 = arith.mulf %get3A_669, %get3A_669 : vector<16xf32>
        %add3A_671 = arith.addf %add3A_639, %mul3A_670 : vector<16xf32>
        %get3A_672 = arith.constant 1 : i32
        %get3A_673 = arith.index_cast %get3A_672 : i32 to index
        %get3A_674 = arith.index_cast %scan3A_89 : i32 to index
        %get3A_675 = arith.constant 1152 : index
        %get3A_676 = tpu.vector_load %arg4[%get3A_673, %get3A_674, %get3A_675] {strides = array<i32>} : memref<2x8x2048xf32, #tpu.memory_space<vmem>>, vector<1x1x16xf32>,
        %get3A_677 = vector.shape_cast %get3A_676 : vector<1x1x16xf32> to vector<16xf32>
        %mul3A_678 = arith.mulf %get3A_677, %get3A_677 : vector<16xf32>
        %add3A_679 = arith.addf %add3A_647, %mul3A_678 : vector<16xf32>
        %get3A_680 = arith.constant 1 : i32
        %get3A_681 = arith.index_cast %get3A_680 : i32 to index
        %get3A_682 = arith.index_cast %scan3A_89 : i32 to index
        %get3A_683 = arith.constant 1168 : index
        %get3A_684 = tpu.vector_load %arg4[%get3A_681, %get3A_682, %get3A_683] {strides = array<i32>} : memref<2x8x2048xf32, #tpu.memory_space<vmem>>, vector<1x1x16xf32>,
        %get3A_685 = vector.shape_cast %get3A_684 : vector<1x1x16xf32> to vector<16xf32>
        %mul3A_686 = arith.mulf %get3A_685, %get3A_685 : vector<16xf32>
        %add3A_687 = arith.addf %add3A_655, %mul3A_686 : vector<16xf32>
        %get3A_688 = arith.constant 1 : i32
        %get3A_689 = arith.index_cast %get3A_688 : i32 to index
        %get3A_690 = arith.index_cast %scan3A_89 : i32 to index
        %get3A_691 = arith.constant 1184 : index
        %get3A_692 = tpu.vector_load %arg4[%get3A_689, %get3A_690, %get3A_691] {strides = array<i32>} : memref<2x8x2048xf32, #tpu.memory_space<vmem>>, vector<1x1x16xf32>,
        %get3A_693 = vector.shape_cast %get3A_692 : vector<1x1x16xf32> to vector<16xf32>
        %mul3A_694 = arith.mulf %get3A_693, %get3A_693 : vector<16xf32>
        %add3A_695 = arith.addf %add3A_663, %mul3A_694 : vector<16xf32>
        %get3A_696 = arith.constant 1 : i32
        %get3A_697 = arith.index_cast %get3A_696 : i32 to index
        %get3A_698 = arith.index_cast %scan3A_89 : i32 to index
        %get3A_699 = arith.constant 1200 : index
        %get3A_700 = tpu.vector_load %arg4[%get3A_697, %get3A_698, %get3A_699] {strides = array<i32>} : memref<2x8x2048xf32, #tpu.memory_space<vmem>>, vector<1x1x16xf32>,
        %get3A_701 = vector.shape_cast %get3A_700 : vector<1x1x16xf32> to vector<16xf32>
        %mul3A_702 = arith.mulf %get3A_701, %get3A_701 : vector<16xf32>
        %add3A_703 = arith.addf %add3A_671, %mul3A_702 : vector<16xf32>
        %get3A_704 = arith.constant 1 : i32
        %get3A_705 = arith.index_cast %get3A_704 : i32 to index
        %get3A_706 = arith.index_cast %scan3A_89 : i32 to index
        %get3A_707 = arith.constant 1216 : index
        %get3A_708 = tpu.vector_load %arg4[%get3A_705, %get3A_706, %get3A_707] {strides = array<i32>} : memref<2x8x2048xf32, #tpu.memory_space<vmem>>, vector<1x1x16xf32>,
        %get3A_709 = vector.shape_cast %get3A_708 : vector<1x1x16xf32> to vector<16xf32>
        %mul3A_710 = arith.mulf %get3A_709, %get3A_709 : vector<16xf32>
        %add3A_711 = arith.addf %add3A_679, %mul3A_710 : vector<16xf32>
        %get3A_712 = arith.constant 1 : i32
        %get3A_713 = arith.index_cast %get3A_712 : i32 to index
        %get3A_714 = arith.index_cast %scan3A_89 : i32 to index
        %get3A_715 = arith.constant 1232 : index
        %get3A_716 = tpu.vector_load %arg4[%get3A_713, %get3A_714, %get3A_715] {strides = array<i32>} : memref<2x8x2048xf32, #tpu.memory_space<vmem>>, vector<1x1x16xf32>,
        %get3A_717 = vector.shape_cast %get3A_716 : vector<1x1x16xf32> to vector<16xf32>
        %mul3A_718 = arith.mulf %get3A_717, %get3A_717 : vector<16xf32>
        %add3A_719 = arith.addf %add3A_687, %mul3A_718 : vector<16xf32>
        %get3A_720 = arith.constant 1 : i32
        %get3A_721 = arith.index_cast %get3A_720 : i32 to index
        %get3A_722 = arith.index_cast %scan3A_89 : i32 to index
        %get3A_723 = arith.constant 1248 : index
        %get3A_724 = tpu.vector_load %arg4[%get3A_721, %get3A_722, %get3A_723] {strides = array<i32>} : memref<2x8x2048xf32, #tpu.memory_space<vmem>>, vector<1x1x16xf32>,
        %get3A_725 = vector.shape_cast %get3A_724 : vector<1x1x16xf32> to vector<16xf32>
        %mul3A_726 = arith.mulf %get3A_725, %get3A_725 : vector<16xf32>
        %add3A_727 = arith.addf %add3A_695, %mul3A_726 : vector<16xf32>
        %get3A_728 = arith.constant 1 : i32
        %get3A_729 = arith.index_cast %get3A_728 : i32 to index
        %get3A_730 = arith.index_cast %scan3A_89 : i32 to index
        %get3A_731 = arith.constant 1264 : index
        %get3A_732 = tpu.vector_load %arg4[%get3A_729, %get3A_730, %get3A_731] {strides = array<i32>} : memref<2x8x2048xf32, #tpu.memory_space<vmem>>, vector<1x1x16xf32>,
        %get3A_733 = vector.shape_cast %get3A_732 : vector<1x1x16xf32> to vector<16xf32>
        %mul3A_734 = arith.mulf %get3A_733, %get3A_733 : vector<16xf32>
        %add3A_735 = arith.addf %add3A_703, %mul3A_734 : vector<16xf32>
        %get3A_736 = arith.constant 1 : i32
        %get3A_737 = arith.index_cast %get3A_736 : i32 to index
        %get3A_738 = arith.index_cast %scan3A_89 : i32 to index
        %get3A_739 = arith.constant 1280 : index
        %get3A_740 = tpu.vector_load %arg4[%get3A_737, %get3A_738, %get3A_739] {strides = array<i32>} : memref<2x8x2048xf32, #tpu.memory_space<vmem>>, vector<1x1x16xf32>,
        %get3A_741 = vector.shape_cast %get3A_740 : vector<1x1x16xf32> to vector<16xf32>
        %mul3A_742 = arith.mulf %get3A_741, %get3A_741 : vector<16xf32>
        %add3A_743 = arith.addf %add3A_711, %mul3A_742 : vector<16xf32>
        %get3A_744 = arith.constant 1 : i32
        %get3A_745 = arith.index_cast %get3A_744 : i32 to index
        %get3A_746 = arith.index_cast %scan3A_89 : i32 to index
        %get3A_747 = arith.constant 1296 : index
        %get3A_748 = tpu.vector_load %arg4[%get3A_745, %get3A_746, %get3A_747] {strides = array<i32>} : memref<2x8x2048xf32, #tpu.memory_space<vmem>>, vector<1x1x16xf32>,
        %get3A_749 = vector.shape_cast %get3A_748 : vector<1x1x16xf32> to vector<16xf32>
        %mul3A_750 = arith.mulf %get3A_749, %get3A_749 : vector<16xf32>
        %add3A_751 = arith.addf %add3A_719, %mul3A_750 : vector<16xf32>
        %get3A_752 = arith.constant 1 : i32
        %get3A_753 = arith.index_cast %get3A_752 : i32 to index
        %get3A_754 = arith.index_cast %scan3A_89 : i32 to index
        %get3A_755 = arith.constant 1312 : index
        %get3A_756 = tpu.vector_load %arg4[%get3A_753, %get3A_754, %get3A_755] {strides = array<i32>} : memref<2x8x2048xf32, #tpu.memory_space<vmem>>, vector<1x1x16xf32>,
        %get3A_757 = vector.shape_cast %get3A_756 : vector<1x1x16xf32> to vector<16xf32>
        %mul3A_758 = arith.mulf %get3A_757, %get3A_757 : vector<16xf32>
        %add3A_759 = arith.addf %add3A_727, %mul3A_758 : vector<16xf32>
        %get3A_760 = arith.constant 1 : i32
        %get3A_761 = arith.index_cast %get3A_760 : i32 to index
        %get3A_762 = arith.index_cast %scan3A_89 : i32 to index
        %get3A_763 = arith.constant 1328 : index
        %get3A_764 = tpu.vector_load %arg4[%get3A_761, %get3A_762, %get3A_763] {strides = array<i32>} : memref<2x8x2048xf32, #tpu.memory_space<vmem>>, vector<1x1x16xf32>,
        %get3A_765 = vector.shape_cast %get3A_764 : vector<1x1x16xf32> to vector<16xf32>
        %mul3A_766 = arith.mulf %get3A_765, %get3A_765 : vector<16xf32>
        %add3A_767 = arith.addf %add3A_735, %mul3A_766 : vector<16xf32>
        %get3A_768 = arith.constant 1 : i32
        %get3A_769 = arith.index_cast %get3A_768 : i32 to index
        %get3A_770 = arith.index_cast %scan3A_89 : i32 to index
        %get3A_771 = arith.constant 1344 : index
        %get3A_772 = tpu.vector_load %arg4[%get3A_769, %get3A_770, %get3A_771] {strides = array<i32>} : memref<2x8x2048xf32, #tpu.memory_space<vmem>>, vector<1x1x16xf32>,
        %get3A_773 = vector.shape_cast %get3A_772 : vector<1x1x16xf32> to vector<16xf32>
        %mul3A_774 = arith.mulf %get3A_773, %get3A_773 : vector<16xf32>
        %add3A_775 = arith.addf %add3A_743, %mul3A_774 : vector<16xf32>
        %get3A_776 = arith.constant 1 : i32
        %get3A_777 = arith.index_cast %get3A_776 : i32 to index
        %get3A_778 = arith.index_cast %scan3A_89 : i32 to index
        %get3A_779 = arith.constant 1360 : index
        %get3A_780 = tpu.vector_load %arg4[%get3A_777, %get3A_778, %get3A_779] {strides = array<i32>} : memref<2x8x2048xf32, #tpu.memory_space<vmem>>, vector<1x1x16xf32>,
        %get3A_781 = vector.shape_cast %get3A_780 : vector<1x1x16xf32> to vector<16xf32>
        %mul3A_782 = arith.mulf %get3A_781, %get3A_781 : vector<16xf32>
        %add3A_783 = arith.addf %add3A_751, %mul3A_782 : vector<16xf32>
        %get3A_784 = arith.constant 1 : i32
        %get3A_785 = arith.index_cast %get3A_784 : i32 to index
        %get3A_786 = arith.index_cast %scan3A_89 : i32 to index
        %get3A_787 = arith.constant 1376 : index
        %get3A_788 = tpu.vector_load %arg4[%get3A_785, %get3A_786, %get3A_787] {strides = array<i32>} : memref<2x8x2048xf32, #tpu.memory_space<vmem>>, vector<1x1x16xf32>,
        %get3A_789 = vector.shape_cast %get3A_788 : vector<1x1x16xf32> to vector<16xf32>
        %mul3A_790 = arith.mulf %get3A_789, %get3A_789 : vector<16xf32>
        %add3A_791 = arith.addf %add3A_759, %mul3A_790 : vector<16xf32>
        %get3A_792 = arith.constant 1 : i32
        %get3A_793 = arith.index_cast %get3A_792 : i32 to index
        %get3A_794 = arith.index_cast %scan3A_89 : i32 to index
        %get3A_795 = arith.constant 1392 : index
        %get3A_796 = tpu.vector_load %arg4[%get3A_793, %get3A_794, %get3A_795] {strides = array<i32>} : memref<2x8x2048xf32, #tpu.memory_space<vmem>>, vector<1x1x16xf32>,
        %get3A_797 = vector.shape_cast %get3A_796 : vector<1x1x16xf32> to vector<16xf32>
        %mul3A_798 = arith.mulf %get3A_797, %get3A_797 : vector<16xf32>
        %add3A_799 = arith.addf %add3A_767, %mul3A_798 : vector<16xf32>
        %get3A_800 = arith.constant 1 : i32
        %get3A_801 = arith.index_cast %get3A_800 : i32 to index
        %get3A_802 = arith.index_cast %scan3A_89 : i32 to index
        %get3A_803 = arith.constant 1408 : index
        %get3A_804 = tpu.vector_load %arg4[%get3A_801, %get3A_802, %get3A_803] {strides = array<i32>} : memref<2x8x2048xf32, #tpu.memory_space<vmem>>, vector<1x1x16xf32>,
        %get3A_805 = vector.shape_cast %get3A_804 : vector<1x1x16xf32> to vector<16xf32>
        %mul3A_806 = arith.mulf %get3A_805, %get3A_805 : vector<16xf32>
        %add3A_807 = arith.addf %add3A_775, %mul3A_806 : vector<16xf32>
        %get3A_808 = arith.constant 1 : i32
        %get3A_809 = arith.index_cast %get3A_808 : i32 to index
        %get3A_810 = arith.index_cast %scan3A_89 : i32 to index
        %get3A_811 = arith.constant 1424 : index
        %get3A_812 = tpu.vector_load %arg4[%get3A_809, %get3A_810, %get3A_811] {strides = array<i32>} : memref<2x8x2048xf32, #tpu.memory_space<vmem>>, vector<1x1x16xf32>,
        %get3A_813 = vector.shape_cast %get3A_812 : vector<1x1x16xf32> to vector<16xf32>
        %mul3A_814 = arith.mulf %get3A_813, %get3A_813 : vector<16xf32>
        %add3A_815 = arith.addf %add3A_783, %mul3A_814 : vector<16xf32>
        %get3A_816 = arith.constant 1 : i32
        %get3A_817 = arith.index_cast %get3A_816 : i32 to index
        %get3A_818 = arith.index_cast %scan3A_89 : i32 to index
        %get3A_819 = arith.constant 1440 : index
        %get3A_820 = tpu.vector_load %arg4[%get3A_817, %get3A_818, %get3A_819] {strides = array<i32>} : memref<2x8x2048xf32, #tpu.memory_space<vmem>>, vector<1x1x16xf32>,
        %get3A_821 = vector.shape_cast %get3A_820 : vector<1x1x16xf32> to vector<16xf32>
        %mul3A_822 = arith.mulf %get3A_821, %get3A_821 : vector<16xf32>
        %add3A_823 = arith.addf %add3A_791, %mul3A_822 : vector<16xf32>
        %get3A_824 = arith.constant 1 : i32
        %get3A_825 = arith.index_cast %get3A_824 : i32 to index
        %get3A_826 = arith.index_cast %scan3A_89 : i32 to index
        %get3A_827 = arith.constant 1456 : index
        %get3A_828 = tpu.vector_load %arg4[%get3A_825, %get3A_826, %get3A_827] {strides = array<i32>} : memref<2x8x2048xf32, #tpu.memory_space<vmem>>, vector<1x1x16xf32>,
        %get3A_829 = vector.shape_cast %get3A_828 : vector<1x1x16xf32> to vector<16xf32>
        %mul3A_830 = arith.mulf %get3A_829, %get3A_829 : vector<16xf32>
        %add3A_831 = arith.addf %add3A_799, %mul3A_830 : vector<16xf32>
        %get3A_832 = arith.constant 1 : i32
        %get3A_833 = arith.index_cast %get3A_832 : i32 to index
        %get3A_834 = arith.index_cast %scan3A_89 : i32 to index
        %get3A_835 = arith.constant 1472 : index
        %get3A_836 = tpu.vector_load %arg4[%get3A_833, %get3A_834, %get3A_835] {strides = array<i32>} : memref<2x8x2048xf32, #tpu.memory_space<vmem>>, vector<1x1x16xf32>,
        %get3A_837 = vector.shape_cast %get3A_836 : vector<1x1x16xf32> to vector<16xf32>
        %mul3A_838 = arith.mulf %get3A_837, %get3A_837 : vector<16xf32>
        %add3A_839 = arith.addf %add3A_807, %mul3A_838 : vector<16xf32>
        %get3A_840 = arith.constant 1 : i32
        %get3A_841 = arith.index_cast %get3A_840 : i32 to index
        %get3A_842 = arith.index_cast %scan3A_89 : i32 to index
        %get3A_843 = arith.constant 1488 : index
        %get3A_844 = tpu.vector_load %arg4[%get3A_841, %get3A_842, %get3A_843] {strides = array<i32>} : memref<2x8x2048xf32, #tpu.memory_space<vmem>>, vector<1x1x16xf32>,
        %get3A_845 = vector.shape_cast %get3A_844 : vector<1x1x16xf32> to vector<16xf32>
        %mul3A_846 = arith.mulf %get3A_845, %get3A_845 : vector<16xf32>
        %add3A_847 = arith.addf %add3A_815, %mul3A_846 : vector<16xf32>
        %get3A_848 = arith.constant 1 : i32
        %get3A_849 = arith.index_cast %get3A_848 : i32 to index
        %get3A_850 = arith.index_cast %scan3A_89 : i32 to index
        %get3A_851 = arith.constant 1504 : index
        %get3A_852 = tpu.vector_load %arg4[%get3A_849, %get3A_850, %get3A_851] {strides = array<i32>} : memref<2x8x2048xf32, #tpu.memory_space<vmem>>, vector<1x1x16xf32>,
        %get3A_853 = vector.shape_cast %get3A_852 : vector<1x1x16xf32> to vector<16xf32>
        %mul3A_854 = arith.mulf %get3A_853, %get3A_853 : vector<16xf32>
        %add3A_855 = arith.addf %add3A_823, %mul3A_854 : vector<16xf32>
        %get3A_856 = arith.constant 1 : i32
        %get3A_857 = arith.index_cast %get3A_856 : i32 to index
        %get3A_858 = arith.index_cast %scan3A_89 : i32 to index
        %get3A_859 = arith.constant 1520 : index
        %get3A_860 = tpu.vector_load %arg4[%get3A_857, %get3A_858, %get3A_859] {strides = array<i32>} : memref<2x8x2048xf32, #tpu.memory_space<vmem>>, vector<1x1x16xf32>,
        %get3A_861 = vector.shape_cast %get3A_860 : vector<1x1x16xf32> to vector<16xf32>
        %mul3A_862 = arith.mulf %get3A_861, %get3A_861 : vector<16xf32>
        %add3A_863 = arith.addf %add3A_831, %mul3A_862 : vector<16xf32>
        %get3A_864 = arith.constant 1 : i32
        %get3A_865 = arith.index_cast %get3A_864 : i32 to index
        %get3A_866 = arith.index_cast %scan3A_89 : i32 to index
        %get3A_867 = arith.constant 1536 : index
        %get3A_868 = tpu.vector_load %arg4[%get3A_865, %get3A_866, %get3A_867] {strides = array<i32>} : memref<2x8x2048xf32, #tpu.memory_space<vmem>>, vector<1x1x16xf32>,
        %get3A_869 = vector.shape_cast %get3A_868 : vector<1x1x16xf32> to vector<16xf32>
        %mul3A_870 = arith.mulf %get3A_869, %get3A_869 : vector<16xf32>
        %add3A_871 = arith.addf %add3A_839, %mul3A_870 : vector<16xf32>
        %get3A_872 = arith.constant 1 : i32
        %get3A_873 = arith.index_cast %get3A_872 : i32 to index
        %get3A_874 = arith.index_cast %scan3A_89 : i32 to index
        %get3A_875 = arith.constant 1552 : index
        %get3A_876 = tpu.vector_load %arg4[%get3A_873, %get3A_874, %get3A_875] {strides = array<i32>} : memref<2x8x2048xf32, #tpu.memory_space<vmem>>, vector<1x1x16xf32>,
        %get3A_877 = vector.shape_cast %get3A_876 : vector<1x1x16xf32> to vector<16xf32>
        %mul3A_878 = arith.mulf %get3A_877, %get3A_877 : vector<16xf32>
        %add3A_879 = arith.addf %add3A_847, %mul3A_878 : vector<16xf32>
        %get3A_880 = arith.constant 1 : i32
        %get3A_881 = arith.index_cast %get3A_880 : i32 to index
        %get3A_882 = arith.index_cast %scan3A_89 : i32 to index
        %get3A_883 = arith.constant 1568 : index
        %get3A_884 = tpu.vector_load %arg4[%get3A_881, %get3A_882, %get3A_883] {strides = array<i32>} : memref<2x8x2048xf32, #tpu.memory_space<vmem>>, vector<1x1x16xf32>,
        %get3A_885 = vector.shape_cast %get3A_884 : vector<1x1x16xf32> to vector<16xf32>
        %mul3A_886 = arith.mulf %get3A_885, %get3A_885 : vector<16xf32>
        %add3A_887 = arith.addf %add3A_855, %mul3A_886 : vector<16xf32>
        %get3A_888 = arith.constant 1 : i32
        %get3A_889 = arith.index_cast %get3A_888 : i32 to index
        %get3A_890 = arith.index_cast %scan3A_89 : i32 to index
        %get3A_891 = arith.constant 1584 : index
        %get3A_892 = tpu.vector_load %arg4[%get3A_889, %get3A_890, %get3A_891] {strides = array<i32>} : memref<2x8x2048xf32, #tpu.memory_space<vmem>>, vector<1x1x16xf32>,
        %get3A_893 = vector.shape_cast %get3A_892 : vector<1x1x16xf32> to vector<16xf32>
        %mul3A_894 = arith.mulf %get3A_893, %get3A_893 : vector<16xf32>
        %add3A_895 = arith.addf %add3A_863, %mul3A_894 : vector<16xf32>
        %get3A_896 = arith.constant 1 : i32
        %get3A_897 = arith.index_cast %get3A_896 : i32 to index
        %get3A_898 = arith.index_cast %scan3A_89 : i32 to index
        %get3A_899 = arith.constant 1600 : index
        %get3A_900 = tpu.vector_load %arg4[%get3A_897, %get3A_898, %get3A_899] {strides = array<i32>} : memref<2x8x2048xf32, #tpu.memory_space<vmem>>, vector<1x1x16xf32>,
        %get3A_901 = vector.shape_cast %get3A_900 : vector<1x1x16xf32> to vector<16xf32>
        %mul3A_902 = arith.mulf %get3A_901, %get3A_901 : vector<16xf32>
        %add3A_903 = arith.addf %add3A_871, %mul3A_902 : vector<16xf32>
        %get3A_904 = arith.constant 1 : i32
        %get3A_905 = arith.index_cast %get3A_904 : i32 to index
        %get3A_906 = arith.index_cast %scan3A_89 : i32 to index
        %get3A_907 = arith.constant 1616 : index
        %get3A_908 = tpu.vector_load %arg4[%get3A_905, %get3A_906, %get3A_907] {strides = array<i32>} : memref<2x8x2048xf32, #tpu.memory_space<vmem>>, vector<1x1x16xf32>,
        %get3A_909 = vector.shape_cast %get3A_908 : vector<1x1x16xf32> to vector<16xf32>
        %mul3A_910 = arith.mulf %get3A_909, %get3A_909 : vector<16xf32>
        %add3A_911 = arith.addf %add3A_879, %mul3A_910 : vector<16xf32>
        %get3A_912 = arith.constant 1 : i32
        %get3A_913 = arith.index_cast %get3A_912 : i32 to index
        %get3A_914 = arith.index_cast %scan3A_89 : i32 to index
        %get3A_915 = arith.constant 1632 : index
        %get3A_916 = tpu.vector_load %arg4[%get3A_913, %get3A_914, %get3A_915] {strides = array<i32>} : memref<2x8x2048xf32, #tpu.memory_space<vmem>>, vector<1x1x16xf32>,
        %get3A_917 = vector.shape_cast %get3A_916 : vector<1x1x16xf32> to vector<16xf32>
        %mul3A_918 = arith.mulf %get3A_917, %get3A_917 : vector<16xf32>
        %add3A_919 = arith.addf %add3A_887, %mul3A_918 : vector<16xf32>
        %get3A_920 = arith.constant 1 : i32
        %get3A_921 = arith.index_cast %get3A_920 : i32 to index
        %get3A_922 = arith.index_cast %scan3A_89 : i32 to index
        %get3A_923 = arith.constant 1648 : index
        %get3A_924 = tpu.vector_load %arg4[%get3A_921, %get3A_922, %get3A_923] {strides = array<i32>} : memref<2x8x2048xf32, #tpu.memory_space<vmem>>, vector<1x1x16xf32>,
        %get3A_925 = vector.shape_cast %get3A_924 : vector<1x1x16xf32> to vector<16xf32>
        %mul3A_926 = arith.mulf %get3A_925, %get3A_925 : vector<16xf32>
        %add3A_927 = arith.addf %add3A_895, %mul3A_926 : vector<16xf32>
        %get3A_928 = arith.constant 1 : i32
        %get3A_929 = arith.index_cast %get3A_928 : i32 to index
        %get3A_930 = arith.index_cast %scan3A_89 : i32 to index
        %get3A_931 = arith.constant 1664 : index
        %get3A_932 = tpu.vector_load %arg4[%get3A_929, %get3A_930, %get3A_931] {strides = array<i32>} : memref<2x8x2048xf32, #tpu.memory_space<vmem>>, vector<1x1x16xf32>,
        %get3A_933 = vector.shape_cast %get3A_932 : vector<1x1x16xf32> to vector<16xf32>
        %mul3A_934 = arith.mulf %get3A_933, %get3A_933 : vector<16xf32>
        %add3A_935 = arith.addf %add3A_903, %mul3A_934 : vector<16xf32>
        %get3A_936 = arith.constant 1 : i32
        %get3A_937 = arith.index_cast %get3A_936 : i32 to index
        %get3A_938 = arith.index_cast %scan3A_89 : i32 to index
        %get3A_939 = arith.constant 1680 : index
        %get3A_940 = tpu.vector_load %arg4[%get3A_937, %get3A_938, %get3A_939] {strides = array<i32>} : memref<2x8x2048xf32, #tpu.memory_space<vmem>>, vector<1x1x16xf32>,
        %get3A_941 = vector.shape_cast %get3A_940 : vector<1x1x16xf32> to vector<16xf32>
        %mul3A_942 = arith.mulf %get3A_941, %get3A_941 : vector<16xf32>
        %add3A_943 = arith.addf %add3A_911, %mul3A_942 : vector<16xf32>
        %get3A_944 = arith.constant 1 : i32
        %get3A_945 = arith.index_cast %get3A_944 : i32 to index
        %get3A_946 = arith.index_cast %scan3A_89 : i32 to index
        %get3A_947 = arith.constant 1696 : index
        %get3A_948 = tpu.vector_load %arg4[%get3A_945, %get3A_946, %get3A_947] {strides = array<i32>} : memref<2x8x2048xf32, #tpu.memory_space<vmem>>, vector<1x1x16xf32>,
        %get3A_949 = vector.shape_cast %get3A_948 : vector<1x1x16xf32> to vector<16xf32>
        %mul3A_950 = arith.mulf %get3A_949, %get3A_949 : vector<16xf32>
        %add3A_951 = arith.addf %add3A_919, %mul3A_950 : vector<16xf32>
        %get3A_952 = arith.constant 1 : i32
        %get3A_953 = arith.index_cast %get3A_952 : i32 to index
        %get3A_954 = arith.index_cast %scan3A_89 : i32 to index
        %get3A_955 = arith.constant 1712 : index
        %get3A_956 = tpu.vector_load %arg4[%get3A_953, %get3A_954, %get3A_955] {strides = array<i32>} : memref<2x8x2048xf32, #tpu.memory_space<vmem>>, vector<1x1x16xf32>,
        %get3A_957 = vector.shape_cast %get3A_956 : vector<1x1x16xf32> to vector<16xf32>
        %mul3A_958 = arith.mulf %get3A_957, %get3A_957 : vector<16xf32>
        %add3A_959 = arith.addf %add3A_927, %mul3A_958 : vector<16xf32>
        %get3A_960 = arith.constant 1 : i32
        %get3A_961 = arith.index_cast %get3A_960 : i32 to index
        %get3A_962 = arith.index_cast %scan3A_89 : i32 to index
        %get3A_963 = arith.constant 1728 : index
        %get3A_964 = tpu.vector_load %arg4[%get3A_961, %get3A_962, %get3A_963] {strides = array<i32>} : memref<2x8x2048xf32, #tpu.memory_space<vmem>>, vector<1x1x16xf32>,
        %get3A_965 = vector.shape_cast %get3A_964 : vector<1x1x16xf32> to vector<16xf32>
        %mul3A_966 = arith.mulf %get3A_965, %get3A_965 : vector<16xf32>
        %add3A_967 = arith.addf %add3A_935, %mul3A_966 : vector<16xf32>
        %get3A_968 = arith.constant 1 : i32
        %get3A_969 = arith.index_cast %get3A_968 : i32 to index
        %get3A_970 = arith.index_cast %scan3A_89 : i32 to index
        %get3A_971 = arith.constant 1744 : index
        %get3A_972 = tpu.vector_load %arg4[%get3A_969, %get3A_970, %get3A_971] {strides = array<i32>} : memref<2x8x2048xf32, #tpu.memory_space<vmem>>, vector<1x1x16xf32>,
        %get3A_973 = vector.shape_cast %get3A_972 : vector<1x1x16xf32> to vector<16xf32>
        %mul3A_974 = arith.mulf %get3A_973, %get3A_973 : vector<16xf32>
        %add3A_975 = arith.addf %add3A_943, %mul3A_974 : vector<16xf32>
        %get3A_976 = arith.constant 1 : i32
        %get3A_977 = arith.index_cast %get3A_976 : i32 to index
        %get3A_978 = arith.index_cast %scan3A_89 : i32 to index
        %get3A_979 = arith.constant 1760 : index
        %get3A_980 = tpu.vector_load %arg4[%get3A_977, %get3A_978, %get3A_979] {strides = array<i32>} : memref<2x8x2048xf32, #tpu.memory_space<vmem>>, vector<1x1x16xf32>,
        %get3A_981 = vector.shape_cast %get3A_980 : vector<1x1x16xf32> to vector<16xf32>
        %mul3A_982 = arith.mulf %get3A_981, %get3A_981 : vector<16xf32>
        %add3A_983 = arith.addf %add3A_951, %mul3A_982 : vector<16xf32>
        %get3A_984 = arith.constant 1 : i32
        %get3A_985 = arith.index_cast %get3A_984 : i32 to index
        %get3A_986 = arith.index_cast %scan3A_89 : i32 to index
        %get3A_987 = arith.constant 1776 : index
        %get3A_988 = tpu.vector_load %arg4[%get3A_985, %get3A_986, %get3A_987] {strides = array<i32>} : memref<2x8x2048xf32, #tpu.memory_space<vmem>>, vector<1x1x16xf32>,
        %get3A_989 = vector.shape_cast %get3A_988 : vector<1x1x16xf32> to vector<16xf32>
        %mul3A_990 = arith.mulf %get3A_989, %get3A_989 : vector<16xf32>
        %add3A_991 = arith.addf %add3A_959, %mul3A_990 : vector<16xf32>
        %get3A_992 = arith.constant 1 : i32
        %get3A_993 = arith.index_cast %get3A_992 : i32 to index
        %get3A_994 = arith.index_cast %scan3A_89 : i32 to index
        %get3A_995 = arith.constant 1792 : index
        %get3A_996 = tpu.vector_load %arg4[%get3A_993, %get3A_994, %get3A_995] {strides = array<i32>} : memref<2x8x2048xf32, #tpu.memory_space<vmem>>, vector<1x1x16xf32>,
        %get3A_997 = vector.shape_cast %get3A_996 : vector<1x1x16xf32> to vector<16xf32>
        %mul3A_998 = arith.mulf %get3A_997, %get3A_997 : vector<16xf32>
        %add3A_999 = arith.addf %add3A_967, %mul3A_998 : vector<16xf32>
        %get3A_1000 = arith.constant 1 : i32
        %get3A_1001 = arith.index_cast %get3A_1000 : i32 to index
        %get3A_1002 = arith.index_cast %scan3A_89 : i32 to index
        %get3A_1003 = arith.constant 1808 : index
        %get3A_1004 = tpu.vector_load %arg4[%get3A_1001, %get3A_1002, %get3A_1003] {strides = array<i32>} : memref<2x8x2048xf32, #tpu.memory_space<vmem>>, vector<1x1x16xf32>,
        %get3A_1005 = vector.shape_cast %get3A_1004 : vector<1x1x16xf32> to vector<16xf32>
        %mul3A_1006 = arith.mulf %get3A_1005, %get3A_1005 : vector<16xf32>
        %add3A_1007 = arith.addf %add3A_975, %mul3A_1006 : vector<16xf32>
        %get3A_1008 = arith.constant 1 : i32
        %get3A_1009 = arith.index_cast %get3A_1008 : i32 to index
        %get3A_1010 = arith.index_cast %scan3A_89 : i32 to index
        %get3A_1011 = arith.constant 1824 : index
        %get3A_1012 = tpu.vector_load %arg4[%get3A_1009, %get3A_1010, %get3A_1011] {strides = array<i32>} : memref<2x8x2048xf32, #tpu.memory_space<vmem>>, vector<1x1x16xf32>,
        %get3A_1013 = vector.shape_cast %get3A_1012 : vector<1x1x16xf32> to vector<16xf32>
        %mul3A_1014 = arith.mulf %get3A_1013, %get3A_1013 : vector<16xf32>
        %add3A_1015 = arith.addf %add3A_983, %mul3A_1014 : vector<16xf32>
        %get3A_1016 = arith.constant 1 : i32
        %get3A_1017 = arith.index_cast %get3A_1016 : i32 to index
        %get3A_1018 = arith.index_cast %scan3A_89 : i32 to index
        %get3A_1019 = arith.constant 1840 : index
        %get3A_1020 = tpu.vector_load %arg4[%get3A_1017, %get3A_1018, %get3A_1019] {strides = array<i32>} : memref<2x8x2048xf32, #tpu.memory_space<vmem>>, vector<1x1x16xf32>,
        %get3A_1021 = vector.shape_cast %get3A_1020 : vector<1x1x16xf32> to vector<16xf32>
        %mul3A_1022 = arith.mulf %get3A_1021, %get3A_1021 : vector<16xf32>
        %add3A_1023 = arith.addf %add3A_991, %mul3A_1022 : vector<16xf32>
        %get3A_1024 = arith.constant 1 : i32
        %get3A_1025 = arith.index_cast %get3A_1024 : i32 to index
        %get3A_1026 = arith.index_cast %scan3A_89 : i32 to index
        %get3A_1027 = arith.constant 1856 : index
        %get3A_1028 = tpu.vector_load %arg4[%get3A_1025, %get3A_1026, %get3A_1027] {strides = array<i32>} : memref<2x8x2048xf32, #tpu.memory_space<vmem>>, vector<1x1x16xf32>,
        %get3A_1029 = vector.shape_cast %get3A_1028 : vector<1x1x16xf32> to vector<16xf32>
        %mul3A_1030 = arith.mulf %get3A_1029, %get3A_1029 : vector<16xf32>
        %add3A_1031 = arith.addf %add3A_999, %mul3A_1030 : vector<16xf32>
        %get3A_1032 = arith.constant 1 : i32
        %get3A_1033 = arith.index_cast %get3A_1032 : i32 to index
        %get3A_1034 = arith.index_cast %scan3A_89 : i32 to index
        %get3A_1035 = arith.constant 1872 : index
        %get3A_1036 = tpu.vector_load %arg4[%get3A_1033, %get3A_1034, %get3A_1035] {strides = array<i32>} : memref<2x8x2048xf32, #tpu.memory_space<vmem>>, vector<1x1x16xf32>,
        %get3A_1037 = vector.shape_cast %get3A_1036 : vector<1x1x16xf32> to vector<16xf32>
        %mul3A_1038 = arith.mulf %get3A_1037, %get3A_1037 : vector<16xf32>
        %add3A_1039 = arith.addf %add3A_1007, %mul3A_1038 : vector<16xf32>
        %get3A_1040 = arith.constant 1 : i32
        %get3A_1041 = arith.index_cast %get3A_1040 : i32 to index
        %get3A_1042 = arith.index_cast %scan3A_89 : i32 to index
        %get3A_1043 = arith.constant 1888 : index
        %get3A_1044 = tpu.vector_load %arg4[%get3A_1041, %get3A_1042, %get3A_1043] {strides = array<i32>} : memref<2x8x2048xf32, #tpu.memory_space<vmem>>, vector<1x1x16xf32>,
        %get3A_1045 = vector.shape_cast %get3A_1044 : vector<1x1x16xf32> to vector<16xf32>
        %mul3A_1046 = arith.mulf %get3A_1045, %get3A_1045 : vector<16xf32>
        %add3A_1047 = arith.addf %add3A_1015, %mul3A_1046 : vector<16xf32>
        %get3A_1048 = arith.constant 1 : i32
        %get3A_1049 = arith.index_cast %get3A_1048 : i32 to index
        %get3A_1050 = arith.index_cast %scan3A_89 : i32 to index
        %get3A_1051 = arith.constant 1904 : index
        %get3A_1052 = tpu.vector_load %arg4[%get3A_1049, %get3A_1050, %get3A_1051] {strides = array<i32>} : memref<2x8x2048xf32, #tpu.memory_space<vmem>>, vector<1x1x16xf32>,
        %get3A_1053 = vector.shape_cast %get3A_1052 : vector<1x1x16xf32> to vector<16xf32>
        %mul3A_1054 = arith.mulf %get3A_1053, %get3A_1053 : vector<16xf32>
        %add3A_1055 = arith.addf %add3A_1023, %mul3A_1054 : vector<16xf32>
        %get3A_1056 = arith.constant 1 : i32
        %get3A_1057 = arith.index_cast %get3A_1056 : i32 to index
        %get3A_1058 = arith.index_cast %scan3A_89 : i32 to index
        %get3A_1059 = arith.constant 1920 : index
        %get3A_1060 = tpu.vector_load %arg4[%get3A_1057, %get3A_1058, %get3A_1059] {strides = array<i32>} : memref<2x8x2048xf32, #tpu.memory_space<vmem>>, vector<1x1x16xf32>,
        %get3A_1061 = vector.shape_cast %get3A_1060 : vector<1x1x16xf32> to vector<16xf32>
        %mul3A_1062 = arith.mulf %get3A_1061, %get3A_1061 : vector<16xf32>
        %add3A_1063 = arith.addf %add3A_1031, %mul3A_1062 : vector<16xf32>
        %get3A_1064 = arith.constant 1 : i32
        %get3A_1065 = arith.index_cast %get3A_1064 : i32 to index
        %get3A_1066 = arith.index_cast %scan3A_89 : i32 to index
        %get3A_1067 = arith.constant 1936 : index
        %get3A_1068 = tpu.vector_load %arg4[%get3A_1065, %get3A_1066, %get3A_1067] {strides = array<i32>} : memref<2x8x2048xf32, #tpu.memory_space<vmem>>, vector<1x1x16xf32>,
        %get3A_1069 = vector.shape_cast %get3A_1068 : vector<1x1x16xf32> to vector<16xf32>
        %mul3A_1070 = arith.mulf %get3A_1069, %get3A_1069 : vector<16xf32>
        %add3A_1071 = arith.addf %add3A_1039, %mul3A_1070 : vector<16xf32>
        %get3A_1072 = arith.constant 1 : i32
        %get3A_1073 = arith.index_cast %get3A_1072 : i32 to index
        %get3A_1074 = arith.index_cast %scan3A_89 : i32 to index
        %get3A_1075 = arith.constant 1952 : index
        %get3A_1076 = tpu.vector_load %arg4[%get3A_1073, %get3A_1074, %get3A_1075] {strides = array<i32>} : memref<2x8x2048xf32, #tpu.memory_space<vmem>>, vector<1x1x16xf32>,
        %get3A_1077 = vector.shape_cast %get3A_1076 : vector<1x1x16xf32> to vector<16xf32>
        %mul3A_1078 = arith.mulf %get3A_1077, %get3A_1077 : vector<16xf32>
        %add3A_1079 = arith.addf %add3A_1047, %mul3A_1078 : vector<16xf32>
        %get3A_1080 = arith.constant 1 : i32
        %get3A_1081 = arith.index_cast %get3A_1080 : i32 to index
        %get3A_1082 = arith.index_cast %scan3A_89 : i32 to index
        %get3A_1083 = arith.constant 1968 : index
        %get3A_1084 = tpu.vector_load %arg4[%get3A_1081, %get3A_1082, %get3A_1083] {strides = array<i32>} : memref<2x8x2048xf32, #tpu.memory_space<vmem>>, vector<1x1x16xf32>,
        %get3A_1085 = vector.shape_cast %get3A_1084 : vector<1x1x16xf32> to vector<16xf32>
        %mul3A_1086 = arith.mulf %get3A_1085, %get3A_1085 : vector<16xf32>
        %add3A_1087 = arith.addf %add3A_1055, %mul3A_1086 : vector<16xf32>
        %get3A_1088 = arith.constant 1 : i32
        %get3A_1089 = arith.index_cast %get3A_1088 : i32 to index
        %get3A_1090 = arith.index_cast %scan3A_89 : i32 to index
        %get3A_1091 = arith.constant 1984 : index
        %get3A_1092 = tpu.vector_load %arg4[%get3A_1089, %get3A_1090, %get3A_1091] {strides = array<i32>} : memref<2x8x2048xf32, #tpu.memory_space<vmem>>, vector<1x1x16xf32>,
        %get3A_1093 = vector.shape_cast %get3A_1092 : vector<1x1x16xf32> to vector<16xf32>
        %mul3A_1094 = arith.mulf %get3A_1093, %get3A_1093 : vector<16xf32>
        %add3A_1095 = arith.addf %add3A_1063, %mul3A_1094 : vector<16xf32>
        %get3A_1096 = arith.constant 1 : i32
        %get3A_1097 = arith.index_cast %get3A_1096 : i32 to index
        %get3A_1098 = arith.index_cast %scan3A_89 : i32 to index
        %get3A_1099 = arith.constant 2000 : index
        %get3A_1100 = tpu.vector_load %arg4[%get3A_1097, %get3A_1098, %get3A_1099] {strides = array<i32>} : memref<2x8x2048xf32, #tpu.memory_space<vmem>>, vector<1x1x16xf32>,
        %get3A_1101 = vector.shape_cast %get3A_1100 : vector<1x1x16xf32> to vector<16xf32>
        %mul3A_1102 = arith.mulf %get3A_1101, %get3A_1101 : vector<16xf32>
        %add3A_1103 = arith.addf %add3A_1071, %mul3A_1102 : vector<16xf32>
        %get3A_1104 = arith.constant 1 : i32
        %get3A_1105 = arith.index_cast %get3A_1104 : i32 to index
        %get3A_1106 = arith.index_cast %scan3A_89 : i32 to index
        %get3A_1107 = arith.constant 2016 : index
        %get3A_1108 = tpu.vector_load %arg4[%get3A_1105, %get3A_1106, %get3A_1107] {strides = array<i32>} : memref<2x8x2048xf32, #tpu.memory_space<vmem>>, vector<1x1x16xf32>,
        %get3A_1109 = vector.shape_cast %get3A_1108 : vector<1x1x16xf32> to vector<16xf32>
        %mul3A_1110 = arith.mulf %get3A_1109, %get3A_1109 : vector<16xf32>
        %add3A_1111 = arith.addf %add3A_1079, %mul3A_1110 : vector<16xf32>
        %get3A_1112 = arith.constant 1 : i32
        %get3A_1113 = arith.index_cast %get3A_1112 : i32 to index
        %get3A_1114 = arith.index_cast %scan3A_89 : i32 to index
        %get3A_1115 = arith.constant 2032 : index
        %get3A_1116 = tpu.vector_load %arg4[%get3A_1113, %get3A_1114, %get3A_1115] {strides = array<i32>} : memref<2x8x2048xf32, #tpu.memory_space<vmem>>, vector<1x1x16xf32>,
        %get3A_1117 = vector.shape_cast %get3A_1116 : vector<1x1x16xf32> to vector<16xf32>
        %mul3A_1118 = arith.mulf %get3A_1117, %get3A_1117 : vector<16xf32>
        %add3A_1119 = arith.addf %add3A_1087, %mul3A_1118 : vector<16xf32>
        %add3A_1120 = arith.addf %add3A_1095, %add3A_1103 : vector<16xf32>
        %add3A_1121 = arith.addf %add3A_1111, %add3A_1119 : vector<16xf32>
        %add3A_1122 = arith.addf %add3A_1120, %add3A_1121 : vector<16xf32>
        %mul3A_1123 = arith.constant 8 : i32
        %mul3A_1124 = arith.muli %add3A_82, %mul3A_1123 : i32
        %add3A_1125 = arith.addi %mul3A_1124, %scan3A_89 : i32
        %swap3A = arith.index_cast %add3A_1125 : i32 to index
        %swap3A_1126 = arith.constant 0 : index
        %swap3A_1127 = tpu.vector_load %arg5[%swap3A, %swap3A_1126] {strides = array<i32>} : memref<192x16xf32, #tpu.memory_space<vmem>>, vector<1x16xf32>,
        %swap3A_1128 = vector.shape_cast %swap3A_1127 : vector<1x16xf32> to vector<16xf32>
        %swap3A_1129 = vector.shape_cast %add3A_1122 : vector<16xf32> to vector<1x16xf32>
        tpu.vector_store %arg5[%swap3A, %swap3A_1126], %swap3A_1129 {strides = array<i32>} : memref<192x16xf32, #tpu.memory_space<vmem>>, vector<1x16xf32>,
      }
      %scan3A_88 = arith.constant 8 : i32
    }
    %scan3A_23 = arith.constant 12 : i32
    "tpu.region"() ({
      %run_scoped3A = tpu.sem_alloc : memref<!tpu.dma_semaphore, #tpu.memory_space<semaphore_mem>>
      %dma_start3A_24 = arith.constant 0 : i32
      %dma_start3A_25 = tpu.memref_slice %arg3[%mul3A_2, %dma_start3A_24] : memref<6144x16xf32, #tpu.memory_space<hbm>> -> memref<192x16xf32, #tpu.memory_space<hbm>>
      %dma_start3A_26 = arith.constant 0 : i32
      %dma_start3A_27 = tpu.memref_slice %arg3[%mul3A_2, %dma_start3A_26] : memref<6144x16xf32, #tpu.memory_space<hbm>> -> memref<192x16xf32, #tpu.memory_space<hbm>>
      tpu.enqueue_dma source(%arg5 : memref<192x16xf32, #tpu.memory_space<vmem>>) target(%dma_start3A_27 : memref<192x16xf32, #tpu.memory_space<hbm>>) target_semaphore(%run_scoped3A : memref<!tpu.dma_semaphore, #tpu.memory_space<semaphore_mem>>)
      %dma_wait3A = arith.constant 0 : i32
      %dma_wait3A_28 = tpu.memref_slice %arg3[%mul3A_2, %dma_wait3A] : memref<6144x16xf32, #tpu.memory_space<hbm>> -> memref<192x16xf32, #tpu.memory_space<hbm>>
      %dma_wait3A_29 = arith.constant 0 : i32
      %dma_wait3A_30 = tpu.memref_slice %arg3[%mul3A_2, %dma_wait3A_29] : memref<6144x16xf32, #tpu.memory_space<hbm>> -> memref<192x16xf32, #tpu.memory_space<hbm>>
      tpu.wait_dma2 semaphore(%run_scoped3A : memref<!tpu.dma_semaphore, #tpu.memory_space<semaphore_mem>>) src(%arg5 : memref<192x16xf32, #tpu.memory_space<vmem>>) dst(%dma_wait3A_30 : memref<192x16xf32, #tpu.memory_space<hbm>>)
      tpu.yield
    }) : () -> ()
    return
  }
}

module attributes {stable_mosaic.version = 14 : i64} {
  func.func @_norm_kernel(%arg0: i32, %arg1: memref<256x1xf32, #tpu.memory_space<vmem>>, %arg2: memref<256x2048xf32, #tpu.memory_space<vmem>>, %arg3: memref<256x1xf32, #tpu.memory_space<vmem>>, %arg4: memref<1x1xf32, #tpu.memory_space<vmem>>, %arg5: memref<1x1xf32, #tpu.memory_space<vmem>>) attributes {dimension_semantics = [#tpu.dimension_semantics<arbitrary>], iteration_bounds = array<i64: 40>, scalar_prefetch = 0 : i64, scratch_operands = 0 : i64, tpu.core_type = #tpu.core_type<tc>, window_params = [{transform_indices = @transform_0, window_bounds = array<i64: 256, 1>}, {transform_indices = @transform_1, window_bounds = array<i64: 256, 2048>}, {transform_indices = @transform_2, window_bounds = array<i64: 256, 1>}, {pipeline_mode = #tpu.pipeline_mode<synchronous>, transform_indices = @transform_3, window_bounds = array<i64: 1, 1>}, {pipeline_mode = #tpu.pipeline_mode<synchronous>, transform_indices = @transform_4, window_bounds = array<i64: 1, 1>}]} {
    %get3A = arith.constant 0 : index
    %get3A_0 = arith.constant 0 : index
    %get3A_1 = vector.load %arg2[%get3A, %get3A_0] : memref<256x2048xf32, #tpu.memory_space<vmem>>, vector<256x2048xf32>
    %mul3A = arith.mulf %get3A_1, %get3A_1 : vector<256x2048xf32>
    %reduce_sum3A = arith.constant dense<0.000000e+00> : vector<256xf32>
    %reduce_sum3A_2 = vector.multi_reduction <add>, %mul3A, %reduce_sum3A [1] : vector<256x2048xf32> to vector<256xf32>
    %broadcast_in_dim3A = vector.shape_cast %reduce_sum3A_2 : vector<256xf32> to vector<256x1xf32>
    %get3A_3 = arith.constant 0 : index
    %get3A_4 = arith.constant 0 : index
    %get3A_5 = vector.load %arg1[%get3A_3, %get3A_4] : memref<256x1xf32, #tpu.memory_space<vmem>>, vector<256x1xf32>
    %mul3A_6 = arith.constant 5.000000e-01 : f32
    %mul3A_7 = vector.broadcast %mul3A_6 : f32 to vector<256x1xf32>
    %mul3A_8 = arith.mulf %mul3A_7, %get3A_5 : vector<256x1xf32>
    %sqrt3A = math.sqrt %broadcast_in_dim3A : vector<256x1xf32>
    %mul3A_9 = arith.constant 5.000000e-01 : f32
    %mul3A_10 = vector.broadcast %mul3A_9 : f32 to vector<256x1xf32>
    %mul3A_11 = arith.mulf %mul3A_10, %sqrt3A : vector<256x1xf32>
    %add3A = arith.addf %mul3A_8, %mul3A_11 : vector<256x1xf32>
    %swap3A = arith.constant 0 : index
    %swap3A_12 = arith.constant 0 : index
    %swap3A_13 = vector.load %arg3[%swap3A, %swap3A_12] : memref<256x1xf32, #tpu.memory_space<vmem>>, vector<256x1xf32>
    tpu.vector_store %arg3[%swap3A, %swap3A_12], %add3A {strides = array<i32>} : memref<256x1xf32, #tpu.memory_space<vmem>>, vector<256x1xf32>,
    %eq3A = arith.constant 0 : i32
    %eq3A_14 = arith.cmpi eq, %arg0, %eq3A : i32
    %convert_element_type3A = arith.extui %eq3A_14 : i1 to i32
    %cond3A = arith.constant 0 : i32
    %cond3A_15 = arith.cmpi ne, %convert_element_type3A, %cond3A : i32
    scf.if %cond3A_15 {
      %broadcast_in_dim3A_37 = arith.constant 0x7F800000 : f32
      %broadcast_in_dim3A_38 = vector.broadcast %broadcast_in_dim3A_37 : f32 to vector<1x1xf32>
      %swap3A_39 = arith.constant 0 : index
      %swap3A_40 = arith.constant 0 : index
      %swap3A_41 = vector.load %arg4[%swap3A_39, %swap3A_40] : memref<1x1xf32, #tpu.memory_space<vmem>>, vector<1x1xf32>
      tpu.vector_store %arg4[%swap3A_39, %swap3A_40], %broadcast_in_dim3A_38 {strides = array<i32>} : memref<1x1xf32, #tpu.memory_space<vmem>>, vector<1x1xf32>,
      %broadcast_in_dim3A_42 = arith.constant 0xFF800000 : f32
      %broadcast_in_dim3A_43 = vector.broadcast %broadcast_in_dim3A_42 : f32 to vector<1x1xf32>
      %swap3A_44 = arith.constant 0 : index
      %swap3A_45 = arith.constant 0 : index
      %swap3A_46 = vector.load %arg5[%swap3A_44, %swap3A_45] : memref<1x1xf32, #tpu.memory_space<vmem>>, vector<1x1xf32>
      tpu.vector_store %arg5[%swap3A_44, %swap3A_45], %broadcast_in_dim3A_43 {strides = array<i32>} : memref<1x1xf32, #tpu.memory_space<vmem>>, vector<1x1xf32>,
    } else {
    }
    %get3A_16 = arith.constant 0 : index
    %get3A_17 = arith.constant 0 : index
    %get3A_18 = vector.load %arg4[%get3A_16, %get3A_17] : memref<1x1xf32, #tpu.memory_space<vmem>>, vector<1x1xf32>
    %reduce_min3A = vector.shape_cast %add3A : vector<256x1xf32> to vector<1x256x1xf32>
    %reduce_min3A_19 = arith.constant dense<0x7F800000> : vector<1xf32>
    %reduce_min3A_20 = vector.multi_reduction <minimumf>, %reduce_min3A, %reduce_min3A_19 [1, 2] : vector<1x256x1xf32> to vector<1xf32>
    %reduce_min3A_21 = vector.shape_cast %reduce_min3A_20 : vector<1xf32> to vector<1x1x1xf32>
    %reduce_min3A_22 = vector.extract %reduce_min3A_21[0, 0, 0] : f32 from vector<1x1x1xf32>
    %reshape3A = vector.broadcast %reduce_min3A_22 : f32 to vector<1x1xf32>
    %min3A = arith.minimumf %get3A_18, %reshape3A : vector<1x1xf32>
    %swap3A_23 = arith.constant 0 : index
    %swap3A_24 = arith.constant 0 : index
    %swap3A_25 = vector.load %arg4[%swap3A_23, %swap3A_24] : memref<1x1xf32, #tpu.memory_space<vmem>>, vector<1x1xf32>
    tpu.vector_store %arg4[%swap3A_23, %swap3A_24], %min3A {strides = array<i32>} : memref<1x1xf32, #tpu.memory_space<vmem>>, vector<1x1xf32>,
    %get3A_26 = arith.constant 0 : index
    %get3A_27 = arith.constant 0 : index
    %get3A_28 = vector.load %arg5[%get3A_26, %get3A_27] : memref<1x1xf32, #tpu.memory_space<vmem>>, vector<1x1xf32>
    %reduce_max3A = vector.shape_cast %add3A : vector<256x1xf32> to vector<1x256x1xf32>
    %reduce_max3A_29 = arith.constant dense<0xFF800000> : vector<1xf32>
    %reduce_max3A_30 = vector.multi_reduction <maximumf>, %reduce_max3A, %reduce_max3A_29 [1, 2] : vector<1x256x1xf32> to vector<1xf32>
    %reduce_max3A_31 = vector.shape_cast %reduce_max3A_30 : vector<1xf32> to vector<1x1x1xf32>
    %reduce_max3A_32 = vector.extract %reduce_max3A_31[0, 0, 0] : f32 from vector<1x1x1xf32>
    %reshape3A_33 = vector.broadcast %reduce_max3A_32 : f32 to vector<1x1xf32>
    %max3A = arith.maximumf %get3A_28, %reshape3A_33 : vector<1x1xf32>
    %swap3A_34 = arith.constant 0 : index
    %swap3A_35 = arith.constant 0 : index
    %swap3A_36 = vector.load %arg5[%swap3A_34, %swap3A_35] : memref<1x1xf32, #tpu.memory_space<vmem>>, vector<1x1xf32>
    tpu.vector_store %arg5[%swap3A_34, %swap3A_35], %max3A {strides = array<i32>} : memref<1x1xf32, #tpu.memory_space<vmem>>, vector<1x1xf32>,
    return
  }
  func.func @transform_0(%arg0: i32) -> (i32, i32) {
    %c0_i32 = arith.constant 0 : i32
    %c0_i32_0 = arith.constant 0 : i32
    return %arg0, %c0_i32 : i32, i32
  }
  func.func @transform_1(%arg0: i32) -> (i32, i32) {
    %c0_i32 = arith.constant 0 : i32
    %c0_i32_0 = arith.constant 0 : i32
    return %arg0, %c0_i32 : i32, i32
  }
  func.func @transform_2(%arg0: i32) -> (i32, i32) {
    %c0_i32 = arith.constant 0 : i32
    %c0_i32_0 = arith.constant 0 : i32
    return %arg0, %c0_i32 : i32, i32
  }
  func.func @transform_3(%arg0: i32) -> (i32, i32) {
    %c0_i32 = arith.constant 0 : i32
    %c0_i32_0 = arith.constant 0 : i32
    %c0_i32_1 = arith.constant 0 : i32
    return %c0_i32, %c0_i32_0 : i32, i32
  }
  func.func @transform_4(%arg0: i32) -> (i32, i32) {
    %c0_i32 = arith.constant 0 : i32
    %c0_i32_0 = arith.constant 0 : i32
    %c0_i32_1 = arith.constant 0 : i32
    return %c0_i32, %c0_i32_0 : i32, i32
  }
}

module attributes {stable_mosaic.version = 14 : i64} {
  func.func @_finish_kernel(%arg0: i32, %arg1: memref<256x1xf32, #tpu.memory_space<vmem>>, %arg2: memref<256x16xf32, #tpu.memory_space<vmem>>, %arg3: memref<1x1xf32, #tpu.memory_space<vmem>>, %arg4: memref<1x1xf32, #tpu.memory_space<vmem>>, %arg5: memref<256x1xf32, #tpu.memory_space<vmem>>, %arg6: memref<1x1xf32, #tpu.memory_space<vmem>>, %arg7: memref<1x1xf32, #tpu.memory_space<vmem>>) attributes {dimension_semantics = [#tpu.dimension_semantics<arbitrary>], iteration_bounds = array<i64: 24>, scalar_prefetch = 0 : i64, scratch_operands = 0 : i64, tpu.core_type = #tpu.core_type<tc>, window_params = [{transform_indices = @transform_0, window_bounds = array<i64: 256, 1>}, {transform_indices = @transform_1, window_bounds = array<i64: 256, 16>}, {pipeline_mode = #tpu.pipeline_mode<synchronous>, transform_indices = @transform_2, window_bounds = array<i64: 1, 1>}, {pipeline_mode = #tpu.pipeline_mode<synchronous>, transform_indices = @transform_3, window_bounds = array<i64: 1, 1>}, {transform_indices = @transform_4, window_bounds = array<i64: 256, 1>}, {pipeline_mode = #tpu.pipeline_mode<synchronous>, transform_indices = @transform_5, window_bounds = array<i64: 1, 1>}, {pipeline_mode = #tpu.pipeline_mode<synchronous>, transform_indices = @transform_6, window_bounds = array<i64: 1, 1>}]} {
    %get3A = arith.constant 0 : index
    %get3A_0 = arith.constant 0 : index
    %get3A_1 = vector.load %arg2[%get3A, %get3A_0] : memref<256x16xf32, #tpu.memory_space<vmem>>, vector<256x16xf32>
    %reduce_sum3A = arith.constant dense<0.000000e+00> : vector<256xf32>
    %reduce_sum3A_2 = vector.multi_reduction <add>, %get3A_1, %reduce_sum3A [1] : vector<256x16xf32> to vector<256xf32>
    %broadcast_in_dim3A = vector.shape_cast %reduce_sum3A_2 : vector<256xf32> to vector<256x1xf32>
    %get3A_3 = arith.constant 0 : index
    %get3A_4 = arith.constant 0 : index
    %get3A_5 = vector.load %arg1[%get3A_3, %get3A_4] : memref<256x1xf32, #tpu.memory_space<vmem>>, vector<256x1xf32>
    %mul3A = arith.constant 5.000000e-01 : f32
    %mul3A_6 = vector.broadcast %mul3A : f32 to vector<256x1xf32>
    %mul3A_7 = arith.mulf %mul3A_6, %get3A_5 : vector<256x1xf32>
    %sqrt3A = math.sqrt %broadcast_in_dim3A : vector<256x1xf32>
    %mul3A_8 = arith.constant 5.000000e-01 : f32
    %mul3A_9 = vector.broadcast %mul3A_8 : f32 to vector<256x1xf32>
    %mul3A_10 = arith.mulf %mul3A_9, %sqrt3A : vector<256x1xf32>
    %add3A = arith.addf %mul3A_7, %mul3A_10 : vector<256x1xf32>
    %swap3A = arith.constant 0 : index
    %swap3A_11 = arith.constant 0 : index
    %swap3A_12 = vector.load %arg5[%swap3A, %swap3A_11] : memref<256x1xf32, #tpu.memory_space<vmem>>, vector<256x1xf32>
    tpu.vector_store %arg5[%swap3A, %swap3A_11], %add3A {strides = array<i32>} : memref<256x1xf32, #tpu.memory_space<vmem>>, vector<256x1xf32>,
    %eq3A = arith.constant 0 : i32
    %eq3A_13 = arith.cmpi eq, %arg0, %eq3A : i32
    %convert_element_type3A = arith.extui %eq3A_13 : i1 to i32
    %cond3A = arith.constant 0 : i32
    %cond3A_14 = arith.cmpi ne, %convert_element_type3A, %cond3A : i32
    scf.if %cond3A_14 {
      %get3A_36 = arith.constant 0 : index
      %get3A_37 = arith.constant 0 : index
      %get3A_38 = vector.load %arg3[%get3A_36, %get3A_37] : memref<1x1xf32, #tpu.memory_space<vmem>>, vector<1x1xf32>
      %swap3A_39 = arith.constant 0 : index
      %swap3A_40 = arith.constant 0 : index
      %swap3A_41 = vector.load %arg6[%swap3A_39, %swap3A_40] : memref<1x1xf32, #tpu.memory_space<vmem>>, vector<1x1xf32>
      tpu.vector_store %arg6[%swap3A_39, %swap3A_40], %get3A_38 {strides = array<i32>} : memref<1x1xf32, #tpu.memory_space<vmem>>, vector<1x1xf32>,
      %get3A_42 = arith.constant 0 : index
      %get3A_43 = arith.constant 0 : index
      %get3A_44 = vector.load %arg4[%get3A_42, %get3A_43] : memref<1x1xf32, #tpu.memory_space<vmem>>, vector<1x1xf32>
      %swap3A_45 = arith.constant 0 : index
      %swap3A_46 = arith.constant 0 : index
      %swap3A_47 = vector.load %arg7[%swap3A_45, %swap3A_46] : memref<1x1xf32, #tpu.memory_space<vmem>>, vector<1x1xf32>
      tpu.vector_store %arg7[%swap3A_45, %swap3A_46], %get3A_44 {strides = array<i32>} : memref<1x1xf32, #tpu.memory_space<vmem>>, vector<1x1xf32>,
    } else {
    }
    %get3A_15 = arith.constant 0 : index
    %get3A_16 = arith.constant 0 : index
    %get3A_17 = vector.load %arg6[%get3A_15, %get3A_16] : memref<1x1xf32, #tpu.memory_space<vmem>>, vector<1x1xf32>
    %reduce_min3A = vector.shape_cast %add3A : vector<256x1xf32> to vector<1x256x1xf32>
    %reduce_min3A_18 = arith.constant dense<0x7F800000> : vector<1xf32>
    %reduce_min3A_19 = vector.multi_reduction <minimumf>, %reduce_min3A, %reduce_min3A_18 [1, 2] : vector<1x256x1xf32> to vector<1xf32>
    %reduce_min3A_20 = vector.shape_cast %reduce_min3A_19 : vector<1xf32> to vector<1x1x1xf32>
    %reduce_min3A_21 = vector.extract %reduce_min3A_20[0, 0, 0] : f32 from vector<1x1x1xf32>
    %reshape3A = vector.broadcast %reduce_min3A_21 : f32 to vector<1x1xf32>
    %min3A = arith.minimumf %get3A_17, %reshape3A : vector<1x1xf32>
    %swap3A_22 = arith.constant 0 : index
    %swap3A_23 = arith.constant 0 : index
    %swap3A_24 = vector.load %arg6[%swap3A_22, %swap3A_23] : memref<1x1xf32, #tpu.memory_space<vmem>>, vector<1x1xf32>
    tpu.vector_store %arg6[%swap3A_22, %swap3A_23], %min3A {strides = array<i32>} : memref<1x1xf32, #tpu.memory_space<vmem>>, vector<1x1xf32>,
    %get3A_25 = arith.constant 0 : index
    %get3A_26 = arith.constant 0 : index
    %get3A_27 = vector.load %arg7[%get3A_25, %get3A_26] : memref<1x1xf32, #tpu.memory_space<vmem>>, vector<1x1xf32>
    %reduce_max3A = vector.shape_cast %add3A : vector<256x1xf32> to vector<1x256x1xf32>
    %reduce_max3A_28 = arith.constant dense<0xFF800000> : vector<1xf32>
    %reduce_max3A_29 = vector.multi_reduction <maximumf>, %reduce_max3A, %reduce_max3A_28 [1, 2] : vector<1x256x1xf32> to vector<1xf32>
    %reduce_max3A_30 = vector.shape_cast %reduce_max3A_29 : vector<1xf32> to vector<1x1x1xf32>
    %reduce_max3A_31 = vector.extract %reduce_max3A_30[0, 0, 0] : f32 from vector<1x1x1xf32>
    %reshape3A_32 = vector.broadcast %reduce_max3A_31 : f32 to vector<1x1xf32>
    %max3A = arith.maximumf %get3A_27, %reshape3A_32 : vector<1x1xf32>
    %swap3A_33 = arith.constant 0 : index
    %swap3A_34 = arith.constant 0 : index
    %swap3A_35 = vector.load %arg7[%swap3A_33, %swap3A_34] : memref<1x1xf32, #tpu.memory_space<vmem>>, vector<1x1xf32>
    tpu.vector_store %arg7[%swap3A_33, %swap3A_34], %max3A {strides = array<i32>} : memref<1x1xf32, #tpu.memory_space<vmem>>, vector<1x1xf32>,
    return
  }
  func.func @transform_0(%arg0: i32) -> (i32, i32) {
    %c0_i32 = arith.constant 0 : i32
    %c0_i32_0 = arith.constant 0 : i32
    return %arg0, %c0_i32 : i32, i32
  }
  func.func @transform_1(%arg0: i32) -> (i32, i32) {
    %c0_i32 = arith.constant 0 : i32
    %c0_i32_0 = arith.constant 0 : i32
    return %arg0, %c0_i32 : i32, i32
  }
  func.func @transform_2(%arg0: i32) -> (i32, i32) {
    %c0_i32 = arith.constant 0 : i32
    %c0_i32_0 = arith.constant 0 : i32
    %c0_i32_1 = arith.constant 0 : i32
    return %c0_i32, %c0_i32_0 : i32, i32
  }
  func.func @transform_3(%arg0: i32) -> (i32, i32) {
    %c0_i32 = arith.constant 0 : i32
    %c0_i32_0 = arith.constant 0 : i32
    %c0_i32_1 = arith.constant 0 : i32
    return %c0_i32, %c0_i32_0 : i32, i32
  }
  func.func @transform_4(%arg0: i32) -> (i32, i32) {
    %c0_i32 = arith.constant 0 : i32
    %c0_i32_0 = arith.constant 0 : i32
    return %arg0, %c0_i32 : i32, i32
  }
  func.func @transform_5(%arg0: i32) -> (i32, i32) {
    %c0_i32 = arith.constant 0 : i32
    %c0_i32_0 = arith.constant 0 : i32
    %c0_i32_1 = arith.constant 0 : i32
    return %c0_i32, %c0_i32_0 : i32, i32
  }
  func.func @transform_6(%arg0: i32) -> (i32, i32) {
    %c0_i32 = arith.constant 0 : i32
    %c0_i32_0 = arith.constant 0 : i32
    %c0_i32_1 = arith.constant 0 : i32
    return %c0_i32, %c0_i32_0 : i32, i32
  }
}

module attributes {stable_mosaic.version = 14 : i64} {
  func.func @_rank_kernel(%arg0: i32, %arg1: memref<1024x1xf32, #tpu.memory_space<vmem>>, %arg2: memref<1x1024xf32, #tpu.memory_space<vmem>>, %arg3: memref<1x1xf32, #tpu.memory_space<vmem>>, %arg4: memref<1x1xf32, #tpu.memory_space<vmem>>, %arg5: memref<1x1xf32, #tpu.memory_space<vmem>>, %arg6: memref<1x512xf32, #tpu.memory_space<vmem>>, %arg7: memref<1x512xf32, #tpu.memory_space<vmem>>, %arg8: memref<1x512xf32, #tpu.memory_space<vmem>>, %arg9: memref<1x512xf32, #tpu.memory_space<vmem>>) attributes {dimension_semantics = [#tpu.dimension_semantics<arbitrary>], iteration_bounds = array<i64: 16>, scalar_prefetch = 0 : i64, scratch_operands = 4 : i64, tpu.core_type = #tpu.core_type<tc>, window_params = [{transform_indices = @transform_0, window_bounds = array<i64: 1024, 1>}, {transform_indices = @transform_1, window_bounds = array<i64: 1, 1024>}, {pipeline_mode = #tpu.pipeline_mode<synchronous>, transform_indices = @transform_2, window_bounds = array<i64: 1, 1>}, {pipeline_mode = #tpu.pipeline_mode<synchronous>, transform_indices = @transform_3, window_bounds = array<i64: 1, 1>}, {pipeline_mode = #tpu.pipeline_mode<synchronous>, transform_indices = @transform_4, window_bounds = array<i64: 1, 1>}]} {
    %get3A = arith.constant 0 : index
    %get3A_0 = arith.constant 0 : index
    %get3A_1 = vector.load %arg3[%get3A, %get3A_0] : memref<1x1xf32, #tpu.memory_space<vmem>>, vector<1x1xf32>
    %get3A_2 = vector.extract %get3A_1[0, 0] : f32 from vector<1x1xf32>
    %get3A_3 = arith.constant 0 : index
    %get3A_4 = arith.constant 0 : index
    %get3A_5 = vector.load %arg4[%get3A_3, %get3A_4] : memref<1x1xf32, #tpu.memory_space<vmem>>, vector<1x1xf32>
    %get3A_6 = vector.extract %get3A_5[0, 0] : f32 from vector<1x1xf32>
    %sub3A = arith.subf %get3A_6, %get3A_2 : f32
    %max3A = arith.constant 1.000000e-30 : f32
    %max3A_7 = arith.maximumf %sub3A, %max3A : f32
    %mul3A = arith.constant 0.001953125 : f32
    %mul3A_8 = arith.mulf %max3A_7, %mul3A : f32
    %iota3A = tpu.iota {dimensions = array<i32: 1>} : vector<1x512xi32>
    %convert_element_type3A = arith.sitofp %iota3A : vector<1x512xi32> to vector<1x512xf32>
    %mul3A_9 = vector.broadcast %mul3A_8 : f32 to vector<1x512xf32>
    %mul3A_10 = arith.mulf %convert_element_type3A, %mul3A_9 : vector<1x512xf32>
    %add3A = vector.broadcast %get3A_2 : f32 to vector<1x512xf32>
    %add3A_11 = arith.addf %add3A, %mul3A_10 : vector<1x512xf32>
    %get3A_12 = arith.constant 0 : index
    %get3A_13 = arith.constant 0 : index
    %get3A_14 = vector.load %arg1[%get3A_12, %get3A_13] : memref<1024x1xf32, #tpu.memory_space<vmem>>, vector<1024x1xf32>
    %broadcast_in_dim3A = arith.constant 1.000000e+00 : f32
    %broadcast_in_dim3A_15 = vector.broadcast %broadcast_in_dim3A : f32 to vector<1x1024xf32>
    %get3A_16 = arith.constant 0 : index
    %get3A_17 = arith.constant 0 : index
    %get3A_18 = vector.load %arg2[%get3A_16, %get3A_17] : memref<1x1024xf32, #tpu.memory_space<vmem>>, vector<1x1024xf32>
    %concatenate3A = tpu.concatenate %broadcast_in_dim3A_15, %get3A_18 in 0 : vector<1x1024xf32>, vector<1x1024xf32> -> vector<2x1024xf32>
    %ge3A = vector.broadcast %get3A_14 : vector<1024x1xf32> to vector<1024x512xf32>
    %ge3A_19 = vector.broadcast %add3A_11 : vector<1x512xf32> to vector<1024x512xf32>
    %ge3A_20 = arith.cmpf oge, %ge3A, %ge3A_19 : vector<1024x512xf32>
    %jit3A = arith.constant 1.000000e+00 : f32
    %jit3A_21 = arith.constant 0.000000e+00 : f32
    %broadcast_in_dim3A_22 = vector.broadcast %jit3A : f32 to vector<1024x512xf32>
    %broadcast_in_dim3A_23 = vector.broadcast %jit3A_21 : f32 to vector<1024x512xf32>
    %select_n3A = arith.select %ge3A_20, %broadcast_in_dim3A_22, %broadcast_in_dim3A_23 : vector<1024x512xi1>, vector<1024x512xf32>
    %add3A_24 = vector.broadcast %mul3A_8 : f32 to vector<1x512xf32>
    %add3A_25 = arith.addf %add3A_11, %add3A_24 : vector<1x512xf32>
    %ge3A_26 = vector.broadcast %get3A_14 : vector<1024x1xf32> to vector<1024x512xf32>
    %ge3A_27 = vector.broadcast %add3A_25 : vector<1x512xf32> to vector<1024x512xf32>
    %ge3A_28 = arith.cmpf oge, %ge3A_26, %ge3A_27 : vector<1024x512xf32>
    %jit3A_29 = arith.constant 1.000000e+00 : f32
    %jit3A_30 = arith.constant 0.000000e+00 : f32
    %broadcast_in_dim3A_31 = vector.broadcast %jit3A_29 : f32 to vector<1024x512xf32>
    %broadcast_in_dim3A_32 = vector.broadcast %jit3A_30 : f32 to vector<1024x512xf32>
    %select_n3A_33 = arith.select %ge3A_28, %broadcast_in_dim3A_31, %broadcast_in_dim3A_32 : vector<1024x512xi1>, vector<1024x512xf32>
    %dot_general3A = arith.constant dense<0.000000e+00> : vector<2x512xf32>
    %dot_general3A_34 = tpu.matmul %concatenate3A, %select_n3A, %dot_general3A {dimension_numbers = #tpu.dot_dimension_numbers<[1], [0], [0], [1], [0, 0, 1, 1], [], []>, transpose_lhs_hint = false} : vector<2x1024xf32>, vector<1024x512xf32>, vector<2x512xf32> -> vector<2x512xf32>
    %dot_general3A_35 = arith.constant dense<0.000000e+00> : vector<2x512xf32>
    %dot_general3A_36 = tpu.matmul %concatenate3A, %select_n3A_33, %dot_general3A_35 {dimension_numbers = #tpu.dot_dimension_numbers<[1], [0], [0], [1], [0, 0, 1, 1], [], []>, transpose_lhs_hint = false} : vector<2x1024xf32>, vector<1024x512xf32>, vector<2x512xf32> -> vector<2x512xf32>
    %eq3A = arith.constant 0 : i32
    %eq3A_37 = arith.cmpi eq, %arg0, %eq3A : i32
    %convert_element_type3A_38 = arith.extui %eq3A_37 : i1 to i32
    %cond3A = arith.constant 0 : i32
    %cond3A_39 = arith.cmpi ne, %convert_element_type3A_38, %cond3A : i32
    scf.if %cond3A_39 {
      %broadcast_in_dim3A_75 = arith.constant 0.000000e+00 : f32
      %broadcast_in_dim3A_76 = vector.broadcast %broadcast_in_dim3A_75 : f32 to vector<1x512xf32>
      %swap3A_77 = arith.constant 0 : index
      %swap3A_78 = arith.constant 0 : index
      %swap3A_79 = vector.load %arg6[%swap3A_77, %swap3A_78] : memref<1x512xf32, #tpu.memory_space<vmem>>, vector<1x512xf32>
      tpu.vector_store %arg6[%swap3A_77, %swap3A_78], %broadcast_in_dim3A_76 {strides = array<i32>} : memref<1x512xf32, #tpu.memory_space<vmem>>, vector<1x512xf32>,
      %broadcast_in_dim3A_80 = arith.constant 0.000000e+00 : f32
      %broadcast_in_dim3A_81 = vector.broadcast %broadcast_in_dim3A_80 : f32 to vector<1x512xf32>
      %swap3A_82 = arith.constant 0 : index
      %swap3A_83 = arith.constant 0 : index
      %swap3A_84 = vector.load %arg7[%swap3A_82, %swap3A_83] : memref<1x512xf32, #tpu.memory_space<vmem>>, vector<1x512xf32>
      tpu.vector_store %arg7[%swap3A_82, %swap3A_83], %broadcast_in_dim3A_81 {strides = array<i32>} : memref<1x512xf32, #tpu.memory_space<vmem>>, vector<1x512xf32>,
      %broadcast_in_dim3A_85 = arith.constant 0.000000e+00 : f32
      %broadcast_in_dim3A_86 = vector.broadcast %broadcast_in_dim3A_85 : f32 to vector<1x512xf32>
      %swap3A_87 = arith.constant 0 : index
      %swap3A_88 = arith.constant 0 : index
      %swap3A_89 = vector.load %arg8[%swap3A_87, %swap3A_88] : memref<1x512xf32, #tpu.memory_space<vmem>>, vector<1x512xf32>
      tpu.vector_store %arg8[%swap3A_87, %swap3A_88], %broadcast_in_dim3A_86 {strides = array<i32>} : memref<1x512xf32, #tpu.memory_space<vmem>>, vector<1x512xf32>,
      %broadcast_in_dim3A_90 = arith.constant 0.000000e+00 : f32
      %broadcast_in_dim3A_91 = vector.broadcast %broadcast_in_dim3A_90 : f32 to vector<1x512xf32>
      %swap3A_92 = arith.constant 0 : index
      %swap3A_93 = arith.constant 0 : index
      %swap3A_94 = vector.load %arg9[%swap3A_92, %swap3A_93] : memref<1x512xf32, #tpu.memory_space<vmem>>, vector<1x512xf32>
      tpu.vector_store %arg9[%swap3A_92, %swap3A_93], %broadcast_in_dim3A_91 {strides = array<i32>} : memref<1x512xf32, #tpu.memory_space<vmem>>, vector<1x512xf32>,
    } else {
    }
    %get3A_40 = arith.constant 0 : index
    %get3A_41 = arith.constant 0 : index
    %get3A_42 = vector.load %arg6[%get3A_40, %get3A_41] : memref<1x512xf32, #tpu.memory_space<vmem>>, vector<1x512xf32>
    %slice3A = vector.extract_strided_slice %dot_general3A_34 {offsets = [0, 0], sizes = [1, 512], strides = [1, 1]} : vector<2x512xf32> to vector<1x512xf32>
    %add3A_43 = arith.addf %get3A_42, %slice3A : vector<1x512xf32>
    %swap3A = arith.constant 0 : index
    %swap3A_44 = arith.constant 0 : index
    %swap3A_45 = vector.load %arg6[%swap3A, %swap3A_44] : memref<1x512xf32, #tpu.memory_space<vmem>>, vector<1x512xf32>
    tpu.vector_store %arg6[%swap3A, %swap3A_44], %add3A_43 {strides = array<i32>} : memref<1x512xf32, #tpu.memory_space<vmem>>, vector<1x512xf32>,
    %get3A_46 = arith.constant 0 : index
    %get3A_47 = arith.constant 0 : index
    %get3A_48 = vector.load %arg8[%get3A_46, %get3A_47] : memref<1x512xf32, #tpu.memory_space<vmem>>, vector<1x512xf32>
    %slice3A_49 = vector.extract_strided_slice %dot_general3A_34 {offsets = [1, 0], sizes = [1, 512], strides = [1, 1]} : vector<2x512xf32> to vector<1x512xf32>
    %add3A_50 = arith.addf %get3A_48, %slice3A_49 : vector<1x512xf32>
    %swap3A_51 = arith.constant 0 : index
    %swap3A_52 = arith.constant 0 : index
    %swap3A_53 = vector.load %arg8[%swap3A_51, %swap3A_52] : memref<1x512xf32, #tpu.memory_space<vmem>>, vector<1x512xf32>
    tpu.vector_store %arg8[%swap3A_51, %swap3A_52], %add3A_50 {strides = array<i32>} : memref<1x512xf32, #tpu.memory_space<vmem>>, vector<1x512xf32>,
    %get3A_54 = arith.constant 0 : index
    %get3A_55 = arith.constant 0 : index
    %get3A_56 = vector.load %arg7[%get3A_54, %get3A_55] : memref<1x512xf32, #tpu.memory_space<vmem>>, vector<1x512xf32>
    %slice3A_57 = vector.extract_strided_slice %dot_general3A_36 {offsets = [0, 0], sizes = [1, 512], strides = [1, 1]} : vector<2x512xf32> to vector<1x512xf32>
    %add3A_58 = arith.addf %get3A_56, %slice3A_57 : vector<1x512xf32>
    %swap3A_59 = arith.constant 0 : index
    %swap3A_60 = arith.constant 0 : index
    %swap3A_61 = vector.load %arg7[%swap3A_59, %swap3A_60] : memref<1x512xf32, #tpu.memory_space<vmem>>, vector<1x512xf32>
    tpu.vector_store %arg7[%swap3A_59, %swap3A_60], %add3A_58 {strides = array<i32>} : memref<1x512xf32, #tpu.memory_space<vmem>>, vector<1x512xf32>,
    %get3A_62 = arith.constant 0 : index
    %get3A_63 = arith.constant 0 : index
    %get3A_64 = vector.load %arg9[%get3A_62, %get3A_63] : memref<1x512xf32, #tpu.memory_space<vmem>>, vector<1x512xf32>
    %slice3A_65 = vector.extract_strided_slice %dot_general3A_36 {offsets = [1, 0], sizes = [1, 512], strides = [1, 1]} : vector<2x512xf32> to vector<1x512xf32>
    %add3A_66 = arith.addf %get3A_64, %slice3A_65 : vector<1x512xf32>
    %swap3A_67 = arith.constant 0 : index
    %swap3A_68 = arith.constant 0 : index
    %swap3A_69 = vector.load %arg9[%swap3A_67, %swap3A_68] : memref<1x512xf32, #tpu.memory_space<vmem>>, vector<1x512xf32>
    tpu.vector_store %arg9[%swap3A_67, %swap3A_68], %add3A_66 {strides = array<i32>} : memref<1x512xf32, #tpu.memory_space<vmem>>, vector<1x512xf32>,
    %eq3A_70 = arith.constant 15 : i32
    %eq3A_71 = arith.cmpi eq, %arg0, %eq3A_70 : i32
    %convert_element_type3A_72 = arith.extui %eq3A_71 : i1 to i32
    %cond3A_73 = arith.constant 0 : i32
    %cond3A_74 = arith.cmpi ne, %convert_element_type3A_72, %cond3A_73 : i32
    scf.if %cond3A_74 {
      %get3A_75 = arith.constant 0 : index
      %get3A_76 = arith.constant 0 : index
      %get3A_77 = vector.load %arg6[%get3A_75, %get3A_76] : memref<1x512xf32, #tpu.memory_space<vmem>>, vector<1x512xf32>
      %get3A_78 = arith.constant 0 : index
      %get3A_79 = arith.constant 0 : index
      %get3A_80 = vector.load %arg7[%get3A_78, %get3A_79] : memref<1x512xf32, #tpu.memory_space<vmem>>, vector<1x512xf32>
      %sub3A_81 = arith.subf %get3A_77, %get3A_80 : vector<1x512xf32>
      %get3A_82 = arith.constant 0 : index
      %get3A_83 = arith.constant 0 : index
      %get3A_84 = vector.load %arg9[%get3A_82, %get3A_83] : memref<1x512xf32, #tpu.memory_space<vmem>>, vector<1x512xf32>
      %get3A_85 = arith.constant 0 : index
      %get3A_86 = arith.constant 0 : index
      %get3A_87 = vector.load %arg8[%get3A_85, %get3A_86] : memref<1x512xf32, #tpu.memory_space<vmem>>, vector<1x512xf32>
      %get3A_88 = arith.constant 0 : index
      %get3A_89 = arith.constant 0 : index
      %get3A_90 = vector.load %arg9[%get3A_88, %get3A_89] : memref<1x512xf32, #tpu.memory_space<vmem>>, vector<1x512xf32>
      %sub3A_91 = arith.subf %get3A_87, %get3A_90 : vector<1x512xf32>
      %mul3A_92 = arith.mulf %sub3A_81, %get3A_84 : vector<1x512xf32>
      %reduce_sum3A = vector.shape_cast %mul3A_92 : vector<1x512xf32> to vector<1x1x512xf32>
      %reduce_sum3A_93 = arith.constant dense<0.000000e+00> : vector<1xf32>
      %reduce_sum3A_94 = vector.multi_reduction <add>, %reduce_sum3A, %reduce_sum3A_93 [1, 2] : vector<1x1x512xf32> to vector<1xf32>
      %reduce_sum3A_95 = vector.shape_cast %reduce_sum3A_94 : vector<1xf32> to vector<1x1x1xf32>
      %reduce_sum3A_96 = vector.extract %reduce_sum3A_95[0, 0, 0] : f32 from vector<1x1x1xf32>
      %sub3A_97 = arith.constant 1.000000e+00 : f32
      %sub3A_98 = vector.broadcast %sub3A_97 : f32 to vector<1x512xf32>
      %sub3A_99 = arith.subf %sub3A_81, %sub3A_98 : vector<1x512xf32>
      %mul3A_100 = arith.mulf %sub3A_91, %sub3A_99 : vector<1x512xf32>
      %mul3A_101 = arith.constant 5.000000e-01 : f32
      %mul3A_102 = vector.broadcast %mul3A_101 : f32 to vector<1x512xf32>
      %mul3A_103 = arith.mulf %mul3A_100, %mul3A_102 : vector<1x512xf32>
      %reduce_sum3A_104 = vector.shape_cast %mul3A_103 : vector<1x512xf32> to vector<1x1x512xf32>
      %reduce_sum3A_105 = arith.constant dense<0.000000e+00> : vector<1xf32>
      %reduce_sum3A_106 = vector.multi_reduction <add>, %reduce_sum3A_104, %reduce_sum3A_105 [1, 2] : vector<1x1x512xf32> to vector<1xf32>
      %reduce_sum3A_107 = vector.shape_cast %reduce_sum3A_106 : vector<1xf32> to vector<1x1x1xf32>
      %reduce_sum3A_108 = vector.extract %reduce_sum3A_107[0, 0, 0] : f32 from vector<1x1x1xf32>
      %add3A_109 = arith.addf %reduce_sum3A_96, %reduce_sum3A_108 : f32
      %get3A_110 = arith.constant 0 : index
      %get3A_111 = arith.constant 0 : index
      %get3A_112 = vector.load %arg8[%get3A_110, %get3A_111] : memref<1x512xf32, #tpu.memory_space<vmem>>, vector<1x1xf32>
      %get3A_113 = vector.extract %get3A_112[0, 0] : f32 from vector<1x1xf32>
      %mul3A_114 = arith.constant 1.79797983 : f32
      %mul3A_115 = arith.mulf %mul3A_114, %get3A_113 : f32
      %mul3A_116 = arith.constant 9.74155918E-5 : f32
      %mul3A_117 = arith.mulf %mul3A_116, %add3A_109 : f32
      %sub3A_118 = arith.subf %mul3A_115, %mul3A_117 : f32
      %mul3A_119 = arith.constant 6.10351563E-5 : f32
      %mul3A_120 = arith.mulf %sub3A_118, %mul3A_119 : f32
      %reshape3A = vector.broadcast %mul3A_120 : f32 to vector<1x1xf32>
      %swap3A_121 = arith.constant 0 : index
      %swap3A_122 = arith.constant 0 : index
      %swap3A_123 = vector.load %arg5[%swap3A_121, %swap3A_122] : memref<1x1xf32, #tpu.memory_space<vmem>>, vector<1x1xf32>
      tpu.vector_store %arg5[%swap3A_121, %swap3A_122], %reshape3A {strides = array<i32>} : memref<1x1xf32, #tpu.memory_space<vmem>>, vector<1x1xf32>,
    } else {
    }
    return
  }
  func.func @transform_0(%arg0: i32) -> (i32, i32) {
    %c0_i32 = arith.constant 0 : i32
    %c0_i32_0 = arith.constant 0 : i32
    return %arg0, %c0_i32 : i32, i32
  }
  func.func @transform_1(%arg0: i32) -> (i32, i32) {
    %c0_i32 = arith.constant 0 : i32
    %c0_i32_0 = arith.constant 0 : i32
    return %c0_i32, %arg0 : i32, i32
  }
  func.func @transform_2(%arg0: i32) -> (i32, i32) {
    %c0_i32 = arith.constant 0 : i32
    %c0_i32_0 = arith.constant 0 : i32
    %c0_i32_1 = arith.constant 0 : i32
    return %c0_i32, %c0_i32_0 : i32, i32
  }
  func.func @transform_3(%arg0: i32) -> (i32, i32) {
    %c0_i32 = arith.constant 0 : i32
    %c0_i32_0 = arith.constant 0 : i32
    %c0_i32_1 = arith.constant 0 : i32
    return %c0_i32, %c0_i32_0 : i32, i32
  }
  func.func @transform_4(%arg0: i32) -> (i32, i32) {
    %c0_i32 = arith.constant 0 : i32
    %c0_i32_0 = arith.constant 0 : i32
    %c0_i32_1 = arith.constant 0 : i32
    return %c0_i32, %c0_i32_0 : i32, i32
  }
}

</mosaic_0001>

<sc_bundles>
// kernel: kernel.6.cloned.1.call-start
scs
__scs_entry_jumppad:
0x0: {  	(pc) =	sbr.rel $0x88, $3  }
0x1: {  	(tag) =	ssettag $0x0;
	lr =	simm.s32 $0x1  }
0x2: {  	[smem:$0x3F9F] =	sst lr;
	_ =	strace $0xD0000000  }
0x3: {  	_ = 	snop  }
0x4: {  	_ = 	snop  }
0x5: {  	_ = 	snop  }
0x6: {  	_ = 	snop  }
0x7: {  	_ = 	snop  }
__scs_overlays_trampoline_lowered:
0x8: {  	[smem:$0x3FAE] =	sst s0  }
0x9: {  	[smem:$0x3FAF] =	sst s1  }
0xa: {  	[smem:$0x3FB0] =	sst s2  }
0xb: {  	[smem:$0x3FB1] =	sst s3  }
0xc: {  	[smem:$0x3FB2] =	sst s4  }
0xd: {  	[smem:$0x3FB3] =	sst s5  }
0xe: {  	[smem:$0x3FB4] =	sst s6  }
0xf: {  	[smem:$0x3FB5] =	sst s7  }
0x10: {  	[smem:$0x3FB6] =	sst s8  }
0x11: {  	[smem:$0x3FB7] =	sst s9;
	s0 =	simm.s32 @!p0 $0x0  }
0x12: {  	s1 =	sld [smem:$0x3F9D];
	s0 =	simm.s32 @p0 $0x1  }
0x13: {  	[smem:$0x3FB8] =	sst s0;
	s0 =	simm.s32 @!p1 $0x0  }
0x14: {  	s2 =	sld [smem:$0x3F9C];
	s0 =	simm.s32 @p1 $0x1  }
0x15: {  	[smem:$0x3FB9] =	sst s0;
	s0 =	simm.s32 @!p2 $0x0  }
0x16: {  	s3 =	sld [smem:$0x3FDB];
	s0 =	simm.s32 @p2 $0x1  }
0x17: {  	s4 =	simm.s32 $0x1BF5;
	[smem:$0x3FBB] =	sst s0  }
0x18: {  	s0 =	sld [smem:$0x3F9E];
	_ =	swait.ge [sflag:s4], $0x0  }
0x19: {  	s7 =	sld [smem:$0x3F9F]  }
0x1a: {  	s8 =	sadd.s32 $0xFFFFE003, lr  }
0x1b: {  	s9 =	sadd.s32 $0xFFFFFEF7, lr;
	s5 =	simm.s32 $0xFFFFFFFF;
	p2 =	slt.u32 s8, $0xFFFFF086  }
0x1c: {  	p1 =	slt.u32 s9, $0xF7A;
	s5 =	simm.s32 @!p2 $0x0  }
0x1d: {  	s5 =	simm.s32 @p1 $0x1;
	p0 =	seq.s32 s7, s2  }
0x1e: {  	s7 =	smul.u32 @!p0 $0xF7A, s2;
	p2 =	seq.s32 @!p0 s5, $0x0  }
0x1f: {  	s9 =	smul.u32 $0xF7A, s1;
	s8 =	simm.s32 @!p0 $0x1BF5;
	p2 =	por !p2, p0  }
0x20: {  	[sflag:s8] =	ssyncset.s32 @!p0 $0xFFFFF086;
	s6 =	sadd.s32 @!p0 s3, s7;
	s7 =	simm.s32 @!p0 $0x108  }
0x21: {  	s3 =	sadd.s32 s3, s9;
	s6 =	sadd.s32 @!p0 $0x88, s6;
	s7 =	simm.s32 @p2 $0x1082  }
0x22: {  	[simem:s7], [sflag:s8] =	dma.local @!p0 [hbm:s6], $0xF7A  }
0x23: {  	s9 =	sor.u32 $0xD0000000, s2;
	s6 =	simm.s32 $0x108;
	_ =	swait.ge @!p0 [sflag:s8], $0x0  }
0x24: {  	s3 =	sadd.s32 $0x88, s3;
	s6 =	simm.s32 @!p1 $0x1082;
	[sflag:s4] =	ssyncset.s32 $0xFFFFF086  }
0x25: {  	[simem:s6], [sflag:s4] =	dma.local [hbm:s3], $0xF7A  }
0x26: {  	[smem:$0x3F9F] =	sst s1;
	(tag) =	ssettag s2;
	_ =	strace s9  }
0x27: {  	s1 =	sld [smem:$0x3FAF]  }
0x28: {  	s2 =	sld [smem:$0x3FB0]  }
0x29: {  	s4 =	sld [smem:$0x3FB2]  }
0x2a: {  	p0 =	seq.s32 s5, $0x0;
	s5 =	sld [smem:$0x3FB3]  }
0x2b: {  	s6 =	sld [smem:$0x3FB4]  }
0x2c: {  	s7 =	sld [smem:$0x3FB5]  }
0x2d: {  	s3 =	simm.s32 $0x108;
	s8 =	sld [smem:$0x3FB6]  }
0x2e: {  	s3 =	simm.s32 @!p0 $0x1082;
	s9 =	sld [smem:$0x3FB7]  }
0x2f: {  	lr =	sadd.s32 s0, s3;
	s0 =	sld [smem:$0x3FAE]  }
0x30: {  	s3 =	sld [smem:$0x3FB1]  }
0x31: {  	[smem:$0x3FBA] =	sst s10  }
0x32: {  	s10 =	sld [smem:$0x3FB8];
	_ =	sdelay $0x3  }
0x33: {  	p0 =	seq.s32 s10, $0x1;
	s10 =	sld [smem:$0x3FBA];
	_ =	sdelay $0x3  }
0x34: {  	[smem:$0x3FBA] =	sst s10  }
0x35: {  	s10 =	sld [smem:$0x3FB9];
	_ =	sdelay $0x3  }
0x36: {  	p1 =	seq.s32 s10, $0x1;
	s10 =	sld [smem:$0x3FBA];
	_ =	sdelay $0x3  }
0x37: {  	[smem:$0x3FBA] =	sst s10  }
0x38: {  	s10 =	sld [smem:$0x3FBB]  }
0x39: {  	_ = 	snop;
	(pc) =	sbr.ind lr, $3  }
0x3a: {  	_ = 	snop  }
0x3b: {  	_ = 	snop  }
0x3c: {  	p2 =	seq.s32 s10, $0x1;
	s10 =	sld [smem:$0x3FBA]  }
0x3d: {  	_ =	shalt  }
0x3e: {  	_ =	shalt  }
0x3f: {  	_ =	shalt  }
0x40: {  	_ =	shalt  }
0x41: {  	_ =	shalt  }
0x42: {  	_ =	shalt  }
0x43: {  	_ =	shalt  }
0x44: {  	_ =	shalt  }
0x45: {  	_ =	shalt  }
0x46: {  	_ =	shalt  }
0x47: {  	_ =	shalt  }
0x48: {  	_ =	shalt  }
0x49: {  	_ =	shalt  }
0x4a: {  	_ =	shalt  }
0x4b: {  	_ =	shalt  }
0x4c: {  	_ =	shalt  }
0x4d: {  	_ =	shalt  }
0x4e: {  	_ =	shalt  }
0x4f: {  	_ =	shalt  }
0x50: {  	_ =	shalt  }
0x51: {  	_ =	shalt  }
0x52: {  	_ =	shalt  }
0x53: {  	_ =	shalt  }
0x54: {  	_ =	shalt  }
0x55: {  	_ =	shalt  }
0x56: {  	_ =	shalt  }
0x57: {  	_ =	shalt  }
0x58: {  	_ =	shalt  }
0x59: {  	_ =	shalt  }
0x5a: {  	_ =	shalt  }
0x5b: {  	_ =	shalt  }
0x5c: {  	_ =	shalt  }
0x5d: {  	_ =	shalt  }
0x5e: {  	_ =	shalt  }
0x5f: {  	_ =	shalt  }
0x60: {  	_ =	shalt  }
0x61: {  	_ =	shalt  }
0x62: {  	_ =	shalt  }
0x63: {  	_ =	shalt  }
0x64: {  	_ =	shalt  }
0x65: {  	_ =	shalt  }
0x66: {  	_ =	shalt  }
0x67: {  	_ =	shalt  }
0x68: {  	_ =	shalt  }
0x69: {  	_ =	shalt  }
0x6a: {  	_ =	shalt  }
0x6b: {  	_ =	shalt  }
0x6c: {  	_ =	shalt  }
0x6d: {  	_ =	shalt  }
0x6e: {  	_ =	shalt  }
0x6f: {  	_ =	shalt  }
0x70: {  	_ =	shalt  }
0x71: {  	_ =	shalt  }
0x72: {  	_ =	shalt  }
0x73: {  	_ =	shalt  }
0x74: {  	_ =	shalt  }
0x75: {  	_ =	shalt  }
0x76: {  	_ =	shalt  }
0x77: {  	_ =	shalt  }
0x78: {  	_ =	shalt  }
0x79: {  	_ =	shalt  }
0x7a: {  	_ =	shalt  }
0x7b: {  	_ =	shalt  }
0x7c: {  	_ =	shalt  }
0x7d: {  	_ =	shalt  }
0x7e: {  	_ =	shalt  }
0x7f: {  	_ =	shalt  }
0x80: {  	_ =	shalt  }
0x81: {  	_ =	shalt  }
0x82: {  	_ =	shalt  }
0x83: {  	_ =	shalt  }
0x84: {  	_ =	shalt  }
0x85: {  	_ =	shalt  }
0x86: {  	_ =	shalt  }
0x87: {  	_ =	shalt  }
.Lfunc_end0:
.L_simem_size_0:
called_computation_lowered:
.L_overlay_start_0:
0x88: {  	s2 =	sld [smem:$0x3FD9]  }
0x89: {  	s3 =	sld [smem:$0x3FFE];
	_ =	sdelay $0x1  }
0x8a: {  	s1 =	srdreg.scid  }
0x8b: {  	s0 =	sand.u32 $0x1, s1  }
0x8c: {  	s17 =	sshll.u32 s0, $0xA;
	s2 =	sadd.s32 s3, s2  }
0x8d: {  	s2 =	sadd.s32 s2, s17  }
0x8e: {  	[smem:$0x3FC6] =	sst s2  }
0x8f: {  	_ = 	snop  }
0x90: {  	s2 =	sld [smem:$0x3FC8];
	(tm) =	ssettm $0x1  }
0x91: {  	s18 =	sld [smem:$0x3FFB];
	_ =	sdelay $0x3  }
0x92: {  	_ =	strace s18  }
0x93: {  	s3 =	sld [smem:$0x3FFC];
	_ =	sdelay $0x3  }
0x94: {  	_ =	strace s3  }
0x95: {  	s3 =	sld [smem:$0x3FFD];
	_ =	sdelay $0x3  }
0x96: {  	_ =	strace s3  }
0x97: {  	_ =	strace $0x8FFFFFFF  }
0x98: {  	s19 =	sld [smem:$0x3FDB];
	_ =	sdelay $0x1  }
0x99: {  	s4 =	simm.s32 $_scs_section_size  }
0x9a: {  	s5 =	simm.s32 $_size__tile_overlayer_lowered;
	s6 =	simm.s32 $_tile_overlayer_lowered  }
0x9b: {  	s22 =	simm.s32 $0x1BFF;
	s21 =	sshll.u32 s6, $0x1;
	s3 =	sadd.s32 s4, s19  }
0x9c: {  	s7 =	simm.s32 $0x0;
	s20 =	sshll.u32 s5, $0x1;
	s5 =	sadd.s32 s21, s3  }
0x9d: {  	[timem:s7], [sflag:s22] =	dma.local [hbm:s5], s20  }
0x9e: {  	_ =	swait.ge [sflag:s22], s20  }
0x9f: {  	s4 =	ssub.s32 $0x0, s20;
	[sflag:s22] =	ssyncset.done $0x0  }
0xa0: {  	[sflag:s22] =	ssyncadd.s32 s4;
	_ =	sdelay $0x1  }
0xa1: {  	s23 =	simm.s32 $0x1B8B  }
0xa2: {  	_ =	swait.ge [sflag:s23], $0x1  }
0xa3: {  	[sflag:s23] =	ssyncset.done $0x0  }
0xa4: {  	s25 =	simm.s32 $0x1B8E;
	s24 =	sld [smem:$0x3FFE];
	[sflag:s23] =	ssyncadd.s32 $0xFFFFFFFF  }
0xa5: {  	s26 =	simm.s32 $execute0_lowered;
	[smem:$0x3FD2] =	sst s25  }
0xa6: {  	s5 =	sshll.u32 s26, $0x1;
	_ =	strace $0x80000046;
	[dreg:$0x1] =	wrdreg $0xFFFFFFFF  }
0xa7: {  	s28 =	simm.s32 $_size_execute0_lowered;
	s3 =	sadd.s32 s3, s5;
	[dreg:$0x0] =	wrdreg $0x0  }
0xa8: {  	s5 =	sshll.u32 s28, $0x1;
	[dreg:$0x2] =	wrdreg s3  }
0xa9: {  	[dreg:$0x3] =	wrdreg s5  }
0xaa: {  	[dreg:$0x4] =	wrdreg $0xC0  }
0xab: {  	_ =	task [dreg:s7], $0x5FFFF  }
0xac: {  	[dreg:$0x1] =	wrdreg $0xFFFFFFFF  }
0xad: {  	[dreg:$0x0] =	wrdreg $0x60  }
0xae: {  	[dreg:$0x2] =	wrdreg s2  }
0xaf: {  	[dreg:$0x3] =	wrdreg s24  }
0xb0: {  	[dreg:$0x4] =	wrdreg $0x9  }
0xb1: {  	_ =	task.clear_ibuf [dreg:s7], $0x5FFFF;
	_ =	strace $0x90000046  }
0xb2: {  	s29 =	simm.s32 $0x9;
	_ =	strace $0x80000048  }
0xb3: {  	_ =	swait.ge [sflag:s29], $0x1  }
0xb4: {  	[sflag:s29] =	ssyncadd.s32 $0xFFFFFFFF  }
0xb5: {  	_ =	strace $0x90000048  }
0xb6: {  	_ =	sfence  }
0xb7: {  	s30 =	sld [smem:$0x0];
	_ =	sdelay $0x2  }
0xb8: {  	s31 =	sshll.u32 s1, $0xD;
	s1 =	sshrl.u32 s1, $0x2  }
0xb9: {  	s3 =	sand.u32 $0x4000, s31;
	s1 =	sadd.s32 s1, s30  }
0xba: {  	s0 =	sor.u32 s3, s0;
	s1 =	sshll.u32 s1, $0x11  }
0xbb: {  	s0 =	sor.u32 s1, s0  }
0xbc: {  	s0 =	sadd.s32 $0x8F2B, s0  }
0xbd: {  	[sflag:s0] =	ssyncadd.remote.s32 $0x1  }
0xbe: {  	_ =	sfence.sel $0xFFFF  }
0xbf: {  	[dreg:$0x0] =	wrdreg $0xFFFFFFFF;
	(pc) =	sbr.abs _section_cstart, $3  }
0xc0: {  	[dreg:$0x1] =	wrdreg $0xFFFFFFFF  }
0xc1: {  	_ =	task.clear_ibuf [dreg:s7], $0x2FFFF;
	_ =	strace $0x9FFFFFFF  }
0xc2: {  	(tm) =	ssettm $0x7FFFFFFF  }
0xc3: {  	_ =	shalt  }
tec
execute0_lowered:
.L_overlay_start_1:
0x0: {  	(tag) =	ssettag $0x1  }
0x1: {  	s1 =	srdreg.scid  }
0x2: {  	s0 =	stileid.u32;
	s2 =	rddreg [dreg:$0x0]  }
0x3: {  	s5 =	rddreg [dreg:$0x1];
	s3 =	simm.s32 $0x0;
	s10 =	simm.s32 $0x1  }
0x4: {  	s11 =	simm.s32 $0x2;
	s4 =	sand.u32 $0x1, s1;
	s29 =	sshll.u32 s0, $0x1  }
0x5: {  	s12 =	simm.s32 $0x8000;
	s13 =	simm.s32 $0x3;
	s6 =	sor.u32 s4, s29  }
0x6: {  	s14 =	simm.s32 $0x0;
	s1 =	rddreg [dreg:$0x2];
	s7 =	smul.u32 $0xC0, s6  }
0x7: {  	[smem:$0x7FF] =	sst s3;
	s4 =	ssub.s32 $0x2, s4;
	s6 =	smul.u32 $0xC00, s6  }
0x8: {  	_ =	strace $0x80000047;
	s30 =	sshrl.u32 s4, $0x1;
	s7 =	sadd.s32 $0x2800, s7  }
0x9: {  	s9 =	ssub.s32 s4, s30;
	s8 =	sadd.s32 s6, s5;
	s31 =	sshll.u32 s7, $0x8  }
0xa: {  	s5 =	sshrl.u32 s7, $0x3;
	s7 =	sadd.s32 $0x1200, s8;
	s8 =	smax.u32 s9, $0x1  }
0xb: {  	s9 =	simm.s32 $0x4000;
	s4 =	sadd.s32 s2, s31;
	s6 =	sor.u32 $0x2, s5  }
.LBB2_1:
0xc: {  	[tilespmem:s3], [sflag:$0x1] =	stream.linear.gather [hbm4b:s4+s3], $0x4000, $0x38;
	[tilespmem:$0xE000] =	vst v63  }
0xd: {  	s15 =	simm.s32 $0x8400;
	s16 =	simm.s32 $0x8000;
	s17 =	simm.s32 $0x0  }
.LBB2_2:
0xe: {  	s18 =	sshll.u32 s17, $0x1  }
0xf: {  	s19 =	sadd.s32 s18, s5  }
0x10: {  	s19 =	sshll.u32 s19, $0xB  }
0x11: {  	s19 =	sadd.s32 s2, s19  }
0x12: {  	s20 =	simm.s32 $0x0;
	s19 =	sadd.s32 $0x800, s19  }
0x13: {  	[tilespmem:s9], [sflag:$0x2] =	stream.linear.gather [hbm4b:s19+s20], $0x4000, $0x38;
	[tilespmem:$0xE000] =	vst v63  }
0x14: {  	_ =	swait.ge [sflag:s10], $0x4000  }
0x15: {  	[sflag:s10] =	ssyncset.done $0x0  }
0x16: {  	s19 =	simm.s32 $0x0;
	[sflag:s10] =	ssyncadd.s32 $0xFFFFC000  }
0x17: {  	v0 =	vld [tilespmem:s19+$0x3C40]  }
0x18: {  	v1 =	vld [tilespmem:s19+$0x3C50]  }
0x19: {  	v2 =	vld [tilespmem:s19+$0x3C00]  }
0x1a: {  	v3 =	vld [tilespmem:s19+$0x3C10]  }
0x1b: {  	v5 =	vld [tilespmem:s19+$0x3840]  }
0x1c: {  	v6 =	vld [tilespmem:s19+$0x3850]  }
0x1d: {  	v7 =	vld [tilespmem:s19+$0x3800]  }
0x1e: {  	v8 =	vld [tilespmem:s19+$0x3810]  }
0x1f: {  	v9 =	vld [tilespmem:s19+$0x3440]  }
0x20: {  	v10 =	vld [tilespmem:s19+$0x3450]  }
0x21: {  	v11 =	vld [tilespmem:s19+$0x3400]  }
0x22: {  	v12 =	vld [tilespmem:s19+$0x3410]  }
0x23: {  	v13 =	vld [tilespmem:s19+$0x3040]  }
0x24: {  	v14 =	vld [tilespmem:s19+$0x3050]  }
0x25: {  	v15 =	vld [tilespmem:s19+$0x3000]  }
0x26: {  	v16 =	vld [tilespmem:s19+$0x3010]  }
0x27: {  	v17 =	vld [tilespmem:s19+$0x2C40]  }
0x28: {  	v18 =	vld [tilespmem:s19+$0x2C50]  }
0x29: {  	v19 =	vld [tilespmem:s19+$0x2C00]  }
0x2a: {  	v20 =	vld [tilespmem:s19+$0x2C10]  }
0x2b: {  	v21 =	vld [tilespmem:s19+$0x2840]  }
0x2c: {  	v22 =	vld [tilespmem:s19+$0x2850]  }
0x2d: {  	v23 =	vld [tilespmem:s19+$0x2800]  }
0x2e: {  	v24 =	vld [tilespmem:s19+$0x2810]  }
0x2f: {  	v25 =	vld [tilespmem:s19+$0x2440]  }
0x30: {  	v26 =	vld [tilespmem:s19+$0x2450]  }
0x31: {  	v27 =	vld [tilespmem:s19+$0x2400]  }
0x32: {  	v28 =	vld [tilespmem:s19+$0x2410]  }
0x33: {  	v29 =	vld [tilespmem:s19+$0x2040]  }
0x34: {  	v30 =	vld [tilespmem:s19+$0x2050]  }
0x35: {  	v31 =	vld [tilespmem:s19+$0x2000]  }
0x36: {  	v32 =	vld [tilespmem:s19+$0x2010]  }
0x37: {  	v33 =	vld [tilespmem:s19+$0x1C40]  }
0x38: {  	v34 =	vld [tilespmem:s19+$0x1C50]  }
0x39: {  	v35 =	vld [tilespmem:s19+$0x1C00]  }
0x3a: {  	v36 =	vld [tilespmem:s19+$0x1C10]  }
0x3b: {  	v37 =	vld [tilespmem:s19+$0x1840]  }
0x3c: {  	v38 =	vld [tilespmem:s19+$0x1850]  }
0x3d: {  	v39 =	vld [tilespmem:s19+$0x1800]  }
0x3e: {  	v40 =	vld [tilespmem:s19+$0x1810];
	v0 =	vmul.f32 v0, v0;
	v11 =	vmul.f32 v11, v11  }
0x3f: {  	v44 =	vld [tilespmem:s19+$0x1410];
	v12 =	vmul.f32 v12, v12;
	v13 =	vmul.f32 v13, v13  }
0x40: {  	v45 =	vld [tilespmem:s19+$0x1040];
	v14 =	vmul.f32 v14, v14;
	v15 =	vmul.f32 v15, v15  }
0x41: {  	v46 =	vld [tilespmem:s19+$0x1050];
	v16 =	vmul.f32 v16, v16;
	v17 =	vmul.f32 v17, v17  }
0x42: {  	v47 =	vld [tilespmem:s19+$0x1000];
	v18 =	vmul.f32 v18, v18;
	v19 =	vmul.f32 v19, v19  }
0x43: {  	v48 =	vld [tilespmem:s19+$0x1010];
	v20 =	vmul.f32 v20, v20;
	v21 =	vmul.f32 v21, v21  }
0x44: {  	v49 =	vld [tilespmem:s19+$0xC40];
	v22 =	vmul.f32 v22, v22;
	v23 =	vmul.f32 v23, v23  }
0x45: {  	v50 =	vld [tilespmem:s19+$0xC50];
	v24 =	vmul.f32 v24, v24;
	v25 =	vmul.f32 v25, v25  }
0x46: {  	v51 =	vld [tilespmem:s19+$0xC00];
	v26 =	vmul.f32 v26, v26;
	v27 =	vmul.f32 v27, v27  }
0x47: {  	v52 =	vld [tilespmem:s19+$0xC10];
	v28 =	vmul.f32 v28, v28;
	v29 =	vmul.f32 v29, v29  }
0x48: {  	v53 =	vld [tilespmem:s19+$0x840];
	v30 =	vmul.f32 v30, v30;
	v31 =	vmul.f32 v31, v31  }
0x49: {  	v56 =	vld [tilespmem:s19+$0x850];
	[tilespmem:$0x1FF50] =	vst v0;
	v0 =	vmul.f32 v1, v1;
	v1 =	vmul.f32 v2, v2  }
0x4a: {  	v58 =	vld [tilespmem:s19+$0x800];
	v32 =	vmul.f32 v32, v32;
	v33 =	vmul.f32 v33, v33  }
0x4b: {  	v55 =	vld [tilespmem:s19+$0x440];
	[tilespmem:$0x1FF70] =	vst v1;
	v1 =	vmul.f32 v3, v3;
	v3 =	vmul.f32 v7, v7  }
0x4c: {  	v57 =	vld [tilespmem:s19+$0x450];
	v34 =	vmul.f32 v34, v34;
	v2 =	vmul.f32 v5, v5;
	[tilespmem:$0x1FF60] =	vst v0  }
0x4d: {  	v60 =	vld [tilespmem:s19+$0x400];
	v35 =	vmul.f32 v35, v35;
	[tilespmem:$0x1FFB0] =	vst v3;
	v3 =	vmul.f32 v8, v8  }
0x4e: {  	v59 =	vld [tilespmem:s19+$0x410];
	v36 =	vmul.f32 v36, v36;
	v37 =	vmul.f32 v37, v37;
	[tilespmem:$0x1FF90] =	vst v2  }
0x4f: {  	v61 =	vld [tilespmem:s19+$0x0];
	v38 =	vmul.f32 v38, v38;
	[tilespmem:$0x1FFC0] =	vst v3;
	v3 =	vmul.f32 v9, v9  }
0x50: {  	v39 =	vmul.f32 v39, v39;
	v0 =	vld [tilespmem:s19+$0x1440];
	v2 =	vmul.f32 v6, v6;
	[tilespmem:$0x1FF80] =	vst v1  }
0x51: {  	v40 =	vmul.f32 v40, v40;
	v1 =	vld [tilespmem:s19+$0x1450];
	[tilespmem:$0x1FFD0] =	vst v3;
	v3 =	vmul.f32 v10, v10  }
0x52: {  	v44 =	vmul.f32 v44, v44;
	v45 =	vmul.f32 v45, v45;
	[tilespmem:$0x1FFA0] =	vst v2;
	v2 =	vld [tilespmem:s19+$0x1400]  }
0x53: {  	v46 =	vmul.f32 v46, v46;
	v47 =	vmul.f32 v47, v47;
	[tilespmem:$0x1FFE0] =	vst v3;
	v3 =	vld [tilespmem:s19+$0x810]  }
0x54: {  	v62 =	vld [tilespmem:s19+$0x40];
	v48 =	vmul.f32 v48, v48;
	v49 =	vmul.f32 v49, v49  }
0x55: {  	v63 =	vld [tilespmem:s19+$0x10];
	v50 =	vmul.f32 v50, v50;
	v51 =	vmul.f32 v51, v51  }
0x56: {  	v54 =	vmul.f32 v53, v53;
	v41 =	vmul.f32 v0, v0;
	v0 =	vld [tilespmem:s19+$0x50]  }
0x57: {  	v53 =	vmul.f32 v56, v56;
	v42 =	vmul.f32 v1, v1;
	v1 =	vld [tilespmem:s19+$0x20]  }
0x58: {  	v43 =	vmul.f32 v2, v2;
	v2 =	vld [tilespmem:s19+$0x60];
	v56 =	vmul.f32 v3, v3;
	v3 =	vmov s16  }
0x59: {  	s20 =	simm.s32 $0x200;
	v52 =	vmul.f32 v52, v52;
	v58 =	vmul.f32 v58, v58;
	[tilespmem:$0x1FFF0] =	vst v3;
	v3 =	vld [tilespmem:s19+$0x30]  }
.LBB2_3:
0x5a: {  	v4 =	vld [tilespmem:s19+$0x70];
	v55 =	vmul.f32 v55, v55;
	v57 =	vmul.f32 v57, v57  }
0x5b: {  	v5 =	vld [tilespmem:s19+$0x420];
	v60 =	vmul.f32 v60, v60;
	v59 =	vmul.f32 v59, v59  }
0x5c: {  	v6 =	vld [tilespmem:s19+$0x430];
	v61 =	vmul.f32 v61, v61;
	v62 =	vmul.f32 v62, v62  }
0x5d: {  	v7 =	vld [tilespmem:s19+$0x460];
	v63 =	vmul.f32 v63, v63;
	v0 =	vmul.f32 v0, v0  }
0x5e: {  	v8 =	vld [tilespmem:s19+$0x470];
	v1 =	vmul.f32 v1, v1;
	v2 =	vmul.f32 v2, v2  }
0x5f: {  	v9 =	vld [tilespmem:s19+$0x820];
	v3 =	vmul.f32 v3, v3;
	v4 =	vmul.f32 v4, v4  }
0x60: {  	v5 =	vmul.f32 v5, v5;
	v61 =	vadd.f32 v62, v61;
	v0 =	vadd.f32 v0, v63;
	v62 =	vld [tilespmem:s19+$0x830]  }
0x61: {  	v1 =	vadd.f32 v2, v1;
	v2 =	vadd.f32 v4, v3;
	v3 =	vmul.f32 v6, v6;
	v4 =	vld [tilespmem:s19+$0x860]  }
0x62: {  	v7 =	vmul.f32 v7, v7;
	v63 =	vld [tilespmem:s19+$0x870];
	v61 =	vadd.f32 v60, v61;
	v0 =	vadd.f32 v59, v0  }
0x63: {  	v1 =	vadd.f32 v5, v1;
	v5 =	vld [tilespmem:s19+$0xC20];
	v2 =	vadd.f32 v3, v2;
	v3 =	vmul.f32 v8, v8  }
0x64: {  	v8 =	vmul.f32 v9, v9;
	v9 =	vld [tilespmem:s19+$0xC30];
	v6 =	vadd.f32 v55, v61;
	v0 =	vadd.f32 v57, v0  }
0x65: {  	v1 =	vadd.f32 v7, v1;
	v57 =	vld [tilespmem:s19+$0xC60];
	v2 =	vadd.f32 v3, v2;
	v3 =	vmul.f32 v62, v62  }
0x66: {  	v6 =	vadd.f32 v58, v6;
	v4 =	vmul.f32 v4, v4;
	v58 =	vld [tilespmem:s19+$0xC70]  }
0x67: {  	v1 =	vadd.f32 v8, v1;
	v8 =	vld [tilespmem:s19+$0x1020];
	v2 =	vadd.f32 v3, v2;
	v3 =	vmul.f32 v63, v63  }
0x68: {  	v60 =	vld [tilespmem:s19+$0x1030];
	v0 =	vadd.f32 v56, v0;
	v5 =	vmul.f32 v5, v5;
	v6 =	vadd.f32 v54, v6  }
0x69: {  	v1 =	vadd.f32 v4, v1;
	v4 =	vld [tilespmem:s19+$0x1060];
	v2 =	vadd.f32 v3, v2;
	v3 =	vmul.f32 v9, v9  }
0x6a: {  	v0 =	vadd.f32 v53, v0;
	v7 =	vmul.f32 v57, v57;
	v9 =	vld [tilespmem:s19+$0x1070];
	v6 =	vadd.f32 v51, v6  }
0x6b: {  	v1 =	vadd.f32 v5, v1;
	v5 =	vld [tilespmem:s19+$0x1420];
	v2 =	vadd.f32 v3, v2;
	v3 =	vmul.f32 v58, v58  }
0x6c: {  	v61 =	vld [tilespmem:s19+$0x1430];
	v0 =	vadd.f32 v52, v0;
	v8 =	vmul.f32 v8, v8;
	v6 =	vadd.f32 v49, v6  }
0x6d: {  	v62 =	vld [tilespmem:s19+$0x1460];
	v1 =	vadd.f32 v7, v1;
	v2 =	vadd.f32 v3, v2;
	v3 =	vmul.f32 v60, v60  }
0x6e: {  	v63 =	vld [tilespmem:s19+$0x1470];
	v0 =	vadd.f32 v50, v0;
	v4 =	vmul.f32 v4, v4;
	v6 =	vadd.f32 v47, v6  }
0x6f: {  	v1 =	vadd.f32 v8, v1;
	v8 =	vld [tilespmem:s19+$0x1820];
	v2 =	vadd.f32 v3, v2;
	v3 =	vmul.f32 v9, v9  }
0x70: {  	v0 =	vadd.f32 v48, v0;
	v5 =	vmul.f32 v5, v5;
	v9 =	vld [tilespmem:s19+$0x1830];
	v6 =	vadd.f32 v45, v6  }
0x71: {  	v1 =	vadd.f32 v4, v1;
	v4 =	vld [tilespmem:s19+$0x1860];
	v2 =	vadd.f32 v3, v2;
	v3 =	vmul.f32 v61, v61  }
0x72: {  	v7 =	vmul.f32 v62, v62;
	v0 =	vadd.f32 v46, v0;
	v46 =	vld [tilespmem:s19+$0x1870];
	v6 =	vadd.f32 v43, v6  }
0x73: {  	v1 =	vadd.f32 v5, v1;
	v5 =	vld [tilespmem:s19+$0x1C20];
	v2 =	vadd.f32 v3, v2;
	v3 =	vmul.f32 v63, v63  }
0x74: {  	v48 =	vld [tilespmem:s19+$0x1C30];
	v8 =	vmul.f32 v8, v8;
	v6 =	vadd.f32 v41, v6  }
0x75: {  	v49 =	vld [tilespmem:s19+$0x1C60];
	v1 =	vadd.f32 v7, v1;
	v2 =	vadd.f32 v3, v2;
	v3 =	vmul.f32 v9, v9  }
0x76: {  	v4 =	vmul.f32 v4, v4;
	v9 =	vld [tilespmem:s19+$0x1C70];
	v6 =	vadd.f32 v39, v6  }
0x77: {  	v1 =	vadd.f32 v8, v1;
	v8 =	vld [tilespmem:s19+$0x2020];
	v2 =	vadd.f32 v3, v2;
	v3 =	vmul.f32 v46, v46  }
0x78: {  	v50 =	vld [tilespmem:s19+$0x2030];
	v5 =	vmul.f32 v5, v5;
	v6 =	vadd.f32 v37, v6  }
0x79: {  	v1 =	vadd.f32 v4, v1;
	v4 =	vld [tilespmem:s19+$0x2060];
	v2 =	vadd.f32 v3, v2;
	v3 =	vmul.f32 v48, v48  }
0x7a: {  	v51 =	vld [tilespmem:s19+$0x2070];
	v0 =	vadd.f32 v44, v0;
	v7 =	vmul.f32 v49, v49;
	v6 =	vadd.f32 v35, v6  }
0x7b: {  	v1 =	vadd.f32 v5, v1;
	v5 =	vld [tilespmem:s19+$0x2420];
	v2 =	vadd.f32 v3, v2;
	v3 =	vmul.f32 v9, v9  }
0x7c: {  	v0 =	vadd.f32 v42, v0;
	v8 =	vmul.f32 v8, v8;
	v9 =	vld [tilespmem:s19+$0x2430];
	v6 =	vadd.f32 v33, v6  }
0x7d: {  	v52 =	vld [tilespmem:s19+$0x2460];
	v1 =	vadd.f32 v7, v1;
	v2 =	vadd.f32 v3, v2;
	v3 =	vmul.f32 v50, v50  }
0x7e: {  	v0 =	vadd.f32 v40, v0;
	v4 =	vmul.f32 v4, v4;
	v6 =	vadd.f32 v31, v6;
	v31 =	vld [tilespmem:s19+$0x2470]  }
0x7f: {  	v1 =	vadd.f32 v8, v1;
	v8 =	vld [tilespmem:s19+$0x2820];
	v2 =	vadd.f32 v3, v2;
	v3 =	vmul.f32 v51, v51  }
0x80: {  	v0 =	vadd.f32 v38, v0;
	v5 =	vmul.f32 v5, v5;
	v6 =	vadd.f32 v29, v6;
	v29 =	vld [tilespmem:s19+$0x2830]  }
0x81: {  	v1 =	vadd.f32 v4, v1;
	v4 =	vld [tilespmem:s19+$0x2860];
	v2 =	vadd.f32 v3, v2;
	v3 =	vmul.f32 v9, v9  }
0x82: {  	v0 =	vadd.f32 v36, v0;
	v7 =	vmul.f32 v52, v52;
	v9 =	vld [tilespmem:s19+$0x2870];
	v6 =	vadd.f32 v27, v6  }
0x83: {  	v1 =	vadd.f32 v5, v1;
	v5 =	vld [tilespmem:s19+$0x2C20];
	v2 =	vadd.f32 v3, v2;
	v3 =	vmul.f32 v31, v31  }
0x84: {  	v0 =	vadd.f32 v34, v0;
	v8 =	vmul.f32 v8, v8;
	v6 =	vadd.f32 v25, v6;
	v25 =	vld [tilespmem:s19+$0x2C30]  }
0x85: {  	v53 =	vld [tilespmem:s19+$0x2C60];
	v1 =	vadd.f32 v7, v1;
	v2 =	vadd.f32 v3, v2;
	v3 =	vmul.f32 v29, v29  }
0x86: {  	v0 =	vadd.f32 v32, v0;
	v4 =	vmul.f32 v4, v4;
	v6 =	vadd.f32 v23, v6;
	v23 =	vld [tilespmem:s19+$0x2C70]  }
0x87: {  	v1 =	vadd.f32 v8, v1;
	v8 =	vld [tilespmem:s19+$0x3020];
	v2 =	vadd.f32 v3, v2;
	v3 =	vmul.f32 v9, v9  }
0x88: {  	v0 =	vadd.f32 v30, v0;
	v5 =	vmul.f32 v5, v5;
	v9 =	vld [tilespmem:s19+$0x3030];
	v6 =	vadd.f32 v21, v6  }
0x89: {  	v1 =	vadd.f32 v4, v1;
	v4 =	vld [tilespmem:s19+$0x3060];
	v2 =	vadd.f32 v3, v2;
	v3 =	vmul.f32 v25, v25  }
0x8a: {  	v0 =	vadd.f32 v28, v0;
	v7 =	vmul.f32 v53, v53;
	v6 =	vadd.f32 v19, v6;
	v19 =	vld [tilespmem:s19+$0x3070]  }
0x8b: {  	v1 =	vadd.f32 v5, v1;
	v5 =	vld [tilespmem:s19+$0x3420];
	v2 =	vadd.f32 v3, v2;
	v3 =	vmul.f32 v23, v23  }
0x8c: {  	v0 =	vadd.f32 v26, v0;
	v8 =	vmul.f32 v8, v8;
	v6 =	vadd.f32 v17, v6;
	v17 =	vld [tilespmem:s19+$0x3430]  }
0x8d: {  	v54 =	vld [tilespmem:s19+$0x3460];
	v1 =	vadd.f32 v7, v1;
	v2 =	vadd.f32 v3, v2;
	v3 =	vmul.f32 v9, v9  }
0x8e: {  	v0 =	vadd.f32 v24, v0;
	v4 =	vmul.f32 v4, v4;
	v9 =	vld [tilespmem:s19+$0x3470]  }
0x8f: {  	v10 =	vld [tilespmem:$0x1FFB0];
	v1 =	vadd.f32 v8, v1;
	v2 =	vadd.f32 v3, v2;
	v3 =	vmul.f32 v19, v19  }
0x90: {  	v0 =	vadd.f32 v22, v0;
	v8 =	vld [tilespmem:s19+$0x3820];
	v5 =	vmul.f32 v5, v5  }
0x91: {  	v55 =	vld [tilespmem:s19+$0x3C60];
	v1 =	vadd.f32 v4, v1;
	v2 =	vadd.f32 v3, v2;
	v3 =	vmul.f32 v17, v17  }
0x92: {  	v0 =	vadd.f32 v20, v0;
	v7 =	vmul.f32 v54, v54;
	v6 =	vadd.f32 v15, v6;
	v4 =	vld [tilespmem:s19+$0x3860]  }
0x93: {  	v1 =	vadd.f32 v5, v1;
	v2 =	vadd.f32 v3, v2;
	v3 =	vmul.f32 v9, v9;
	v9 =	vld [tilespmem:$0x1FFD0]  }
0x94: {  	v6 =	vadd.f32 v13, v6;
	v5 =	vld [tilespmem:s19+$0x3C20]  }
0x95: {  	v0 =	vadd.f32 v18, v0;
	v13 =	vld [tilespmem:s19+$0x3830];
	v8 =	vmul.f32 v8, v8;
	v1 =	vadd.f32 v7, v1  }
0x96: {  	v6 =	vadd.f32 v11, v6;
	v11 =	vld [tilespmem:s19+$0x3870]  }
0x97: {  	v0 =	vadd.f32 v16, v0;
	v4 =	vmul.f32 v4, v4;
	v1 =	vadd.f32 v8, v1;
	v8 =	vld [tilespmem:$0x1FF90]  }
0x98: {  	v6 =	vadd.f32 v9, v6;
	v9 =	vld [tilespmem:$0x1FFE0]  }
0x99: {  	v0 =	vadd.f32 v14, v0;
	v5 =	vmul.f32 v5, v5;
	v1 =	vadd.f32 v4, v1;
	v4 =	vld [tilespmem:$0x1FF70]  }
0x9a: {  	v6 =	vadd.f32 v10, v6;
	v10 =	vld [tilespmem:$0x1FFC0]  }
0x9b: {  	v0 =	vadd.f32 v12, v0;
	v1 =	vadd.f32 v5, v1;
	v5 =	vld [tilespmem:$0x1FF50]  }
0x9c: {  	v6 =	vadd.f32 v8, v6;
	v8 =	vld [tilespmem:$0x1FFA0]  }
0x9d: {  	v0 =	vadd.f32 v9, v0;
	v9 =	vld [tilespmem:s19+$0x3C30]  }
0x9e: {  	v56 =	vld [tilespmem:$0x1FF80];
	v2 =	vadd.f32 v3, v2;
	v3 =	vmul.f32 v13, v13  }
0x9f: {  	v4 =	vadd.f32 v4, v6;
	v0 =	vadd.f32 v10, v0;
	v10 =	vld [tilespmem:s19+$0x3C70]  }
0xa0: {  	v2 =	vadd.f32 v3, v2;
	v3 =	vmul.f32 v11, v11  }
0xa1: {  	v4 =	vadd.f32 v5, v4;
	v5 =	vld [tilespmem:$0x1FF60]  }
0xa2: {  	v2 =	vadd.f32 v3, v2;
	v0 =	vadd.f32 v8, v0;
	v3 =	vmul.f32 v9, v9  }
0xa3: {  	v57 =	vmul.f32 v55, v55  }
0xa4: {  	v0 =	vadd.f32 v56, v0;
	v2 =	vadd.f32 v3, v2;
	v3 =	vmul.f32 v10, v10  }
0xa5: {  	v1 =	vadd.f32 v57, v1  }
0xa6: {  	v0 =	vadd.f32 v5, v0;
	v2 =	vadd.f32 v3, v2;
	_ =	sdelay $0x1  }
0xa7: {  	v0 =	vadd.f32 v0, v4;
	v1 =	vadd.f32 v2, v1;
	_ =	sdelay $0x1  }
0xa8: {  	v0 =	vadd.f32 v1, v0;
	v1 =	vld [tilespmem:$0x1FFF0];
	_ =	sdelay $0x7  }
0xa9: {  	[tilespmem:v1+s19+$0x0 ss:$0x1] =	vst.idx.msk $0xffff, v0;
	s19 =	sshra.s32 s20, $0x2  }
0xaa: {  	v0 =	vld [tilespmem:s19+$0x3C40]  }
0xab: {  	v1 =	vld [tilespmem:s19+$0x3C50]  }
0xac: {  	v2 =	vld [tilespmem:s19+$0x3C00]  }
0xad: {  	v3 =	vld [tilespmem:s19+$0x3C10]  }
0xae: {  	v4 =	vld [tilespmem:s19+$0x3840]  }
0xaf: {  	v5 =	vld [tilespmem:s19+$0x3850]  }
0xb0: {  	v58 =	vld [tilespmem:s19+$0x3800]  }
0xb1: {  	v59 =	vld [tilespmem:s19+$0x3810]  }
0xb2: {  	v8 =	vld [tilespmem:s19+$0x3440]  }
0xb3: {  	v9 =	vld [tilespmem:s19+$0x3450]  }
0xb4: {  	v11 =	vld [tilespmem:s19+$0x3400]  }
0xb5: {  	v12 =	vld [tilespmem:s19+$0x3410]  }
0xb6: {  	v13 =	vld [tilespmem:s19+$0x3040]  }
0xb7: {  	v14 =	vld [tilespmem:s19+$0x3050]  }
0xb8: {  	v15 =	vld [tilespmem:s19+$0x3000]  }
0xb9: {  	v16 =	vld [tilespmem:s19+$0x3010]  }
0xba: {  	v17 =	vld [tilespmem:s19+$0x2C40]  }
0xbb: {  	v18 =	vld [tilespmem:s19+$0x2C50]  }
0xbc: {  	v19 =	vld [tilespmem:s19+$0x2C00]  }
0xbd: {  	v20 =	vld [tilespmem:s19+$0x2C10]  }
0xbe: {  	v21 =	vld [tilespmem:s19+$0x2840]  }
0xbf: {  	v22 =	vld [tilespmem:s19+$0x2850]  }
0xc0: {  	v23 =	vld [tilespmem:s19+$0x2800]  }
0xc1: {  	v24 =	vld [tilespmem:s19+$0x2810]  }
0xc2: {  	v25 =	vld [tilespmem:s19+$0x2440]  }
0xc3: {  	v26 =	vld [tilespmem:s19+$0x2450]  }
0xc4: {  	v27 =	vld [tilespmem:s19+$0x2400]  }
0xc5: {  	v28 =	vld [tilespmem:s19+$0x2410]  }
0xc6: {  	v29 =	vld [tilespmem:s19+$0x2040]  }
0xc7: {  	v30 =	vld [tilespmem:s19+$0x2050]  }
0xc8: {  	v31 =	vld [tilespmem:s19+$0x2000]  }
0xc9: {  	v32 =	vld [tilespmem:s19+$0x2010]  }
0xca: {  	v60 =	vld [tilespmem:s19+$0x1C40]  }
0xcb: {  	v61 =	vld [tilespmem:s19+$0x1C50]  }
0xcc: {  	v62 =	vld [tilespmem:s19+$0x1C00]  }
0xcd: {  	v63 =	vld [tilespmem:s19+$0x1C10]  }
0xce: {  	v44 =	vld [tilespmem:s19+$0x1840]  }
0xcf: {  	v45 =	vld [tilespmem:s19+$0x1850]  }
0xd0: {  	v46 =	vld [tilespmem:s19+$0x1800]  }
0xd1: {  	v47 =	vld [tilespmem:s19+$0x1810];
	v0 =	vmul.f32 v0, v0;
	v11 =	vmul.f32 v11, v11  }
0xd2: {  	v6 =	vld [tilespmem:s19+$0x1000];
	v12 =	vmul.f32 v12, v12;
	v13 =	vmul.f32 v13, v13  }
0xd3: {  	v7 =	vld [tilespmem:s19+$0x1010];
	v14 =	vmul.f32 v14, v14;
	v15 =	vmul.f32 v15, v15  }
0xd4: {  	v51 =	vld [tilespmem:s19+$0xC00];
	v16 =	vmul.f32 v16, v16;
	v17 =	vmul.f32 v17, v17  }
0xd5: {  	v52 =	vld [tilespmem:s19+$0xC10];
	v18 =	vmul.f32 v18, v18;
	v19 =	vmul.f32 v19, v19  }
0xd6: {  	v53 =	vld [tilespmem:s19+$0x840];
	v20 =	vmul.f32 v20, v20;
	v21 =	vmul.f32 v21, v21  }
0xd7: {  	v56 =	vld [tilespmem:s19+$0x850];
	v22 =	vmul.f32 v22, v22;
	v23 =	vmul.f32 v23, v23  }
0xd8: {  	v10 =	vld [tilespmem:s19+$0x810];
	v24 =	vmul.f32 v24, v24;
	v25 =	vmul.f32 v25, v25  }
0xd9: {  	v55 =	vld [tilespmem:s19+$0x440];
	v26 =	vmul.f32 v26, v26;
	v27 =	vmul.f32 v27, v27  }
0xda: {  	v57 =	vld [tilespmem:s19+$0x450];
	v28 =	vmul.f32 v28, v28;
	v29 =	vmul.f32 v29, v29  }
0xdb: {  	v30 =	vmul.f32 v30, v30;
	v33 =	vmul.f32 v60, v60;
	v60 =	vld [tilespmem:s19+$0x400]  }
0xdc: {  	v31 =	vmul.f32 v31, v31;
	v34 =	vmul.f32 v61, v61;
	v61 =	vld [tilespmem:s19+$0x0]  }
0xdd: {  	v35 =	vmul.f32 v62, v62;
	v62 =	vld [tilespmem:s19+$0x40];
	[tilespmem:$0x1FF50] =	vst v0;
	v0 =	vmul.f32 v1, v1  }
0xde: {  	v36 =	vmul.f32 v63, v63;
	v63 =	vld [tilespmem:s19+$0x10];
	v1 =	vmul.f32 v2, v2  }
0xdf: {  	v2 =	vmul.f32 v4, v4;
	v4 =	vmul.f32 v8, v8;
	v8 =	vld [tilespmem:s19+$0xC40];
	[tilespmem:$0x1FF60] =	vst v0  }
0xe0: {  	v32 =	vmul.f32 v32, v32;
	v37 =	vmul.f32 v44, v44;
	v0 =	vld [tilespmem:s19+$0x1440];
	[tilespmem:$0x1FF70] =	vst v1  }
0xe1: {  	v1 =	vmul.f32 v3, v3;
	[tilespmem:$0x1FF90] =	vst v2;
	v2 =	vmul.f32 v5, v5;
	v5 =	vld [tilespmem:s19+$0x1050]  }
0xe2: {  	v38 =	vmul.f32 v45, v45;
	[tilespmem:$0x1FFD0] =	vst v4;
	v4 =	vmul.f32 v9, v9;
	v9 =	vld [tilespmem:s19+$0xC50]  }
0xe3: {  	v39 =	vmul.f32 v46, v46;
	v3 =	vmul.f32 v58, v58;
	v58 =	vld [tilespmem:s19+$0x800];
	[tilespmem:$0x1FF80] =	vst v1  }
0xe4: {  	v40 =	vmul.f32 v47, v47;
	v47 =	vmul.f32 v6, v6;
	v1 =	vld [tilespmem:s19+$0x1450];
	[tilespmem:$0x1FFA0] =	vst v2  }
0xe5: {  	v48 =	vmul.f32 v7, v7;
	v2 =	vld [tilespmem:s19+$0x1400];
	[tilespmem:$0x1FFB0] =	vst v3;
	v3 =	vmul.f32 v59, v59  }
0xe6: {  	v51 =	vmul.f32 v51, v51;
	v52 =	vmul.f32 v52, v52;
	[tilespmem:$0x1FFE0] =	vst v4;
	v4 =	vld [tilespmem:s19+$0x1040]  }
0xe7: {  	p0 =	sne.s32 s20, $0xE00;
	v54 =	vmul.f32 v53, v53;
	v53 =	vmul.f32 v56, v56;
	[tilespmem:$0x1FFC0] =	vst v3;
	v3 =	vld [tilespmem:s19+$0x1410]  }
.Ltmp0:
0xe8: {  	v56 =	vmul.f32 v10, v10;
	v59 =	vld [tilespmem:s19+$0x410];
	v49 =	vmul.f32 v8, v8;
	(pc) =	sbr.rel @p0 .LBB2_3-.Ltmp0, $4  }
0xe9: {  	v41 =	vmul.f32 v0, v0;
	v46 =	vmul.f32 v5, v5;
	v0 =	vld [tilespmem:s19+$0x50]  }
0xea: {  	v50 =	vmul.f32 v9, v9;
	v42 =	vmul.f32 v1, v1;
	v1 =	vld [tilespmem:s19+$0x20]  }
0xeb: {  	v58 =	vmul.f32 v58, v58;
	v43 =	vmul.f32 v2, v2;
	v2 =	vld [tilespmem:s19+$0x60]  }
0xec: {  	s20 =	sadd.s32 $0x200, s20;
	v45 =	vmul.f32 v4, v4;
	v44 =	vmul.f32 v3, v3;
	v3 =	vld [tilespmem:s19+$0x30]  }
0xed: {  	v4 =	vld [tilespmem:s19+$0x70]  }
0xee: {  	v5 =	vmul.f32 v60, v60  }
0xef: {  	v6 =	vmul.f32 v61, v61;
	v7 =	vmul.f32 v62, v62;
	v8 =	vld [tilespmem:s19+$0x420]  }
0xf0: {  	v9 =	vmul.f32 v63, v63;
	v10 =	vld [tilespmem:s19+$0x430];
	v0 =	vmul.f32 v0, v0  }
0xf1: {  	v60 =	vld [tilespmem:s19+$0x460];
	v1 =	vmul.f32 v1, v1;
	v2 =	vmul.f32 v2, v2  }
0xf2: {  	v63 =	vld [tilespmem:s19+$0x470];
	v6 =	vadd.f32 v7, v6;
	v3 =	vmul.f32 v3, v3;
	v4 =	vmul.f32 v4, v4  }
0xf3: {  	v0 =	vadd.f32 v0, v9;
	v9 =	vld [tilespmem:s19+$0x820];
	v1 =	vadd.f32 v2, v1;
	v2 =	vmul.f32 v59, v59  }
0xf4: {  	v3 =	vadd.f32 v4, v3;
	v4 =	vadd.f32 v5, v6;
	v5 =	vmul.f32 v8, v8;
	v6 =	vld [tilespmem:s19+$0x830]  }
0xf5: {  	v0 =	vadd.f32 v2, v0;
	v2 =	vmul.f32 v55, v55;
	v8 =	vmul.f32 v10, v10;
	v10 =	vld [tilespmem:s19+$0x860]  }
0xf6: {  	v62 =	vld [tilespmem:s19+$0x870];
	v61 =	vmul.f32 v60, v60;
	v1 =	vadd.f32 v5, v1;
	v5 =	vmul.f32 v57, v57  }
0xf7: {  	v3 =	vadd.f32 v8, v3;
	v2 =	vadd.f32 v2, v4;
	v4 =	vmul.f32 v63, v63;
	v63 =	vld [tilespmem:s19+$0xC20]  }
0xf8: {  	v8 =	vld [tilespmem:s19+$0xC30];
	v0 =	vadd.f32 v5, v0;
	v1 =	vadd.f32 v61, v1;
	v5 =	vmul.f32 v9, v9  }
0xf9: {  	v3 =	vadd.f32 v4, v3;
	v2 =	vadd.f32 v58, v2;
	v58 =	vld [tilespmem:s19+$0xC60];
	v4 =	vmul.f32 v6, v6  }
0xfa: {  	v9 =	vld [tilespmem:s19+$0xC70];
	v0 =	vadd.f32 v56, v0;
	v1 =	vadd.f32 v5, v1;
	v5 =	vmul.f32 v10, v10  }
0xfb: {  	v2 =	vadd.f32 v54, v2;
	v10 =	vld [tilespmem:s19+$0x1020];
	v3 =	vadd.f32 v4, v3;
	v4 =	vmul.f32 v62, v62  }
0xfc: {  	v0 =	vadd.f32 v53, v0;
	v1 =	vadd.f32 v5, v1;
	v5 =	vld [tilespmem:s19+$0x1030]  }
0xfd: {  	v7 =	vmul.f32 v63, v63;
	v3 =	vadd.f32 v4, v3;
	v4 =	vmul.f32 v8, v8;
	v8 =	vld [tilespmem:s19+$0x1060]  }
0xfe: {  	v59 =	vld [tilespmem:s19+$0x1070];
	v2 =	vadd.f32 v51, v2;
	v6 =	vmul.f32 v58, v58;
	v0 =	vadd.f32 v52, v0  }
0xff: {  	v60 =	vld [tilespmem:s19+$0x1420];
	v1 =	vadd.f32 v7, v1;
	v3 =	vadd.f32 v4, v3;
	v4 =	vmul.f32 v9, v9  }
0x100: {  	v2 =	vadd.f32 v49, v2;
	v9 =	vmul.f32 v10, v10;
	v10 =	vld [tilespmem:s19+$0x1430];
	v0 =	vadd.f32 v50, v0  }
0x101: {  	v1 =	vadd.f32 v6, v1;
	v3 =	vadd.f32 v4, v3;
	v4 =	vmul.f32 v5, v5;
	v5 =	vld [tilespmem:s19+$0x1460]  }
0x102: {  	v2 =	vadd.f32 v47, v2;
	v0 =	vadd.f32 v48, v0;
	v61 =	vmul.f32 v8, v8;
	v8 =	vld [tilespmem:s19+$0x1470]  }
0x103: {  	v1 =	vadd.f32 v9, v1;
	v9 =	vld [tilespmem:s19+$0x1820];
	v3 =	vadd.f32 v4, v3;
	v4 =	vmul.f32 v59, v59  }
0x104: {  	v62 =	vld [tilespmem:s19+$0x1830];
	v2 =	vadd.f32 v45, v2  }
0x105: {  	v0 =	vadd.f32 v46, v0;
	v3 =	vadd.f32 v4, v3;
	v4 =	vmul.f32 v10, v10  }
0x106: {  	v7 =	vmul.f32 v60, v60;
	v1 =	vadd.f32 v61, v1;
	v2 =	vadd.f32 v43, v2;
	v10 =	vld [tilespmem:s19+$0x1870]  }
0x107: {  	v63 =	vld [tilespmem:s19+$0x1860];
	v5 =	vmul.f32 v5, v5;
	v3 =	vadd.f32 v4, v3;
	v4 =	vmul.f32 v8, v8  }
0x108: {  	v1 =	vadd.f32 v7, v1;
	v2 =	vadd.f32 v41, v2;
	v8 =	vmul.f32 v9, v9;
	v9 =	vld [tilespmem:s19+$0x1C30]  }
0x109: {  	v0 =	vadd.f32 v44, v0;
	v44 =	vld [tilespmem:s19+$0x1C20];
	v3 =	vadd.f32 v4, v3;
	v4 =	vmul.f32 v62, v62  }
0x10a: {  	v45 =	vld [tilespmem:s19+$0x1C70];
	v1 =	vadd.f32 v5, v1;
	v2 =	vadd.f32 v39, v2  }
0x10b: {  	v5 =	vld [tilespmem:s19+$0x1C60];
	v3 =	vadd.f32 v4, v3;
	v4 =	vmul.f32 v10, v10  }
0x10c: {  	v6 =	vmul.f32 v63, v63;
	v1 =	vadd.f32 v8, v1;
	v2 =	vadd.f32 v37, v2;
	v10 =	vld [tilespmem:s19+$0x2030]  }
0x10d: {  	v8 =	vld [tilespmem:s19+$0x2020];
	v3 =	vadd.f32 v4, v3;
	v4 =	vmul.f32 v9, v9  }
0x10e: {  	v7 =	vmul.f32 v44, v44;
	v1 =	vadd.f32 v6, v1;
	v2 =	vadd.f32 v35, v2;
	v9 =	vld [tilespmem:s19+$0x2070]  }
0x10f: {  	v46 =	vld [tilespmem:s19+$0x2060];
	v0 =	vadd.f32 v42, v0;
	v3 =	vadd.f32 v4, v3;
	v4 =	vmul.f32 v45, v45  }
0x110: {  	v48 =	vld [tilespmem:s19+$0x2430];
	v5 =	vmul.f32 v5, v5;
	v1 =	vadd.f32 v7, v1;
	v2 =	vadd.f32 v33, v2  }
0x111: {  	v47 =	vld [tilespmem:s19+$0x2420];
	v0 =	vadd.f32 v40, v0;
	v3 =	vadd.f32 v4, v3;
	v4 =	vmul.f32 v10, v10  }
0x112: {  	v8 =	vmul.f32 v8, v8;
	v1 =	vadd.f32 v5, v1;
	v2 =	vadd.f32 v31, v2;
	v10 =	vld [tilespmem:s19+$0x2470]  }
0x113: {  	v0 =	vadd.f32 v38, v0;
	v5 =	vld [tilespmem:s19+$0x2460];
	v3 =	vadd.f32 v4, v3;
	v4 =	vmul.f32 v9, v9  }
0x114: {  	v6 =	vmul.f32 v46, v46;
	v1 =	vadd.f32 v8, v1;
	v2 =	vadd.f32 v29, v2;
	v9 =	vld [tilespmem:s19+$0x2830]  }
0x115: {  	v0 =	vadd.f32 v36, v0;
	v8 =	vld [tilespmem:s19+$0x2820];
	v3 =	vadd.f32 v4, v3;
	v4 =	vmul.f32 v48, v48  }
0x116: {  	v7 =	vmul.f32 v47, v47;
	v1 =	vadd.f32 v6, v1;
	v2 =	vadd.f32 v27, v2;
	v27 =	vld [tilespmem:s19+$0x2870]  }
0x117: {  	v49 =	vld [tilespmem:s19+$0x2860];
	v0 =	vadd.f32 v34, v0;
	v3 =	vadd.f32 v4, v3;
	v4 =	vmul.f32 v10, v10  }
0x118: {  	v5 =	vmul.f32 v5, v5;
	v1 =	vadd.f32 v7, v1;
	v2 =	vadd.f32 v25, v2;
	v10 =	vld [tilespmem:s19+$0x2C30]  }
0x119: {  	v50 =	vld [tilespmem:s19+$0x2C20];
	v0 =	vadd.f32 v32, v0;
	v3 =	vadd.f32 v4, v3;
	v4 =	vmul.f32 v9, v9  }
0x11a: {  	v8 =	vmul.f32 v8, v8;
	v1 =	vadd.f32 v5, v1;
	v2 =	vadd.f32 v23, v2;
	v9 =	vld [tilespmem:s19+$0x2C70]  }
0x11b: {  	v0 =	vadd.f32 v30, v0;
	v5 =	vld [tilespmem:s19+$0x2C60];
	v3 =	vadd.f32 v4, v3;
	v4 =	vmul.f32 v27, v27  }
0x11c: {  	v6 =	vmul.f32 v49, v49;
	v1 =	vadd.f32 v8, v1;
	v2 =	vadd.f32 v21, v2;
	v21 =	vld [tilespmem:s19+$0x3030]  }
0x11d: {  	v0 =	vadd.f32 v28, v0;
	v8 =	vld [tilespmem:s19+$0x3020];
	v3 =	vadd.f32 v4, v3;
	v4 =	vmul.f32 v10, v10  }
0x11e: {  	v7 =	vmul.f32 v50, v50;
	v1 =	vadd.f32 v6, v1;
	v2 =	vadd.f32 v19, v2;
	v10 =	vld [tilespmem:s19+$0x3070]  }
0x11f: {  	v51 =	vld [tilespmem:s19+$0x3060];
	v0 =	vadd.f32 v26, v0;
	v3 =	vadd.f32 v4, v3;
	v4 =	vmul.f32 v9, v9  }
0x120: {  	v5 =	vmul.f32 v5, v5;
	v1 =	vadd.f32 v7, v1;
	v2 =	vadd.f32 v17, v2;
	v9 =	vld [tilespmem:s19+$0x3430]  }
0x121: {  	v52 =	vld [tilespmem:s19+$0x3420];
	v0 =	vadd.f32 v24, v0;
	v3 =	vadd.f32 v4, v3;
	v4 =	vmul.f32 v21, v21  }
0x122: {  	v8 =	vmul.f32 v8, v8;
	v1 =	vadd.f32 v5, v1;
	v2 =	vadd.f32 v15, v2;
	v15 =	vld [tilespmem:s19+$0x3470]  }
0x123: {  	v0 =	vadd.f32 v22, v0;
	v5 =	vld [tilespmem:s19+$0x3460];
	v3 =	vadd.f32 v4, v3;
	v4 =	vmul.f32 v10, v10  }
0x124: {  	v6 =	vmul.f32 v51, v51;
	v1 =	vadd.f32 v8, v1;
	v2 =	vadd.f32 v13, v2;
	v10 =	vld [tilespmem:s19+$0x3830]  }
0x125: {  	v0 =	vadd.f32 v20, v0;
	v8 =	vld [tilespmem:s19+$0x3820];
	v3 =	vadd.f32 v4, v3;
	v4 =	vmul.f32 v9, v9  }
0x126: {  	v7 =	vmul.f32 v52, v52;
	v1 =	vadd.f32 v6, v1;
	v2 =	vadd.f32 v11, v2;
	v11 =	vld [tilespmem:$0x1FFD0]  }
0x127: {  	v55 =	vld [tilespmem:$0x1FF70];
	v3 =	vadd.f32 v4, v3;
	v4 =	vmul.f32 v15, v15  }
0x128: {  	v54 =	vld [tilespmem:s19+$0x3C20];
	v0 =	vadd.f32 v18, v0;
	v5 =	vmul.f32 v5, v5;
	v1 =	vadd.f32 v7, v1  }
0x129: {  	v3 =	vadd.f32 v4, v3;
	v4 =	vmul.f32 v10, v10;
	v10 =	vld [tilespmem:$0x1FFB0]  }
0x12a: {  	v56 =	vld [tilespmem:$0x1FF80];
	v0 =	vadd.f32 v16, v0;
	v8 =	vmul.f32 v8, v8;
	v1 =	vadd.f32 v5, v1  }
0x12b: {  	v2 =	vadd.f32 v11, v2;
	v11 =	vld [tilespmem:$0x1FFE0]  }
0x12c: {  	v0 =	vadd.f32 v14, v0;
	v1 =	vadd.f32 v8, v1;
	v8 =	vld [tilespmem:$0x1FF90]  }
0x12d: {  	v53 =	vld [tilespmem:s19+$0x3860]  }
0x12e: {  	v0 =	vadd.f32 v12, v0;
	v2 =	vadd.f32 v10, v2;
	v10 =	vld [tilespmem:$0x1FFC0]  }
0x12f: {  	v9 =	vld [tilespmem:s19+$0x3870]  }
0x130: {  	v0 =	vadd.f32 v11, v0;
	v11 =	vld [tilespmem:s19+$0x3C30]  }
0x131: {  	v2 =	vadd.f32 v8, v2;
	v8 =	vld [tilespmem:$0x1FFA0]  }
0x132: {  	v5 =	vld [tilespmem:s19+$0x3C60]  }
0x133: {  	v6 =	vmul.f32 v53, v53;
	v0 =	vadd.f32 v10, v0;
	v10 =	vld [tilespmem:s19+$0x3C70]  }
0x134: {  	v57 =	vld [tilespmem:$0x1FF50];
	v3 =	vadd.f32 v4, v3;
	v4 =	vmul.f32 v9, v9  }
0x135: {  	v58 =	vld [tilespmem:$0x1FF60];
	v7 =	vmul.f32 v54, v54;
	v1 =	vadd.f32 v6, v1  }
0x136: {  	v3 =	vadd.f32 v4, v3;
	v4 =	vmul.f32 v11, v11;
	v0 =	vadd.f32 v8, v0  }
0x137: {  	v5 =	vmul.f32 v5, v5;
	v1 =	vadd.f32 v7, v1;
	v2 =	vadd.f32 v55, v2  }
0x138: {  	v3 =	vadd.f32 v4, v3;
	v0 =	vadd.f32 v56, v0;
	v4 =	vmul.f32 v10, v10  }
0x139: {  	v1 =	vadd.f32 v5, v1;
	v2 =	vadd.f32 v57, v2  }
0x13a: {  	v0 =	vadd.f32 v58, v0;
	v3 =	vadd.f32 v4, v3;
	_ =	sdelay $0x1  }
0x13b: {  	v0 =	vadd.f32 v0, v2;
	v1 =	vadd.f32 v3, v1;
	_ =	sdelay $0x1  }
0x13c: {  	v0 =	vadd.f32 v1, v0;
	v1 =	vld [tilespmem:$0x1FFF0];
	_ =	sdelay $0x3  }
0x13d: {  	p0 =	seq.s32 s17, $0xB  }
0x13e: {  	s18 =	sadd.s32 @!p0 s18, s6  }
0x13f: {  	s18 =	sshll.u32 @!p0 s18, $0xB  }
0x140: {  	s18 =	sand.u32 @!p0 $0x1FFFF000, s18  }
0x141: {  	s18 =	sadd.s32 @!p0 s2, s18;
	[tilespmem:v1+s19+$0x0 ss:$0x1] =	vst.idx.msk $0xffff, v0;
	s19 =	simm.s32 @!p0 $0x0  }
0x142: {  	[tilespmem:s19], [sflag:$0x1] =	stream.linear.gather @!p0 [hbm4b:s18+s19], $0x4000, $0x38;
	[tilespmem:$0xE000] =	vst v63  }
0x143: {  	_ =	swait.ge [sflag:s11], $0x4000  }
0x144: {  	[sflag:s11] =	ssyncset.done $0x0  }
0x145: {  	s18 =	simm.s32 $0x0;
	[sflag:s11] =	ssyncadd.s32 $0xFFFFC000  }
0x146: {  	v0 =	vld [tilespmem:s18+$0x7C40]  }
0x147: {  	v1 =	vld [tilespmem:s18+$0x7C50]  }
0x148: {  	v2 =	vld [tilespmem:s18+$0x7C00]  }
0x149: {  	v3 =	vld [tilespmem:s18+$0x7C10]  }
0x14a: {  	v5 =	vld [tilespmem:s18+$0x7840]  }
0x14b: {  	v59 =	vld [tilespmem:s18+$0x7850]  }
0x14c: {  	v8 =	vld [tilespmem:s18+$0x7800]  }
0x14d: {  	v9 =	vld [tilespmem:s18+$0x7810]  }
0x14e: {  	v10 =	vld [tilespmem:s18+$0x7440]  }
0x14f: {  	v11 =	vld [tilespmem:s18+$0x7450]  }
0x150: {  	v12 =	vld [tilespmem:s18+$0x7400]  }
0x151: {  	v13 =	vld [tilespmem:s18+$0x7410]  }
0x152: {  	v14 =	vld [tilespmem:s18+$0x7040]  }
0x153: {  	v15 =	vld [tilespmem:s18+$0x7050]  }
0x154: {  	v16 =	vld [tilespmem:s18+$0x7000]  }
0x155: {  	v17 =	vld [tilespmem:s18+$0x7010]  }
0x156: {  	v18 =	vld [tilespmem:s18+$0x6C40]  }
0x157: {  	v19 =	vld [tilespmem:s18+$0x6C50]  }
0x158: {  	v20 =	vld [tilespmem:s18+$0x6C00]  }
0x159: {  	v21 =	vld [tilespmem:s18+$0x6C10]  }
0x15a: {  	v22 =	vld [tilespmem:s18+$0x6840]  }
0x15b: {  	v23 =	vld [tilespmem:s18+$0x6850]  }
0x15c: {  	v24 =	vld [tilespmem:s18+$0x6800]  }
0x15d: {  	v25 =	vld [tilespmem:s18+$0x6810]  }
0x15e: {  	v26 =	vld [tilespmem:s18+$0x6440]  }
0x15f: {  	v27 =	vld [tilespmem:s18+$0x6450]  }
0x160: {  	v28 =	vld [tilespmem:s18+$0x6400]  }
0x161: {  	v29 =	vld [tilespmem:s18+$0x6410]  }
0x162: {  	v30 =	vld [tilespmem:s18+$0x6040]  }
0x163: {  	v31 =	vld [tilespmem:s18+$0x6050]  }
0x164: {  	v32 =	vld [tilespmem:s18+$0x6000]  }
0x165: {  	v33 =	vld [tilespmem:s18+$0x6010]  }
0x166: {  	v34 =	vld [tilespmem:s18+$0x5C40]  }
0x167: {  	v35 =	vld [tilespmem:s18+$0x5C50]  }
0x168: {  	v60 =	vld [tilespmem:s18+$0x5C00]  }
0x169: {  	v61 =	vld [tilespmem:s18+$0x5C10]  }
0x16a: {  	v62 =	vld [tilespmem:s18+$0x5840]  }
0x16b: {  	v63 =	vld [tilespmem:s18+$0x5850]  }
0x16c: {  	v40 =	vld [tilespmem:s18+$0x5800]  }
0x16d: {  	v41 =	vld [tilespmem:s18+$0x5810];
	v0 =	vmul.f32 v0, v0;
	v12 =	vmul.f32 v12, v12  }
0x16e: {  	v43 =	vld [tilespmem:s18+$0x5410];
	v14 =	vmul.f32 v14, v14;
	v16 =	vmul.f32 v16, v16  }
0x16f: {  	v45 =	vld [tilespmem:s18+$0x5040];
	v18 =	vmul.f32 v18, v18;
	v20 =	vmul.f32 v20, v20  }
0x170: {  	v47 =	vld [tilespmem:s18+$0x5050];
	v22 =	vmul.f32 v22, v22;
	v24 =	vmul.f32 v24, v24  }
0x171: {  	v48 =	vld [tilespmem:s18+$0x5000];
	v26 =	vmul.f32 v26, v26;
	v28 =	vmul.f32 v28, v28  }
0x172: {  	v49 =	vld [tilespmem:s18+$0x5010];
	v30 =	vmul.f32 v30, v30;
	v32 =	vmul.f32 v32, v32  }
0x173: {  	v50 =	vld [tilespmem:s18+$0x4C40];
	v34 =	vmul.f32 v34, v34;
	v36 =	vmul.f32 v60, v60  }
0x174: {  	v51 =	vld [tilespmem:s18+$0x4C50];
	v38 =	vmul.f32 v62, v62;
	v37 =	vmul.f32 v63, v63  }
0x175: {  	v52 =	vld [tilespmem:s18+$0x4C00];
	v40 =	vmul.f32 v40, v40;
	v39 =	vmul.f32 v41, v41  }
0x176: {  	v53 =	vld [tilespmem:s18+$0x4C10];
	v43 =	vmul.f32 v43, v43;
	[tilespmem:$0x1FEA0] =	vst v0;
	v0 =	vmul.f32 v1, v1  }
0x177: {  	v54 =	vld [tilespmem:s18+$0x4840];
	v46 =	vmul.f32 v45, v45;
	v1 =	vmul.f32 v2, v2  }
0x178: {  	v6 =	vld [tilespmem:s18+$0x4850];
	v45 =	vmul.f32 v47, v47;
	v48 =	vmul.f32 v48, v48;
	[tilespmem:$0x1FEB0] =	vst v0  }
0x179: {  	v0 =	vld [tilespmem:s18+$0x5440];
	[tilespmem:$0x1FEC0] =	vst v1;
	v1 =	vmul.f32 v3, v3;
	v3 =	vmul.f32 v8, v8  }
0x17a: {  	v7 =	vld [tilespmem:s18+$0x4800];
	v47 =	vmul.f32 v49, v49;
	v50 =	vmul.f32 v50, v50  }
0x17b: {  	v55 =	vld [tilespmem:s18+$0x4440];
	v49 =	vmul.f32 v51, v51;
	[tilespmem:$0x1FF00] =	vst v3;
	v3 =	vmul.f32 v9, v9  }
0x17c: {  	v57 =	vld [tilespmem:s18+$0x4450];
	v52 =	vmul.f32 v52, v52;
	v2 =	vmul.f32 v5, v5  }
0x17d: {  	v60 =	vld [tilespmem:s18+$0x4400];
	v51 =	vmul.f32 v53, v53;
	[tilespmem:$0x1FF10] =	vst v3;
	v3 =	vmul.f32 v10, v10  }
0x17e: {  	v62 =	vld [tilespmem:s18+$0x4040];
	[tilespmem:$0x1FEE0] =	vst v2;
	v2 =	vmul.f32 v59, v59;
	v42 =	vmul.f32 v0, v0  }
0x17f: {  	v63 =	vld [tilespmem:s18+$0x4010];
	[tilespmem:$0x1FF20] =	vst v3;
	v3 =	vmul.f32 v11, v11;
	v11 =	vmul.f32 v13, v13  }
0x180: {  	[tilespmem:$0x1FED0] =	vst v1;
	v1 =	vld [tilespmem:s18+$0x5450];
	v13 =	vmul.f32 v15, v15;
	v15 =	vmul.f32 v17, v17  }
0x181: {  	[tilespmem:$0x1FEF0] =	vst v2;
	v2 =	vld [tilespmem:s18+$0x5400];
	v17 =	vmul.f32 v19, v19;
	v19 =	vmul.f32 v21, v21  }
0x182: {  	v21 =	vmul.f32 v23, v23;
	v23 =	vmul.f32 v25, v25;
	[tilespmem:$0x1FF30] =	vst v3;
	v3 =	vld [tilespmem:s18+$0x4810]  }
0x183: {  	v59 =	vld [tilespmem:s18+$0x4410];
	v25 =	vmul.f32 v27, v27;
	v27 =	vmul.f32 v29, v29  }
0x184: {  	v0 =	vld [tilespmem:s18+$0x4050];
	v29 =	vmul.f32 v31, v31;
	v31 =	vmul.f32 v33, v33  }
0x185: {  	v33 =	vmul.f32 v35, v35;
	v35 =	vmul.f32 v61, v61;
	v61 =	vld [tilespmem:s18+$0x4000]  }
0x186: {  	v54 =	vmul.f32 v54, v54;
	v41 =	vmul.f32 v1, v1;
	v1 =	vld [tilespmem:s18+$0x4020]  }
0x187: {  	v44 =	vmul.f32 v2, v2;
	v2 =	vld [tilespmem:s18+$0x4060];
	v56 =	vmul.f32 v3, v3;
	v3 =	vmov s15  }
0x188: {  	s19 =	simm.s32 $0x200;
	v53 =	vmul.f32 v6, v6;
	v58 =	vmul.f32 v7, v7;
	[tilespmem:$0x1FF40] =	vst v3;
	v3 =	vld [tilespmem:s18+$0x4030]  }
.LBB2_5:
0x189: {  	v4 =	vld [tilespmem:s18+$0x4070];
	v55 =	vmul.f32 v55, v55;
	v57 =	vmul.f32 v57, v57  }
0x18a: {  	v5 =	vld [tilespmem:s18+$0x4420];
	v60 =	vmul.f32 v60, v60;
	v59 =	vmul.f32 v59, v59  }
0x18b: {  	v6 =	vld [tilespmem:s18+$0x4430];
	v61 =	vmul.f32 v61, v61;
	v62 =	vmul.f32 v62, v62  }
0x18c: {  	v7 =	vld [tilespmem:s18+$0x4460];
	v63 =	vmul.f32 v63, v63;
	v0 =	vmul.f32 v0, v0  }
0x18d: {  	v8 =	vld [tilespmem:s18+$0x4470];
	v1 =	vmul.f32 v1, v1;
	v2 =	vmul.f32 v2, v2  }
0x18e: {  	v9 =	vld [tilespmem:s18+$0x4820];
	v3 =	vmul.f32 v3, v3;
	v4 =	vmul.f32 v4, v4  }
0x18f: {  	v5 =	vmul.f32 v5, v5;
	v61 =	vadd.f32 v62, v61;
	v0 =	vadd.f32 v0, v63;
	v62 =	vld [tilespmem:s18+$0x4830]  }
0x190: {  	v1 =	vadd.f32 v2, v1;
	v2 =	vadd.f32 v4, v3;
	v3 =	vmul.f32 v6, v6;
	v4 =	vld [tilespmem:s18+$0x4860]  }
0x191: {  	v7 =	vmul.f32 v7, v7;
	v63 =	vld [tilespmem:s18+$0x4870];
	v61 =	vadd.f32 v60, v61;
	v0 =	vadd.f32 v59, v0  }
0x192: {  	v1 =	vadd.f32 v5, v1;
	v5 =	vld [tilespmem:s18+$0x4C20];
	v2 =	vadd.f32 v3, v2;
	v3 =	vmul.f32 v8, v8  }
0x193: {  	v8 =	vmul.f32 v9, v9;
	v9 =	vld [tilespmem:s18+$0x4C30];
	v6 =	vadd.f32 v55, v61;
	v0 =	vadd.f32 v57, v0  }
0x194: {  	v1 =	vadd.f32 v7, v1;
	v57 =	vld [tilespmem:s18+$0x4C60];
	v2 =	vadd.f32 v3, v2;
	v3 =	vmul.f32 v62, v62  }
0x195: {  	v6 =	vadd.f32 v58, v6;
	v0 =	vadd.f32 v56, v0;
	v4 =	vmul.f32 v4, v4;
	v58 =	vld [tilespmem:s18+$0x4C70]  }
0x196: {  	v1 =	vadd.f32 v8, v1;
	v8 =	vld [tilespmem:s18+$0x5020];
	v2 =	vadd.f32 v3, v2;
	v3 =	vmul.f32 v63, v63  }
0x197: {  	v60 =	vld [tilespmem:s18+$0x5030];
	v5 =	vmul.f32 v5, v5;
	v0 =	vadd.f32 v53, v0  }
0x198: {  	v1 =	vadd.f32 v4, v1;
	v4 =	vld [tilespmem:s18+$0x5060];
	v2 =	vadd.f32 v3, v2;
	v3 =	vmul.f32 v9, v9  }
0x199: {  	v6 =	vadd.f32 v54, v6;
	v7 =	vmul.f32 v57, v57;
	v9 =	vld [tilespmem:s18+$0x5070];
	v0 =	vadd.f32 v51, v0  }
0x19a: {  	v1 =	vadd.f32 v5, v1;
	v5 =	vld [tilespmem:s18+$0x5420];
	v2 =	vadd.f32 v3, v2;
	v3 =	vmul.f32 v58, v58  }
0x19b: {  	v61 =	vld [tilespmem:s18+$0x5430];
	v6 =	vadd.f32 v52, v6;
	v8 =	vmul.f32 v8, v8;
	v0 =	vadd.f32 v49, v0  }
0x19c: {  	v62 =	vld [tilespmem:s18+$0x5460];
	v1 =	vadd.f32 v7, v1;
	v2 =	vadd.f32 v3, v2;
	v3 =	vmul.f32 v60, v60  }
0x19d: {  	v63 =	vld [tilespmem:s18+$0x5470];
	v6 =	vadd.f32 v50, v6;
	v4 =	vmul.f32 v4, v4;
	v0 =	vadd.f32 v47, v0  }
0x19e: {  	v1 =	vadd.f32 v8, v1;
	v8 =	vld [tilespmem:s18+$0x5820];
	v2 =	vadd.f32 v3, v2;
	v3 =	vmul.f32 v9, v9  }
0x19f: {  	v6 =	vadd.f32 v48, v6;
	v5 =	vmul.f32 v5, v5;
	v9 =	vld [tilespmem:s18+$0x5830];
	v0 =	vadd.f32 v45, v0  }
0x1a0: {  	v1 =	vadd.f32 v4, v1;
	v4 =	vld [tilespmem:s18+$0x5860];
	v2 =	vadd.f32 v3, v2;
	v3 =	vmul.f32 v61, v61  }
0x1a1: {  	v7 =	vmul.f32 v62, v62;
	v6 =	vadd.f32 v46, v6;
	v46 =	vld [tilespmem:s18+$0x5870];
	v0 =	vadd.f32 v43, v0  }
0x1a2: {  	v1 =	vadd.f32 v5, v1;
	v5 =	vld [tilespmem:s18+$0x5C20];
	v2 =	vadd.f32 v3, v2;
	v3 =	vmul.f32 v63, v63  }
0x1a3: {  	v48 =	vld [tilespmem:s18+$0x5C30];
	v8 =	vmul.f32 v8, v8;
	v0 =	vadd.f32 v41, v0  }
0x1a4: {  	v49 =	vld [tilespmem:s18+$0x5C60];
	v1 =	vadd.f32 v7, v1;
	v2 =	vadd.f32 v3, v2;
	v3 =	vmul.f32 v9, v9  }
0x1a5: {  	v6 =	vadd.f32 v44, v6;
	v4 =	vmul.f32 v4, v4;
	v9 =	vld [tilespmem:s18+$0x5C70];
	v0 =	vadd.f32 v39, v0  }
0x1a6: {  	v1 =	vadd.f32 v8, v1;
	v8 =	vld [tilespmem:s18+$0x6020];
	v2 =	vadd.f32 v3, v2;
	v3 =	vmul.f32 v46, v46  }
0x1a7: {  	v50 =	vld [tilespmem:s18+$0x6030];
	v6 =	vadd.f32 v42, v6;
	v5 =	vmul.f32 v5, v5;
	v0 =	vadd.f32 v37, v0  }
0x1a8: {  	v1 =	vadd.f32 v4, v1;
	v4 =	vld [tilespmem:s18+$0x6060];
	v2 =	vadd.f32 v3, v2;
	v3 =	vmul.f32 v48, v48  }
0x1a9: {  	v51 =	vld [tilespmem:s18+$0x6070];
	v7 =	vmul.f32 v49, v49;
	v6 =	vadd.f32 v40, v6;
	v0 =	vadd.f32 v35, v0  }
0x1aa: {  	v1 =	vadd.f32 v5, v1;
	v5 =	vld [tilespmem:s18+$0x6420];
	v2 =	vadd.f32 v3, v2;
	v3 =	vmul.f32 v9, v9  }
0x1ab: {  	v6 =	vadd.f32 v38, v6;
	v8 =	vmul.f32 v8, v8;
	v9 =	vld [tilespmem:s18+$0x6430];
	v0 =	vadd.f32 v33, v0  }
0x1ac: {  	v52 =	vld [tilespmem:s18+$0x6460];
	v1 =	vadd.f32 v7, v1;
	v2 =	vadd.f32 v3, v2;
	v3 =	vmul.f32 v50, v50  }
0x1ad: {  	v6 =	vadd.f32 v36, v6;
	v4 =	vmul.f32 v4, v4;
	v0 =	vadd.f32 v31, v0;
	v31 =	vld [tilespmem:s18+$0x6470]  }
0x1ae: {  	v1 =	vadd.f32 v8, v1;
	v8 =	vld [tilespmem:s18+$0x6820];
	v2 =	vadd.f32 v3, v2;
	v3 =	vmul.f32 v51, v51  }
0x1af: {  	v6 =	vadd.f32 v34, v6;
	v5 =	vmul.f32 v5, v5;
	v0 =	vadd.f32 v29, v0;
	v29 =	vld [tilespmem:s18+$0x6830]  }
0x1b0: {  	v1 =	vadd.f32 v4, v1;
	v4 =	vld [tilespmem:s18+$0x6860];
	v2 =	vadd.f32 v3, v2;
	v3 =	vmul.f32 v9, v9  }
0x1b1: {  	v7 =	vmul.f32 v52, v52;
	v6 =	vadd.f32 v32, v6;
	v9 =	vld [tilespmem:s18+$0x6870];
	v0 =	vadd.f32 v27, v0  }
0x1b2: {  	v1 =	vadd.f32 v5, v1;
	v5 =	vld [tilespmem:s18+$0x6C20];
	v2 =	vadd.f32 v3, v2;
	v3 =	vmul.f32 v31, v31  }
0x1b3: {  	v6 =	vadd.f32 v30, v6;
	v8 =	vmul.f32 v8, v8;
	v0 =	vadd.f32 v25, v0;
	v25 =	vld [tilespmem:s18+$0x6C30]  }
0x1b4: {  	v53 =	vld [tilespmem:s18+$0x6C60];
	v1 =	vadd.f32 v7, v1;
	v2 =	vadd.f32 v3, v2;
	v3 =	vmul.f32 v29, v29  }
0x1b5: {  	v6 =	vadd.f32 v28, v6;
	v4 =	vmul.f32 v4, v4;
	v0 =	vadd.f32 v23, v0;
	v23 =	vld [tilespmem:s18+$0x6C70]  }
0x1b6: {  	v1 =	vadd.f32 v8, v1;
	v8 =	vld [tilespmem:s18+$0x7020];
	v2 =	vadd.f32 v3, v2;
	v3 =	vmul.f32 v9, v9  }
0x1b7: {  	v6 =	vadd.f32 v26, v6;
	v5 =	vmul.f32 v5, v5;
	v9 =	vld [tilespmem:s18+$0x7030];
	v0 =	vadd.f32 v21, v0  }
0x1b8: {  	v1 =	vadd.f32 v4, v1;
	v4 =	vld [tilespmem:s18+$0x7060];
	v2 =	vadd.f32 v3, v2;
	v3 =	vmul.f32 v25, v25  }
0x1b9: {  	v7 =	vmul.f32 v53, v53;
	v6 =	vadd.f32 v24, v6;
	v0 =	vadd.f32 v19, v0;
	v19 =	vld [tilespmem:s18+$0x7070]  }
0x1ba: {  	v1 =	vadd.f32 v5, v1;
	v5 =	vld [tilespmem:s18+$0x7420];
	v2 =	vadd.f32 v3, v2;
	v3 =	vmul.f32 v23, v23  }
0x1bb: {  	v6 =	vadd.f32 v22, v6;
	v8 =	vmul.f32 v8, v8;
	v0 =	vadd.f32 v17, v0;
	v17 =	vld [tilespmem:s18+$0x7430]  }
0x1bc: {  	v54 =	vld [tilespmem:s18+$0x7460];
	v1 =	vadd.f32 v7, v1;
	v2 =	vadd.f32 v3, v2;
	v3 =	vmul.f32 v9, v9  }
0x1bd: {  	v6 =	vadd.f32 v20, v6;
	v4 =	vmul.f32 v4, v4;
	v9 =	vld [tilespmem:s18+$0x7470]  }
0x1be: {  	v10 =	vld [tilespmem:$0x1FF00];
	v1 =	vadd.f32 v8, v1;
	v2 =	vadd.f32 v3, v2;
	v3 =	vmul.f32 v19, v19  }
0x1bf: {  	v6 =	vadd.f32 v18, v6;
	v8 =	vld [tilespmem:s18+$0x7820];
	v5 =	vmul.f32 v5, v5  }
0x1c0: {  	v55 =	vld [tilespmem:s18+$0x7C60];
	v1 =	vadd.f32 v4, v1;
	v2 =	vadd.f32 v3, v2;
	v3 =	vmul.f32 v17, v17  }
0x1c1: {  	v7 =	vmul.f32 v54, v54;
	v6 =	vadd.f32 v16, v6;
	v0 =	vadd.f32 v15, v0;
	v4 =	vld [tilespmem:s18+$0x7860]  }
0x1c2: {  	v1 =	vadd.f32 v5, v1;
	v2 =	vadd.f32 v3, v2;
	v3 =	vmul.f32 v9, v9;
	v9 =	vld [tilespmem:$0x1FF20]  }
0x1c3: {  	v6 =	vadd.f32 v14, v6;
	v0 =	vadd.f32 v13, v0;
	v5 =	vld [tilespmem:s18+$0x7C20]  }
0x1c4: {  	v13 =	vld [tilespmem:s18+$0x7830];
	v8 =	vmul.f32 v8, v8;
	v1 =	vadd.f32 v7, v1  }
0x1c5: {  	v6 =	vadd.f32 v12, v6;
	v0 =	vadd.f32 v11, v0;
	v11 =	vld [tilespmem:s18+$0x7870]  }
0x1c6: {  	v4 =	vmul.f32 v4, v4;
	v1 =	vadd.f32 v8, v1;
	v8 =	vld [tilespmem:$0x1FEE0]  }
0x1c7: {  	v6 =	vadd.f32 v9, v6;
	v9 =	vld [tilespmem:$0x1FF30]  }
0x1c8: {  	v5 =	vmul.f32 v5, v5;
	v1 =	vadd.f32 v4, v1;
	v4 =	vld [tilespmem:$0x1FEC0]  }
0x1c9: {  	v6 =	vadd.f32 v10, v6;
	v10 =	vld [tilespmem:$0x1FF10]  }
0x1ca: {  	v1 =	vadd.f32 v5, v1;
	v5 =	vld [tilespmem:$0x1FEA0]  }
0x1cb: {  	v6 =	vadd.f32 v8, v6;
	v8 =	vld [tilespmem:$0x1FEF0]  }
0x1cc: {  	v0 =	vadd.f32 v9, v0;
	v9 =	vld [tilespmem:s18+$0x7C30]  }
0x1cd: {  	v56 =	vld [tilespmem:$0x1FED0];
	v2 =	vadd.f32 v3, v2;
	v3 =	vmul.f32 v13, v13  }
0x1ce: {  	v4 =	vadd.f32 v4, v6;
	v0 =	vadd.f32 v10, v0;
	v10 =	vld [tilespmem:s18+$0x7C70]  }
0x1cf: {  	v2 =	vadd.f32 v3, v2;
	v3 =	vmul.f32 v11, v11  }
0x1d0: {  	v4 =	vadd.f32 v5, v4;
	v5 =	vld [tilespmem:$0x1FEB0]  }
0x1d1: {  	v2 =	vadd.f32 v3, v2;
	v0 =	vadd.f32 v8, v0;
	v3 =	vmul.f32 v9, v9  }
0x1d2: {  	v57 =	vmul.f32 v55, v55  }
0x1d3: {  	v0 =	vadd.f32 v56, v0;
	v2 =	vadd.f32 v3, v2;
	v3 =	vmul.f32 v10, v10  }
0x1d4: {  	v1 =	vadd.f32 v57, v1  }
0x1d5: {  	v0 =	vadd.f32 v5, v0;
	v2 =	vadd.f32 v3, v2;
	_ =	sdelay $0x1  }
0x1d6: {  	v0 =	vadd.f32 v0, v4;
	v1 =	vadd.f32 v2, v1;
	_ =	sdelay $0x1  }
0x1d7: {  	v0 =	vadd.f32 v1, v0;
	v1 =	vld [tilespmem:$0x1FF40];
	_ =	sdelay $0x7  }
0x1d8: {  	[tilespmem:v1+s18+$0x0 ss:$0x1] =	vst.idx.msk $0xffff, v0;
	s18 =	sshra.s32 s19, $0x2  }
0x1d9: {  	v0 =	vld [tilespmem:s18+$0x7C40]  }
0x1da: {  	v1 =	vld [tilespmem:s18+$0x7C50]  }
0x1db: {  	v2 =	vld [tilespmem:s18+$0x7C00]  }
0x1dc: {  	v3 =	vld [tilespmem:s18+$0x7C10]  }
0x1dd: {  	v4 =	vld [tilespmem:s18+$0x7840]  }
0x1de: {  	v5 =	vld [tilespmem:s18+$0x7850]  }
0x1df: {  	v58 =	vld [tilespmem:s18+$0x7800]  }
0x1e0: {  	v59 =	vld [tilespmem:s18+$0x7810]  }
0x1e1: {  	v8 =	vld [tilespmem:s18+$0x7440]  }
0x1e2: {  	v9 =	vld [tilespmem:s18+$0x7450]  }
0x1e3: {  	v11 =	vld [tilespmem:s18+$0x7400]  }
0x1e4: {  	v13 =	vld [tilespmem:s18+$0x7410]  }
0x1e5: {  	v14 =	vld [tilespmem:s18+$0x7040]  }
0x1e6: {  	v15 =	vld [tilespmem:s18+$0x7050]  }
0x1e7: {  	v16 =	vld [tilespmem:s18+$0x7000]  }
0x1e8: {  	v17 =	vld [tilespmem:s18+$0x7010]  }
0x1e9: {  	v18 =	vld [tilespmem:s18+$0x6C40]  }
0x1ea: {  	v19 =	vld [tilespmem:s18+$0x6C50]  }
0x1eb: {  	v20 =	vld [tilespmem:s18+$0x6C00]  }
0x1ec: {  	v21 =	vld [tilespmem:s18+$0x6C10]  }
0x1ed: {  	v22 =	vld [tilespmem:s18+$0x6840]  }
0x1ee: {  	v23 =	vld [tilespmem:s18+$0x6850]  }
0x1ef: {  	v24 =	vld [tilespmem:s18+$0x6800]  }
0x1f0: {  	v25 =	vld [tilespmem:s18+$0x6810]  }
0x1f1: {  	v26 =	vld [tilespmem:s18+$0x6440]  }
0x1f2: {  	v27 =	vld [tilespmem:s18+$0x6450]  }
0x1f3: {  	v28 =	vld [tilespmem:s18+$0x6400]  }
0x1f4: {  	v29 =	vld [tilespmem:s18+$0x6410]  }
0x1f5: {  	v30 =	vld [tilespmem:s18+$0x6040]  }
0x1f6: {  	v31 =	vld [tilespmem:s18+$0x6050]  }
0x1f7: {  	v32 =	vld [tilespmem:s18+$0x6000]  }
0x1f8: {  	v33 =	vld [tilespmem:s18+$0x6010]  }
0x1f9: {  	v60 =	vld [tilespmem:s18+$0x5C40]  }
0x1fa: {  	v61 =	vld [tilespmem:s18+$0x5C50]  }
0x1fb: {  	v62 =	vld [tilespmem:s18+$0x5C00]  }
0x1fc: {  	v63 =	vld [tilespmem:s18+$0x5C10]  }
0x1fd: {  	v44 =	vld [tilespmem:s18+$0x5840]  }
0x1fe: {  	v45 =	vld [tilespmem:s18+$0x5850]  }
0x1ff: {  	v46 =	vld [tilespmem:s18+$0x5800]  }
0x200: {  	v47 =	vld [tilespmem:s18+$0x5810];
	v0 =	vmul.f32 v0, v0;
	v12 =	vmul.f32 v11, v11  }
0x201: {  	v6 =	vld [tilespmem:s18+$0x5000];
	v11 =	vmul.f32 v13, v13;
	v14 =	vmul.f32 v14, v14  }
0x202: {  	v7 =	vld [tilespmem:s18+$0x5010];
	v13 =	vmul.f32 v15, v15;
	v16 =	vmul.f32 v16, v16  }
0x203: {  	v51 =	vld [tilespmem:s18+$0x4C00];
	v15 =	vmul.f32 v17, v17;
	v18 =	vmul.f32 v18, v18  }
0x204: {  	v53 =	vld [tilespmem:s18+$0x4C10];
	v17 =	vmul.f32 v19, v19;
	v20 =	vmul.f32 v20, v20  }
0x205: {  	v54 =	vld [tilespmem:s18+$0x4840];
	v19 =	vmul.f32 v21, v21;
	v22 =	vmul.f32 v22, v22  }
0x206: {  	v56 =	vld [tilespmem:s18+$0x4850];
	v21 =	vmul.f32 v23, v23;
	v24 =	vmul.f32 v24, v24  }
0x207: {  	v10 =	vld [tilespmem:s18+$0x4810];
	v23 =	vmul.f32 v25, v25;
	v26 =	vmul.f32 v26, v26  }
0x208: {  	v55 =	vld [tilespmem:s18+$0x4440];
	v25 =	vmul.f32 v27, v27;
	v28 =	vmul.f32 v28, v28  }
0x209: {  	v57 =	vld [tilespmem:s18+$0x4450];
	v27 =	vmul.f32 v29, v29;
	v30 =	vmul.f32 v30, v30  }
0x20a: {  	v29 =	vmul.f32 v31, v31;
	v34 =	vmul.f32 v60, v60;
	v60 =	vld [tilespmem:s18+$0x4400]  }
0x20b: {  	v31 =	vmul.f32 v33, v33;
	v33 =	vmul.f32 v61, v61;
	v61 =	vld [tilespmem:s18+$0x4000]  }
0x20c: {  	v36 =	vmul.f32 v62, v62;
	v62 =	vld [tilespmem:s18+$0x4040];
	[tilespmem:$0x1FEA0] =	vst v0;
	v0 =	vmul.f32 v1, v1  }
0x20d: {  	v35 =	vmul.f32 v63, v63;
	v63 =	vld [tilespmem:s18+$0x4010];
	v1 =	vmul.f32 v2, v2  }
0x20e: {  	v2 =	vmul.f32 v4, v4;
	v4 =	vmul.f32 v8, v8;
	v8 =	vld [tilespmem:s18+$0x4C40];
	[tilespmem:$0x1FEB0] =	vst v0  }
0x20f: {  	v32 =	vmul.f32 v32, v32;
	v38 =	vmul.f32 v44, v44;
	v0 =	vld [tilespmem:s18+$0x5440];
	[tilespmem:$0x1FEC0] =	vst v1  }
0x210: {  	v1 =	vmul.f32 v3, v3;
	[tilespmem:$0x1FEE0] =	vst v2;
	v2 =	vmul.f32 v5, v5;
	v5 =	vld [tilespmem:s18+$0x5050]  }
0x211: {  	v37 =	vmul.f32 v45, v45;
	[tilespmem:$0x1FF20] =	vst v4;
	v4 =	vmul.f32 v9, v9;
	v9 =	vld [tilespmem:s18+$0x4C50]  }
0x212: {  	v40 =	vmul.f32 v46, v46;
	v3 =	vmul.f32 v58, v58;
	v58 =	vld [tilespmem:s18+$0x4800];
	[tilespmem:$0x1FED0] =	vst v1  }
0x213: {  	v39 =	vmul.f32 v47, v47;
	v48 =	vmul.f32 v6, v6;
	v1 =	vld [tilespmem:s18+$0x5450];
	[tilespmem:$0x1FEF0] =	vst v2  }
0x214: {  	v47 =	vmul.f32 v7, v7;
	v2 =	vld [tilespmem:s18+$0x5400];
	[tilespmem:$0x1FF00] =	vst v3;
	v3 =	vmul.f32 v59, v59  }
0x215: {  	v52 =	vmul.f32 v51, v51;
	v51 =	vmul.f32 v53, v53;
	[tilespmem:$0x1FF30] =	vst v4;
	v4 =	vld [tilespmem:s18+$0x5040]  }
0x216: {  	p0 =	sne.s32 s19, $0xE00;
	v54 =	vmul.f32 v54, v54;
	v53 =	vmul.f32 v56, v56;
	[tilespmem:$0x1FF10] =	vst v3;
	v3 =	vld [tilespmem:s18+$0x5410]  }
.Ltmp1:
0x217: {  	v56 =	vmul.f32 v10, v10;
	v59 =	vld [tilespmem:s18+$0x4410];
	v50 =	vmul.f32 v8, v8;
	(pc) =	sbr.rel @p0 .LBB2_5-.Ltmp1, $4  }
0x218: {  	v42 =	vmul.f32 v0, v0;
	v45 =	vmul.f32 v5, v5;
	v0 =	vld [tilespmem:s18+$0x4050]  }
0x219: {  	v49 =	vmul.f32 v9, v9;
	v41 =	vmul.f32 v1, v1;
	v1 =	vld [tilespmem:s18+$0x4020]  }
0x21a: {  	v58 =	vmul.f32 v58, v58;
	v44 =	vmul.f32 v2, v2;
	v2 =	vld [tilespmem:s18+$0x4060]  }
0x21b: {  	s19 =	sadd.s32 $0x200, s19;
	v46 =	vmul.f32 v4, v4;
	v43 =	vmul.f32 v3, v3;
	v3 =	vld [tilespmem:s18+$0x4030]  }
0x21c: {  	v4 =	vld [tilespmem:s18+$0x4070]  }
0x21d: {  	v5 =	vmul.f32 v60, v60;
	v10 =	vld [tilespmem:s18+$0x4430]  }
0x21e: {  	v6 =	vmul.f32 v61, v61;
	v7 =	vmul.f32 v62, v62;
	v8 =	vld [tilespmem:s18+$0x4420]  }
0x21f: {  	v9 =	vmul.f32 v63, v63;
	v60 =	vld [tilespmem:s18+$0x4460];
	v0 =	vmul.f32 v0, v0  }
0x220: {  	v61 =	vmul.f32 v59, v59;
	v6 =	vadd.f32 v7, v6;
	v7 =	vld [tilespmem:s18+$0x4470]  }
0x221: {  	v1 =	vmul.f32 v1, v1;
	v2 =	vmul.f32 v2, v2;
	v0 =	vadd.f32 v0, v9;
	v9 =	vld [tilespmem:s18+$0x4820]  }
0x222: {  	v3 =	vmul.f32 v3, v3;
	v63 =	vmul.f32 v10, v10;
	v10 =	vld [tilespmem:s18+$0x4860]  }
0x223: {  	v4 =	vmul.f32 v4, v4;
	v0 =	vadd.f32 v61, v0;
	v61 =	vmul.f32 v57, v57;
	v57 =	vld [tilespmem:s18+$0x4870]  }
0x224: {  	v1 =	vadd.f32 v2, v1;
	v62 =	vmul.f32 v8, v8;
	v2 =	vmul.f32 v55, v55;
	v55 =	vld [tilespmem:s18+$0x4C70]  }
0x225: {  	v3 =	vadd.f32 v4, v3;
	v4 =	vadd.f32 v5, v6;
	v6 =	vld [tilespmem:s18+$0x4830]  }
0x226: {  	v1 =	vadd.f32 v62, v1;
	v62 =	vmul.f32 v60, v60;
	v60 =	vld [tilespmem:s18+$0x4C30]  }
0x227: {  	v0 =	vadd.f32 v61, v0;
	v3 =	vadd.f32 v63, v3;
	v63 =	vmul.f32 v7, v7;
	v7 =	vld [tilespmem:s18+$0x4C20]  }
0x228: {  	v59 =	vmul.f32 v9, v9;
	v2 =	vadd.f32 v2, v4;
	v1 =	vadd.f32 v62, v1;
	v62 =	vld [tilespmem:s18+$0x4C60]  }
0x229: {  	v0 =	vadd.f32 v56, v0;
	v56 =	vmul.f32 v57, v57;
	v57 =	vld [tilespmem:s18+$0x5020];
	v3 =	vadd.f32 v63, v3  }
0x22a: {  	v2 =	vadd.f32 v58, v2;
	v1 =	vadd.f32 v59, v1;
	v63 =	vmul.f32 v10, v10;
	v58 =	vld [tilespmem:s18+$0x5030]  }
0x22b: {  	v0 =	vadd.f32 v53, v0;
	v59 =	vmul.f32 v60, v60;
	v60 =	vld [tilespmem:s18+$0x5060]  }
0x22c: {  	v1 =	vadd.f32 v63, v1;
	v63 =	vld [tilespmem:s18+$0x5420]  }
0x22d: {  	v61 =	vmul.f32 v6, v6;
	v0 =	vadd.f32 v51, v0;
	v51 =	vld [tilespmem:s18+$0x5460]  }
0x22e: {  	v2 =	vadd.f32 v54, v2;
	v54 =	vld [tilespmem:s18+$0x5820]  }
0x22f: {  	v3 =	vadd.f32 v61, v3;
	v61 =	vld [tilespmem:s18+$0x5070]  }
0x230: {  	v6 =	vmul.f32 v62, v62;
	v62 =	vmul.f32 v55, v55;
	v55 =	vld [tilespmem:s18+$0x5830]  }
0x231: {  	v0 =	vadd.f32 v49, v0;
	v49 =	vld [tilespmem:s18+$0x5430]  }
0x232: {  	v2 =	vadd.f32 v52, v2;
	v52 =	vld [tilespmem:s18+$0x5470]  }
0x233: {  	v7 =	vmul.f32 v7, v7;
	v10 =	vmul.f32 v57, v57;
	v57 =	vld [tilespmem:s18+$0x5860]  }
0x234: {  	v3 =	vadd.f32 v56, v3;
	v2 =	vadd.f32 v50, v2;
	v50 =	vmul.f32 v58, v58;
	v58 =	vld [tilespmem:s18+$0x5870]  }
0x235: {  	v8 =	vmul.f32 v60, v60;
	v60 =	vld [tilespmem:s18+$0x5C20]  }
0x236: {  	v1 =	vadd.f32 v7, v1;
	v3 =	vadd.f32 v59, v3;
	v9 =	vmul.f32 v63, v63;
	v63 =	vld [tilespmem:s18+$0x5C60]  }
0x237: {  	v0 =	vadd.f32 v47, v0;
	v5 =	vmul.f32 v51, v51;
	v51 =	vld [tilespmem:s18+$0x6460]  }
0x238: {  	v1 =	vadd.f32 v6, v1;
	v7 =	vmul.f32 v54, v54;
	v54 =	vld [tilespmem:s18+$0x6820];
	v3 =	vadd.f32 v62, v3  }
0x239: {  	v2 =	vadd.f32 v48, v2;
	v53 =	vmul.f32 v61, v61;
	v0 =	vadd.f32 v45, v0;
	v61 =	vld [tilespmem:s18+$0x5C30]  }
0x23a: {  	v45 =	vld [tilespmem:s18+$0x6060];
	v1 =	vadd.f32 v10, v1;
	v3 =	vadd.f32 v50, v3  }
0x23b: {  	v48 =	vld [tilespmem:s18+$0x6420];
	v2 =	vadd.f32 v46, v2  }
0x23c: {  	v56 =	vmul.f32 v49, v49;
	v49 =	vld [tilespmem:s18+$0x6430];
	v1 =	vadd.f32 v8, v1;
	v3 =	vadd.f32 v53, v3  }
0x23d: {  	v59 =	vmul.f32 v52, v52;
	v52 =	vld [tilespmem:s18+$0x6470];
	v0 =	vadd.f32 v43, v0;
	v2 =	vadd.f32 v44, v2  }
0x23e: {  	v62 =	vmul.f32 v55, v55;
	v55 =	vld [tilespmem:s18+$0x6830];
	v1 =	vadd.f32 v9, v1;
	v3 =	vadd.f32 v56, v3  }
0x23f: {  	v6 =	vmul.f32 v57, v57;
	v57 =	vld [tilespmem:s18+$0x6860];
	v0 =	vadd.f32 v41, v0;
	v2 =	vadd.f32 v42, v2  }
0x240: {  	v43 =	vld [tilespmem:s18+$0x6030];
	v1 =	vadd.f32 v5, v1;
	v3 =	vadd.f32 v59, v3  }
0x241: {  	v0 =	vadd.f32 v39, v0;
	v2 =	vadd.f32 v40, v2;
	v40 =	vld [tilespmem:s18+$0x5C70]  }
0x242: {  	v46 =	vld [tilespmem:s18+$0x6070];
	v41 =	vmul.f32 v58, v58;
	v1 =	vadd.f32 v7, v1;
	v3 =	vadd.f32 v62, v3  }
0x243: {  	v10 =	vmul.f32 v60, v60;
	v42 =	vld [tilespmem:s18+$0x6020];
	v0 =	vadd.f32 v37, v0;
	v2 =	vadd.f32 v38, v2  }
0x244: {  	v60 =	vld [tilespmem:s18+$0x6C20];
	v44 =	vmul.f32 v61, v61;
	v1 =	vadd.f32 v6, v1;
	v3 =	vadd.f32 v41, v3  }
0x245: {  	v8 =	vmul.f32 v63, v63;
	v58 =	vld [tilespmem:s18+$0x6870];
	v0 =	vadd.f32 v35, v0;
	v2 =	vadd.f32 v36, v2  }
0x246: {  	v63 =	vld [tilespmem:s18+$0x6C60];
	v1 =	vadd.f32 v10, v1;
	v47 =	vmul.f32 v40, v40;
	v3 =	vadd.f32 v44, v3  }
0x247: {  	v61 =	vld [tilespmem:s18+$0x6C30];
	v50 =	vmul.f32 v43, v43;
	v0 =	vadd.f32 v33, v0;
	v2 =	vadd.f32 v34, v2  }
0x248: {  	v43 =	vld [tilespmem:$0x1FF20];
	v9 =	vmul.f32 v42, v42;
	v1 =	vadd.f32 v8, v1;
	v3 =	vadd.f32 v47, v3  }
0x249: {  	v5 =	vmul.f32 v45, v45;
	v45 =	vld [tilespmem:$0x1FF30];
	v0 =	vadd.f32 v31, v0;
	v2 =	vadd.f32 v32, v2  }
0x24a: {  	v53 =	vmul.f32 v46, v46;
	v46 =	vld [tilespmem:s18+$0x7C30];
	v1 =	vadd.f32 v9, v1;
	v3 =	vadd.f32 v50, v3  }
0x24b: {  	v56 =	vmul.f32 v49, v49;
	v49 =	vld [tilespmem:s18+$0x7C60];
	v0 =	vadd.f32 v29, v0;
	v2 =	vadd.f32 v30, v2  }
0x24c: {  	v37 =	vld [tilespmem:s18+$0x7820];
	v7 =	vmul.f32 v48, v48;
	v1 =	vadd.f32 v5, v1;
	v3 =	vadd.f32 v53, v3  }
0x24d: {  	v59 =	vmul.f32 v52, v52;
	v48 =	vld [tilespmem:$0x1FF00];
	v0 =	vadd.f32 v27, v0;
	v2 =	vadd.f32 v28, v2  }
0x24e: {  	v52 =	vld [tilespmem:$0x1FEE0];
	v6 =	vmul.f32 v51, v51;
	v1 =	vadd.f32 v7, v1;
	v3 =	vadd.f32 v56, v3  }
0x24f: {  	v35 =	vld [tilespmem:s18+$0x7470];
	v62 =	vmul.f32 v55, v55;
	v0 =	vadd.f32 v25, v0;
	v2 =	vadd.f32 v26, v2  }
0x250: {  	v38 =	vld [tilespmem:s18+$0x7830];
	v10 =	vmul.f32 v54, v54;
	v1 =	vadd.f32 v6, v1;
	v3 =	vadd.f32 v59, v3  }
0x251: {  	v8 =	vmul.f32 v57, v57;
	v0 =	vadd.f32 v23, v0;
	v23 =	vld [tilespmem:s18+$0x6C70];
	v2 =	vadd.f32 v24, v2  }
0x252: {  	v25 =	vld [tilespmem:s18+$0x7020];
	v24 =	vmul.f32 v58, v58;
	v1 =	vadd.f32 v10, v1;
	v3 =	vadd.f32 v62, v3  }
0x253: {  	v9 =	vmul.f32 v60, v60;
	v26 =	vld [tilespmem:s18+$0x7030];
	v0 =	vadd.f32 v21, v0;
	v2 =	vadd.f32 v22, v2  }
0x254: {  	v29 =	vld [tilespmem:s18+$0x7070];
	v27 =	vmul.f32 v61, v61;
	v1 =	vadd.f32 v8, v1;
	v3 =	vadd.f32 v24, v3  }
0x255: {  	v5 =	vmul.f32 v63, v63;
	v28 =	vld [tilespmem:s18+$0x7060];
	v0 =	vadd.f32 v19, v0;
	v2 =	vadd.f32 v20, v2  }
0x256: {  	v32 =	vld [tilespmem:s18+$0x7430];
	v30 =	vmul.f32 v23, v23;
	v1 =	vadd.f32 v9, v1;
	v3 =	vadd.f32 v27, v3  }
0x257: {  	v31 =	vld [tilespmem:s18+$0x7420];
	v7 =	vmul.f32 v25, v25;
	v0 =	vadd.f32 v17, v0;
	v2 =	vadd.f32 v18, v2  }
0x258: {  	v51 =	vld [tilespmem:s18+$0x7C70];
	v33 =	vmul.f32 v26, v26;
	v1 =	vadd.f32 v5, v1;
	v3 =	vadd.f32 v30, v3  }
0x259: {  	v34 =	vld [tilespmem:s18+$0x7460];
	v36 =	vmul.f32 v29, v29;
	v0 =	vadd.f32 v15, v0;
	v2 =	vadd.f32 v16, v2  }
0x25a: {  	v40 =	vld [tilespmem:s18+$0x7860];
	v6 =	vmul.f32 v28, v28;
	v1 =	vadd.f32 v7, v1;
	v3 =	vadd.f32 v33, v3  }
0x25b: {  	v41 =	vld [tilespmem:s18+$0x7870];
	v39 =	vmul.f32 v32, v32;
	v0 =	vadd.f32 v13, v0;
	v2 =	vadd.f32 v14, v2  }
0x25c: {  	v50 =	vld [tilespmem:$0x1FF10];
	v10 =	vmul.f32 v31, v31;
	v1 =	vadd.f32 v6, v1;
	v3 =	vadd.f32 v36, v3  }
0x25d: {  	v54 =	vld [tilespmem:$0x1FEF0];
	v42 =	vmul.f32 v35, v35;
	v0 =	vadd.f32 v11, v0;
	v2 =	vadd.f32 v12, v2  }
0x25e: {  	v44 =	vld [tilespmem:s18+$0x7C20];
	v8 =	vmul.f32 v34, v34;
	v1 =	vadd.f32 v10, v1;
	v3 =	vadd.f32 v39, v3  }
0x25f: {  	v47 =	vmul.f32 v38, v38;
	v56 =	vld [tilespmem:$0x1FEC0];
	v0 =	vadd.f32 v45, v0;
	v2 =	vadd.f32 v43, v2  }
0x260: {  	v58 =	vld [tilespmem:$0x1FED0];
	v9 =	vmul.f32 v37, v37;
	v1 =	vadd.f32 v8, v1;
	v3 =	vadd.f32 v42, v3  }
0x261: {  	v61 =	vld [tilespmem:$0x1FEA0];
	v53 =	vmul.f32 v41, v41;
	v0 =	vadd.f32 v50, v0;
	v2 =	vadd.f32 v48, v2  }
0x262: {  	v62 =	vld [tilespmem:$0x1FEB0];
	v5 =	vmul.f32 v40, v40;
	v1 =	vadd.f32 v9, v1;
	v3 =	vadd.f32 v47, v3  }
0x263: {  	v57 =	vmul.f32 v46, v46;
	v0 =	vadd.f32 v54, v0;
	v2 =	vadd.f32 v52, v2  }
0x264: {  	v55 =	vmul.f32 v44, v44;
	v1 =	vadd.f32 v5, v1;
	v3 =	vadd.f32 v53, v3  }
0x265: {  	v60 =	vmul.f32 v51, v51;
	v0 =	vadd.f32 v58, v0;
	v2 =	vadd.f32 v56, v2  }
0x266: {  	v63 =	vld [tilespmem:$0x1FF40];
	v59 =	vmul.f32 v49, v49;
	v1 =	vadd.f32 v55, v1;
	v3 =	vadd.f32 v57, v3  }
0x267: {  	v0 =	vadd.f32 v62, v0;
	v2 =	vadd.f32 v61, v2  }
0x268: {  	s17 =	sadd.s32 $0x1, s17;
	v1 =	vadd.f32 v59, v1;
	v3 =	vadd.f32 v60, v3  }
0x269: {  	p0 =	sne.s32 s17, $0xC  }
.Ltmp2:
0x26a: {  	v0 =	vadd.f32 v0, v2;
	v1 =	vadd.f32 v3, v1;
	(pc) =	sbr.rel @p0 .LBB2_2-.Ltmp2, $3  }
0x26b: {  	_ = 	snop  }
0x26c: {  	v0 =	vadd.f32 v1, v0;
	_ =	sdelay $0x1  }
0x26d: {  	s16 =	sadd.s32 $0x800, s16;
	s15 =	sadd.s32 $0x800, s15;
	[tilespmem:v63+s18+$0x0 ss:$0x1] =	vst.idx.msk $0xffff, v0  }
0x26e: {  	s14 =	sadd.s32 $0x1, s14  }
0x26f: {  	p0 =	sne.s32 s14, s8  }
.Ltmp3:
0x270: {  	_ = 	snop;
	(pc) =	sbr.rel @p0 .LBB2_1-.Ltmp3, $4  }
0x271: {  	[hbm4b:s7+s3] =	stream.linear.scatter [tilespmem:s12], [sflag:$0x3], $0x6000, $0x38;
	[tilespmem:$0xE000] =	vst v63  }
0x272: {  	_ =	swait.ge [sflag:s13], $0x6000  }
0x273: {  	[sflag:s13] =	ssyncset.done $0x0  }
0x274: {  	[sflag:s13] =	ssyncadd.s32 $0xFFFFA000  }
0x275: {  	_ =	sfence.sel $0x180000  }
0x276: {  	[bflag:$0x0] =	sbarrier.arrive $0xFFFF  }
0x277: {  	p0 =	sne.s32 s0, $0x0;
	_ =	strace $0x90000047  }
0x278: {  	s0 =	sadd.s32 @!p0 $0x100000, s1;
	[bflag:$0x2] =	sbarrier.arrive $0xFFFF  }
0x279: {  	[sflag:s0] =	ssyncadd.tile.s32 @!p0 $0x1;
	_ =	shalt  }
.Lfunc_end2:
_tile_overlayer_lowered:
.L_overlay_start_2:
0x27a: {  	(tag) =	ssettag $0x2  }
0x27b: {  	s0 =	rddreg [dreg:$0x0];
	s2 =	stileid.u32  }
0x27c: {  	s1 =	rddreg [dreg:$0x1];
	p0 =	sne.s32 s2, $0x0  }
0x27d: {  	s3 =	rddreg [dreg:$0x2];
	[bflag:$0x3] =	sbarrier.arrive $0xFFFF;
	s2 =	simm.s32 @!p0 $0x1C03  }
0x27e: {  	[timem:s3], [sflag:s2] =	dma.local @!p0 [hbm:s0], s1  }
0x27f: {  	s0 =	simm.s32 @!p0 $0x3  }
0x280: {  	_ =	swait.ge @!p0 [sflag:s0], s1  }
0x281: {  	s1 =	ssub.s32 @!p0 $0x0, s1;
	[sflag:s0] =	ssyncset.done @!p0 $0x0  }
0x282: {  	[sflag:s0] =	ssyncadd.s32 @!p0 s1  }
0x283: {  	[bflag:$0x3] =	sbarrier.arrive $0xFFFF  }
0x284: {  	_ =	shalt  }

</sc_bundles>
